<compile_context>
chip_gen: v7x
topology: tpu7x:2x2x1
jax: 0.10.2.dev20260603
libtpu: 0.0.44.dev20260713+nightly
codegen_flags: <defaults>
</compile_context>

<pallas_src>
import functools

import jax
import jax.numpy as jnp
from jax import lax
from jax.experimental import pallas as pl
from jax.experimental.pallas import tpu as pltpu
from jax.experimental.pallas import tpu_sc as plsc

VOCAB = 1000000
MAX_LEN = 200
D = 64
EPS = 1e-5

NC = 2
NS = 16
NW = NC * NS
BATCH = 4096
NTOK = BATCH * MAX_LEN
TOK_PER_W = NTOK // NW
CH = 128
STEPS = TOK_PER_W // CH
NBUF = 4


def _shuffle(s, perm):
    return lax.gather(
        s,
        perm,
        dimension_numbers=lax.GatherDimensionNumbers(
            offset_dims=(), collapsed_slice_dims=(0,), start_index_map=(0,)
        ),
        slice_sizes=(1,),
        mode=lax.GatherScatterMode.PROMISE_IN_BOUNDS,
    )


def _xsum(s):
    lanes = lax.iota(jnp.int32, 16)
    for k in (8, 4, 2, 1):
        perm = jnp.reshape(lanes ^ k, (16, 1))
        s = s + _shuffle(s, perm)
    return s


def _rsqrt_vec(x):
    i = lax.bitcast_convert_type(x, jnp.int32)
    i = jnp.int32(0x5F3759DF) - lax.shift_right_logical(i, 1)
    y = lax.bitcast_convert_type(i, jnp.float32)
    for _ in range(3):
        y = y * (jnp.float32(1.5) - jnp.float32(0.5) * x * y * y)
    return y


def _ln_body(v):
    sq = [vk * vk for vk in v]
    mean = _xsum((v[0] + v[1]) + (v[2] + v[3])) * jnp.float32(1.0 / 64.0)
    ex2 = _xsum((sq[0] + sq[1]) + (sq[2] + sq[3])) * jnp.float32(1.0 / 64.0)
    var = ex2 - mean * mean
    rs = _rsqrt_vec(var + jnp.float32(EPS))
    return [(vk - mean) * rs for vk in v]


@functools.partial(
    pl.kernel,
    mesh=plsc.VectorSubcoreMesh(core_axis_name="c", subcore_axis_name="s"),
    compiler_params=pltpu.CompilerParams(use_tc_tiling_on_sc=False),
    out_type=jax.ShapeDtypeStruct((NTOK, D), jnp.float32),
    scratch_types=(
        [pltpu.VMEM((TOK_PER_W,), jnp.int32)]
        + [pltpu.VMEM((CH, D), jnp.float32)] * NBUF
        + [pltpu.VMEM((CH, D), jnp.float32)] * NBUF
        + [pltpu.VMEM((MAX_LEN, D), jnp.float32)]
        + [pltpu.SemaphoreType.DMA] * (2 * NBUF)
    ),
)
def _emb_body(x_hbm, tok_hbm, pos_hbm, out_hbm, idx_v, *scratch):
    in_b = scratch[0:NBUF]
    out_b = scratch[NBUF:2 * NBUF]
    pos_v = scratch[2 * NBUF]
    sem_g = scratch[2 * NBUF + 1:2 * NBUF + 1 + NBUF]
    sem_w = scratch[2 * NBUF + 1 + NBUF:2 * NBUF + 1 + 2 * NBUF]

    wid = lax.axis_index("s") * NC + lax.axis_index("c")
    base = pl.multiple_of(wid * TOK_PER_W, TOK_PER_W)
    pltpu.sync_copy(pos_hbm, pos_v)
    pltpu.sync_copy(x_hbm.at[pl.ds(base, TOK_PER_W)], idx_v)

    def gather(g, b):
        pltpu.async_copy(
            tok_hbm.at[idx_v.at[pl.ds(g * CH, CH)]], in_b[b], sem_g[b]
        )

    for b in range(NBUF):
        gather(b, b)

    @pl.loop(0, STEPS, step=NBUF)
    def outer(g0):
        for b in range(NBUF):
            g = g0 + b
            off = g * CH
            pltpu.make_async_copy(
                tok_hbm.at[idx_v.at[pl.ds(off, CH)]], in_b[b], sem_g[b]
            ).wait()
            @pl.when(g0 > 0)
            def _():
                pltpu.make_async_copy(
                    out_b[b], out_hbm.at[pl.ds(base + off - NBUF * CH, CH)],
                    sem_w[b],
                ).wait()

            s_pos = (base + off) // BATCH
            pr = [pos_v[s_pos, pl.ds(16 * k, 16)] for k in range(4)]

            @plsc.parallel_loop(0, CH, unroll=4)
            def token(r):
                v = [
                    in_b[b][r, pl.ds(16 * k, 16)] + pr[k] for k in range(4)
                ]
                o = _ln_body(v)
                for k in range(4):
                    out_b[b][r, pl.ds(16 * k, 16)] = o[k]

            @pl.when(g + NBUF < STEPS)
            def _():
                gather(g + NBUF, b)

            pltpu.async_copy(
                out_b[b], out_hbm.at[pl.ds(base + off, CH)], sem_w[b]
            )

    for b in range(NBUF):
        off = (STEPS - NBUF + b) * CH
        pltpu.make_async_copy(
            out_b[b], out_hbm.at[pl.ds(base + off, CH)], sem_w[b]
        ).wait()


def kernel(x, tok_table, pos_table):
    b, s = x.shape
    xs = x.T.reshape(-1).astype(jnp.int32)
    out = _emb_body(xs, tok_table, pos_table)
    return out.reshape(s, b, D).transpose(1, 0, 2)

# --- scband reference (transcript-rebuilt; emitter-appended) ---
"""Pipeline reference for scband-embedding-38946763440356 (READ-ONLY COPY).

The authoritative reference and input builder live on the scoring server;
editing this copy changes nothing except your own understanding.
"""

import jax, jax.numpy as jnp
import numpy as np

VOCAB = 1000000
MAX_LEN = 200
D_MODEL = 64
BATCH = 4096
SEQ = 200
EPS = 1e-5


def setup_inputs(seed: int = 0) -> dict:
    key = jax.random.key(seed)
    k1, k2, k3 = jax.random.split(key, 3)
    x = jax.random.randint(k1, (BATCH, SEQ), 0, VOCAB, dtype=jnp.int64 if jax.config.jax_enable_x64 else jnp.int32)
    tok_table = jax.random.normal(k2, (VOCAB, D_MODEL), dtype=jnp.float32)
    pos_table = jax.random.normal(k3, (MAX_LEN, D_MODEL), dtype=jnp.float32)
    return {"x": x, "tok_table": tok_table, "pos_table": pos_table}


def reference(x, tok_table, pos_table):
    seq_len = x.shape[1]
    pos = jnp.arange(seq_len, dtype=x.dtype)
    pos = jnp.broadcast_to(pos[None, :], x.shape)
    tok_emb = jnp.take(tok_table, x, axis=0)
    pos_emb = jnp.take(pos_table, pos, axis=0)
    embedding = tok_emb + pos_emb
    mean = jnp.mean(embedding, axis=-1, keepdims=True)
    var = jnp.mean(jnp.square(embedding - mean), axis=-1, keepdims=True)
    out = (embedding - mean) / jnp.sqrt(var + EPS)
    return out

if __name__ == "__main__":
    import jax
    _d = setup_inputs()
    print(jax.jit(kernel)(*tuple(_d.values())))

</pallas_src>

<mosaic_0001>
#map = affine_map<(d0, d1) -> (0)>
#map1 = affine_map<(d0, d1) -> (0, 0)>
module attributes {stable_mosaic.version = 14 : i64} {
  func.func @_emb_body(%arg0: i32, %arg1: i32, %arg2: memref<819200xi32, #tpu.memory_space<hbm>>, %arg3: memref<1000000x64xf32, #tpu.memory_space<hbm>>, %arg4: memref<200x64xf32, #tpu.memory_space<hbm>>, %arg5: memref<819200x64xf32, #tpu.memory_space<hbm>>, %arg6: memref<25600xi32, #tpu.memory_space<vmem>>, %arg7: memref<128x64xf32, #tpu.memory_space<vmem>>, %arg8: memref<128x64xf32, #tpu.memory_space<vmem>>, %arg9: memref<128x64xf32, #tpu.memory_space<vmem>>, %arg10: memref<128x64xf32, #tpu.memory_space<vmem>>, %arg11: memref<128x64xf32, #tpu.memory_space<vmem>>, %arg12: memref<128x64xf32, #tpu.memory_space<vmem>>, %arg13: memref<128x64xf32, #tpu.memory_space<vmem>>, %arg14: memref<128x64xf32, #tpu.memory_space<vmem>>, %arg15: memref<200x64xf32, #tpu.memory_space<vmem>>, %arg16: memref<!tpu.dma_semaphore, #tpu.memory_space<semaphore_mem>>, %arg17: memref<!tpu.dma_semaphore, #tpu.memory_space<semaphore_mem>>, %arg18: memref<!tpu.dma_semaphore, #tpu.memory_space<semaphore_mem>>, %arg19: memref<!tpu.dma_semaphore, #tpu.memory_space<semaphore_mem>>, %arg20: memref<!tpu.dma_semaphore, #tpu.memory_space<semaphore_mem>>, %arg21: memref<!tpu.dma_semaphore, #tpu.memory_space<semaphore_mem>>, %arg22: memref<!tpu.dma_semaphore, #tpu.memory_space<semaphore_mem>>, %arg23: memref<!tpu.dma_semaphore, #tpu.memory_space<semaphore_mem>>) attributes {dimension_semantics = [#tpu.dimension_semantics<core_parallel>, #tpu.dimension_semantics<subcore_parallel>], iteration_bounds = array<i64: 2, 16>, scalar_prefetch = 0 : i64, scratch_operands = 18 : i64, tpu.core_type = #tpu.core_type<sc_vector_subcore>, window_params = [{transform_indices = #map}, {transform_indices = #map1}, {transform_indices = #map1}, {transform_indices = #map1}]} {
    %mul3A = arith.constant 2 : i32
    %mul3A_0 = arith.muli %arg1, %mul3A : i32
    %add3A = arith.addi %mul3A_0, %arg0 : i32
    %mul3A_1 = arith.constant 25600 : i32
    %mul3A_2 = arith.muli %add3A, %mul3A_1 : i32
    %multiple_of3A = tpu.assume_multiple %mul3A_2, 25600 : i32
    "tpu.region"() ({
      %run_scoped3A = tpu.sem_alloc : memref<!tpu.dma_semaphore, #tpu.memory_space<semaphore_mem>>
      tpu.enqueue_dma source(%arg4 : memref<200x64xf32, #tpu.memory_space<hbm>>) target(%arg15 : memref<200x64xf32, #tpu.memory_space<vmem>>) target_semaphore(%run_scoped3A : memref<!tpu.dma_semaphore, #tpu.memory_space<semaphore_mem>>)
      tpu.wait_dma2 semaphore(%run_scoped3A : memref<!tpu.dma_semaphore, #tpu.memory_space<semaphore_mem>>) src(%arg4 : memref<200x64xf32, #tpu.memory_space<hbm>>) dst(%arg15 : memref<200x64xf32, #tpu.memory_space<vmem>>)
      tpu.yield
    }) : () -> ()
    "tpu.region"() ({
      %run_scoped3A = tpu.sem_alloc : memref<!tpu.dma_semaphore, #tpu.memory_space<semaphore_mem>>
      %dma_start3A_49 = tpu.memref_slice %arg2[%multiple_of3A] : memref<819200xi32, #tpu.memory_space<hbm>> -> memref<25600xi32, #tpu.memory_space<hbm>>
      %dma_start3A_50 = tpu.memref_slice %arg2[%multiple_of3A] : memref<819200xi32, #tpu.memory_space<hbm>> -> memref<25600xi32, #tpu.memory_space<hbm>>
      tpu.enqueue_dma source(%dma_start3A_50 : memref<25600xi32, #tpu.memory_space<hbm>>) target(%arg6 : memref<25600xi32, #tpu.memory_space<vmem>>) target_semaphore(%run_scoped3A : memref<!tpu.dma_semaphore, #tpu.memory_space<semaphore_mem>>)
      %dma_wait3A_51 = tpu.memref_slice %arg2[%multiple_of3A] : memref<819200xi32, #tpu.memory_space<hbm>> -> memref<25600xi32, #tpu.memory_space<hbm>>
      %dma_wait3A_52 = tpu.memref_slice %arg2[%multiple_of3A] : memref<819200xi32, #tpu.memory_space<hbm>> -> memref<25600xi32, #tpu.memory_space<hbm>>
      tpu.wait_dma2 semaphore(%run_scoped3A : memref<!tpu.dma_semaphore, #tpu.memory_space<semaphore_mem>>) src(%dma_wait3A_52 : memref<25600xi32, #tpu.memory_space<hbm>>) dst(%arg6 : memref<25600xi32, #tpu.memory_space<vmem>>)
      tpu.yield
    }) : () -> ()
    %dma_start3A = arith.constant 0 : i32
    %dma_start3A_3 = tpu.memref_slice %arg6[%dma_start3A] : memref<25600xi32, #tpu.memory_space<vmem>> -> memref<128xi32, #tpu.memory_space<vmem>>
    %dma_start3A_4 = arith.constant 0 : i32
    %dma_start3A_5 = arith.constant 0 : i32
    %dma_start3A_6 = tpu.memref_slice %arg3[%dma_start3A_4, %dma_start3A_5] : memref<1000000x64xf32, #tpu.memory_space<hbm>> -> memref<1000000x64xf32, #tpu.memory_space<hbm>>
    tpu.enqueue_indirect_dma source(%dma_start3A_6 : memref<1000000x64xf32, #tpu.memory_space<hbm>>) target(%arg7 : memref<128x64xf32, #tpu.memory_space<vmem>>) offsets(%dma_start3A_3 : memref<128xi32, #tpu.memory_space<vmem>>) semaphore(%arg16 : memref<!tpu.dma_semaphore, #tpu.memory_space<semaphore_mem>>)
    %dma_start3A_7 = arith.constant 128 : i32
    %dma_start3A_8 = tpu.memref_slice %arg6[%dma_start3A_7] : memref<25600xi32, #tpu.memory_space<vmem>> -> memref<128xi32, #tpu.memory_space<vmem>>
    %dma_start3A_9 = arith.constant 0 : i32
    %dma_start3A_10 = arith.constant 0 : i32
    %dma_start3A_11 = tpu.memref_slice %arg3[%dma_start3A_9, %dma_start3A_10] : memref<1000000x64xf32, #tpu.memory_space<hbm>> -> memref<1000000x64xf32, #tpu.memory_space<hbm>>
    tpu.enqueue_indirect_dma source(%dma_start3A_11 : memref<1000000x64xf32, #tpu.memory_space<hbm>>) target(%arg8 : memref<128x64xf32, #tpu.memory_space<vmem>>) offsets(%dma_start3A_8 : memref<128xi32, #tpu.memory_space<vmem>>) semaphore(%arg17 : memref<!tpu.dma_semaphore, #tpu.memory_space<semaphore_mem>>)
    %dma_start3A_12 = arith.constant 256 : i32
    %dma_start3A_13 = tpu.memref_slice %arg6[%dma_start3A_12] : memref<25600xi32, #tpu.memory_space<vmem>> -> memref<128xi32, #tpu.memory_space<vmem>>
    %dma_start3A_14 = arith.constant 0 : i32
    %dma_start3A_15 = arith.constant 0 : i32
    %dma_start3A_16 = tpu.memref_slice %arg3[%dma_start3A_14, %dma_start3A_15] : memref<1000000x64xf32, #tpu.memory_space<hbm>> -> memref<1000000x64xf32, #tpu.memory_space<hbm>>
    tpu.enqueue_indirect_dma source(%dma_start3A_16 : memref<1000000x64xf32, #tpu.memory_space<hbm>>) target(%arg9 : memref<128x64xf32, #tpu.memory_space<vmem>>) offsets(%dma_start3A_13 : memref<128xi32, #tpu.memory_space<vmem>>) semaphore(%arg18 : memref<!tpu.dma_semaphore, #tpu.memory_space<semaphore_mem>>)
    %dma_start3A_17 = arith.constant 384 : i32
    %dma_start3A_18 = tpu.memref_slice %arg6[%dma_start3A_17] : memref<25600xi32, #tpu.memory_space<vmem>> -> memref<128xi32, #tpu.memory_space<vmem>>
    %dma_start3A_19 = arith.constant 0 : i32
    %dma_start3A_20 = arith.constant 0 : i32
    %dma_start3A_21 = tpu.memref_slice %arg3[%dma_start3A_19, %dma_start3A_20] : memref<1000000x64xf32, #tpu.memory_space<hbm>> -> memref<1000000x64xf32, #tpu.memory_space<hbm>>
    tpu.enqueue_indirect_dma source(%dma_start3A_21 : memref<1000000x64xf32, #tpu.memory_space<hbm>>) target(%arg10 : memref<128x64xf32, #tpu.memory_space<vmem>>) offsets(%dma_start3A_18 : memref<128xi32, #tpu.memory_space<vmem>>) semaphore(%arg19 : memref<!tpu.dma_semaphore, #tpu.memory_space<semaphore_mem>>)
    %scan3A = arith.constant 0 : i32
    %scan3A_22 = arith.constant 50 : i32
    %scan3A_23 = arith.addi %scan3A, %scan3A_22 : i32
    %scan3A_24 = arith.constant 1 : i32
    scf.for %scan3A_49 = %scan3A to %scan3A_23 step %scan3A_24  : i32 {
      %mul3A_50 = arith.constant 4 : i32
      %mul3A_51 = arith.muli %scan3A_49, %mul3A_50 : i32
      %add3A_52 = arith.constant 0 : i32
      %add3A_53 = arith.addi %add3A_52, %mul3A_51 : i32
      %add3A_54 = arith.constant 0 : i32
      %add3A_55 = arith.addi %add3A_53, %add3A_54 : i32
      %mul3A_56 = arith.constant 128 : i32
      %mul3A_57 = arith.muli %add3A_55, %mul3A_56 : i32
      %dma_wait3A_58 = tpu.memref_slice %arg6[%mul3A_57] : memref<25600xi32, #tpu.memory_space<vmem>> -> memref<128xi32, #tpu.memory_space<vmem>>
      %dma_wait3A_59 = arith.constant 0 : i32
      %dma_wait3A_60 = arith.constant 0 : i32
      %dma_wait3A_61 = tpu.memref_slice %arg3[%dma_wait3A_59, %dma_wait3A_60] : memref<1000000x64xf32, #tpu.memory_space<hbm>> -> memref<1000000x64xf32, #tpu.memory_space<hbm>>
      tpu.wait_indirect_dma semaphore(%arg16 : memref<!tpu.dma_semaphore, #tpu.memory_space<semaphore_mem>>) src(%dma_wait3A_61 : memref<1000000x64xf32, #tpu.memory_space<hbm>>) dst(%arg7 : memref<128x64xf32, #tpu.memory_space<vmem>>)
      %gt3A = arith.constant 0 : i32
      %gt3A_62 = arith.cmpi sgt, %add3A_53, %gt3A : i32
      %convert_element_type3A = arith.extui %gt3A_62 : i1 to i32
      %cond3A = arith.constant 0 : i32
      %cond3A_63 = arith.cmpi ne, %convert_element_type3A, %cond3A : i32
      scf.if %cond3A_63 {
        %add3A_316 = arith.addi %multiple_of3A, %mul3A_57 : i32
        %sub3A_317 = arith.constant 512 : i32
        %sub3A_318 = arith.subi %add3A_316, %sub3A_317 : i32
        %dma_wait3A_319 = arith.constant 0 : i32
        %dma_wait3A_320 = tpu.memref_slice %arg5[%sub3A_318, %dma_wait3A_319] : memref<819200x64xf32, #tpu.memory_space<hbm>> -> memref<128x64xf32, #tpu.memory_space<hbm>>
        %dma_wait3A_321 = arith.constant 0 : i32
        %dma_wait3A_322 = tpu.memref_slice %arg5[%sub3A_318, %dma_wait3A_321] : memref<819200x64xf32, #tpu.memory_space<hbm>> -> memref<128x64xf32, #tpu.memory_space<hbm>>
        tpu.wait_dma2 semaphore(%arg20 : memref<!tpu.dma_semaphore, #tpu.memory_space<semaphore_mem>>) src(%arg11 : memref<128x64xf32, #tpu.memory_space<vmem>>) dst(%dma_wait3A_322 : memref<128x64xf32, #tpu.memory_space<hbm>>)
      } else {
      }
      %add3A_64 = arith.addi %multiple_of3A, %mul3A_57 : i32
      %jit3A = arith.constant 4096 : i32
      %div3A = arith.divsi %add3A_64, %jit3A : i32
      %sign3A = arith.constant 0 : i32
      %sign3A_65 = arith.cmpi sgt, %add3A_64, %sign3A : i32
      %sign3A_66 = arith.extui %sign3A_65 : i1 to i32
      %sign3A_67 = arith.constant 0 : i32
      %sign3A_68 = arith.cmpi slt, %add3A_64, %sign3A_67 : i32
      %sign3A_69 = arith.extui %sign3A_68 : i1 to i32
      %sign3A_70 = arith.subi %sign3A_66, %sign3A_69 : i32
      %sign3A_71 = arith.constant 0 : i32
      %sign3A_72 = arith.cmpi sgt, %jit3A, %sign3A_71 : i32
      %sign3A_73 = arith.extui %sign3A_72 : i1 to i32
      %sign3A_74 = arith.constant 0 : i32
      %sign3A_75 = arith.cmpi slt, %jit3A, %sign3A_74 : i32
      %sign3A_76 = arith.extui %sign3A_75 : i1 to i32
      %sign3A_77 = arith.subi %sign3A_73, %sign3A_76 : i32
      %ne3A = arith.cmpi ne, %sign3A_70, %sign3A_77 : i32
      %rem3A = arith.remsi %add3A_64, %jit3A : i32
      %ne3A_78 = arith.constant 0 : i32
      %ne3A_79 = arith.cmpi ne, %rem3A, %ne3A_78 : i32
      %and3A = arith.andi %ne3A, %ne3A_79 : i1
      %sub3A = arith.constant 1 : i32
      %sub3A_80 = arith.subi %div3A, %sub3A : i32
      %select_n3A = arith.select %and3A, %sub3A_80, %div3A : i32
      %get3A = arith.index_cast %select_n3A : i32 to index
      %get3A_81 = arith.constant 0 : index
      %get3A_82 = tpu.vector_load %arg15[%get3A, %get3A_81] {strides = array<i32>} : memref<200x64xf32, #tpu.memory_space<vmem>>, vector<1x16xf32>,
      %get3A_83 = vector.shape_cast %get3A_82 : vector<1x16xf32> to vector<16xf32>
      %get3A_84 = arith.index_cast %select_n3A : i32 to index
      %get3A_85 = arith.constant 16 : index
      %get3A_86 = tpu.vector_load %arg15[%get3A_84, %get3A_85] {strides = array<i32>} : memref<200x64xf32, #tpu.memory_space<vmem>>, vector<1x16xf32>,
      %get3A_87 = vector.shape_cast %get3A_86 : vector<1x16xf32> to vector<16xf32>
      %get3A_88 = arith.index_cast %select_n3A : i32 to index
      %get3A_89 = arith.constant 32 : index
      %get3A_90 = tpu.vector_load %arg15[%get3A_88, %get3A_89] {strides = array<i32>} : memref<200x64xf32, #tpu.memory_space<vmem>>, vector<1x16xf32>,
      %get3A_91 = vector.shape_cast %get3A_90 : vector<1x16xf32> to vector<16xf32>
      %get3A_92 = arith.index_cast %select_n3A : i32 to index
      %get3A_93 = arith.constant 48 : index
      %get3A_94 = tpu.vector_load %arg15[%get3A_92, %get3A_93] {strides = array<i32>} : memref<200x64xf32, #tpu.memory_space<vmem>>, vector<1x16xf32>,
      %get3A_95 = vector.shape_cast %get3A_94 : vector<1x16xf32> to vector<16xf32>
      %parallel_loop3A = arith.constant 0 : i32
      %parallel_loop3A_96 = arith.constant 128 : i32
      %parallel_loop3A_97 = arith.constant 1 : i32
      scf.for %parallel_loop3A_316 = %parallel_loop3A to %parallel_loop3A_96 step %parallel_loop3A_97  : i32 {
        %parallel_loop3A_317 = arith.index_cast %parallel_loop3A_316 : i32 to index
        %parallel_loop3A_318 = arith.constant 0 : index
        %parallel_loop3A_319 = tpu.vector_load %arg7[%parallel_loop3A_317, %parallel_loop3A_318] {strides = array<i32>} : memref<128x64xf32, #tpu.memory_space<vmem>>, vector<1x16xf32>,
        %parallel_loop3A_320 = vector.shape_cast %parallel_loop3A_319 : vector<1x16xf32> to vector<16xf32>
        %parallel_loop3A_321 = arith.addf %parallel_loop3A_320, %get3A_83 : vector<16xf32>
        %parallel_loop3A_322 = arith.index_cast %parallel_loop3A_316 : i32 to index
        %parallel_loop3A_323 = arith.constant 16 : index
        %parallel_loop3A_324 = tpu.vector_load %arg7[%parallel_loop3A_322, %parallel_loop3A_323] {strides = array<i32>} : memref<128x64xf32, #tpu.memory_space<vmem>>, vector<1x16xf32>,
        %parallel_loop3A_325 = vector.shape_cast %parallel_loop3A_324 : vector<1x16xf32> to vector<16xf32>
        %parallel_loop3A_326 = arith.addf %parallel_loop3A_325, %get3A_87 : vector<16xf32>
        %parallel_loop3A_327 = arith.index_cast %parallel_loop3A_316 : i32 to index
        %parallel_loop3A_328 = arith.constant 32 : index
        %parallel_loop3A_329 = tpu.vector_load %arg7[%parallel_loop3A_327, %parallel_loop3A_328] {strides = array<i32>} : memref<128x64xf32, #tpu.memory_space<vmem>>, vector<1x16xf32>,
        %parallel_loop3A_330 = vector.shape_cast %parallel_loop3A_329 : vector<1x16xf32> to vector<16xf32>
        %parallel_loop3A_331 = arith.addf %parallel_loop3A_330, %get3A_91 : vector<16xf32>
        %parallel_loop3A_332 = arith.index_cast %parallel_loop3A_316 : i32 to index
        %parallel_loop3A_333 = arith.constant 48 : index
        %parallel_loop3A_334 = tpu.vector_load %arg7[%parallel_loop3A_332, %parallel_loop3A_333] {strides = array<i32>} : memref<128x64xf32, #tpu.memory_space<vmem>>, vector<1x16xf32>,
        %parallel_loop3A_335 = vector.shape_cast %parallel_loop3A_334 : vector<1x16xf32> to vector<16xf32>
        %parallel_loop3A_336 = arith.addf %parallel_loop3A_335, %get3A_95 : vector<16xf32>
        %parallel_loop3A_337 = arith.mulf %parallel_loop3A_321, %parallel_loop3A_321 : vector<16xf32>
        %parallel_loop3A_338 = arith.mulf %parallel_loop3A_326, %parallel_loop3A_326 : vector<16xf32>
        %parallel_loop3A_339 = arith.mulf %parallel_loop3A_331, %parallel_loop3A_331 : vector<16xf32>
        %parallel_loop3A_340 = arith.mulf %parallel_loop3A_336, %parallel_loop3A_336 : vector<16xf32>
        %parallel_loop3A_341 = arith.addf %parallel_loop3A_321, %parallel_loop3A_326 : vector<16xf32>
        %parallel_loop3A_342 = arith.addf %parallel_loop3A_331, %parallel_loop3A_336 : vector<16xf32>
        %parallel_loop3A_343 = arith.addf %parallel_loop3A_341, %parallel_loop3A_342 : vector<16xf32>
        %parallel_loop3A_344 = tpu.iota {dimensions = array<i32: 0>} : vector<16xi32>
        %parallel_loop3A_345 = arith.constant 8 : i32
        %parallel_loop3A_346 = vector.broadcast %parallel_loop3A_345 : i32 to vector<16xi32>
        %parallel_loop3A_347 = arith.xori %parallel_loop3A_344, %parallel_loop3A_346 : vector<16xi32>
        %parallel_loop3A_348 = vector.shape_cast %parallel_loop3A_347 : vector<16xi32> to vector<16x1xi32>
        %parallel_loop3A_349 = vector.shape_cast %parallel_loop3A_348 : vector<16x1xi32> to vector<16xi32>
        %parallel_loop3A_350 = tpu.dynamic_gather %parallel_loop3A_343[%parallel_loop3A_349] in [0] : vector<16xf32>, vector<16xi32> -> vector<16xf32>
        %parallel_loop3A_351 = arith.addf %parallel_loop3A_343, %parallel_loop3A_350 : vector<16xf32>
        %parallel_loop3A_352 = arith.constant 4 : i32
        %parallel_loop3A_353 = vector.broadcast %parallel_loop3A_352 : i32 to vector<16xi32>
        %parallel_loop3A_354 = arith.xori %parallel_loop3A_344, %parallel_loop3A_353 : vector<16xi32>
        %parallel_loop3A_355 = vector.shape_cast %parallel_loop3A_354 : vector<16xi32> to vector<16x1xi32>
        %parallel_loop3A_356 = vector.shape_cast %parallel_loop3A_355 : vector<16x1xi32> to vector<16xi32>
        %parallel_loop3A_357 = tpu.dynamic_gather %parallel_loop3A_351[%parallel_loop3A_356] in [0] : vector<16xf32>, vector<16xi32> -> vector<16xf32>
        %parallel_loop3A_358 = arith.addf %parallel_loop3A_351, %parallel_loop3A_357 : vector<16xf32>
        %parallel_loop3A_359 = arith.constant 2 : i32
        %parallel_loop3A_360 = vector.broadcast %parallel_loop3A_359 : i32 to vector<16xi32>
        %parallel_loop3A_361 = arith.xori %parallel_loop3A_344, %parallel_loop3A_360 : vector<16xi32>
        %parallel_loop3A_362 = vector.shape_cast %parallel_loop3A_361 : vector<16xi32> to vector<16x1xi32>
        %parallel_loop3A_363 = vector.shape_cast %parallel_loop3A_362 : vector<16x1xi32> to vector<16xi32>
        %parallel_loop3A_364 = tpu.dynamic_gather %parallel_loop3A_358[%parallel_loop3A_363] in [0] : vector<16xf32>, vector<16xi32> -> vector<16xf32>
        %parallel_loop3A_365 = arith.addf %parallel_loop3A_358, %parallel_loop3A_364 : vector<16xf32>
        %parallel_loop3A_366 = arith.constant 1 : i32
        %parallel_loop3A_367 = vector.broadcast %parallel_loop3A_366 : i32 to vector<16xi32>
        %parallel_loop3A_368 = arith.xori %parallel_loop3A_344, %parallel_loop3A_367 : vector<16xi32>
        %parallel_loop3A_369 = vector.shape_cast %parallel_loop3A_368 : vector<16xi32> to vector<16x1xi32>
        %parallel_loop3A_370 = vector.shape_cast %parallel_loop3A_369 : vector<16x1xi32> to vector<16xi32>
        %parallel_loop3A_371 = tpu.dynamic_gather %parallel_loop3A_365[%parallel_loop3A_370] in [0] : vector<16xf32>, vector<16xi32> -> vector<16xf32>
        %parallel_loop3A_372 = arith.addf %parallel_loop3A_365, %parallel_loop3A_371 : vector<16xf32>
        %parallel_loop3A_373 = arith.constant 1.562500e-02 : f32
        %parallel_loop3A_374 = vector.broadcast %parallel_loop3A_373 : f32 to vector<16xf32>
        %parallel_loop3A_375 = arith.mulf %parallel_loop3A_372, %parallel_loop3A_374 : vector<16xf32>
        %parallel_loop3A_376 = arith.addf %parallel_loop3A_337, %parallel_loop3A_338 : vector<16xf32>
        %parallel_loop3A_377 = arith.addf %parallel_loop3A_339, %parallel_loop3A_340 : vector<16xf32>
        %parallel_loop3A_378 = arith.addf %parallel_loop3A_376, %parallel_loop3A_377 : vector<16xf32>
        %parallel_loop3A_379 = tpu.iota {dimensions = array<i32: 0>} : vector<16xi32>
        %parallel_loop3A_380 = arith.constant 8 : i32
        %parallel_loop3A_381 = vector.broadcast %parallel_loop3A_380 : i32 to vector<16xi32>
        %parallel_loop3A_382 = arith.xori %parallel_loop3A_379, %parallel_loop3A_381 : vector<16xi32>
        %parallel_loop3A_383 = vector.shape_cast %parallel_loop3A_382 : vector<16xi32> to vector<16x1xi32>
        %parallel_loop3A_384 = vector.shape_cast %parallel_loop3A_383 : vector<16x1xi32> to vector<16xi32>
        %parallel_loop3A_385 = tpu.dynamic_gather %parallel_loop3A_378[%parallel_loop3A_384] in [0] : vector<16xf32>, vector<16xi32> -> vector<16xf32>
        %parallel_loop3A_386 = arith.addf %parallel_loop3A_378, %parallel_loop3A_385 : vector<16xf32>
        %parallel_loop3A_387 = arith.constant 4 : i32
        %parallel_loop3A_388 = vector.broadcast %parallel_loop3A_387 : i32 to vector<16xi32>
        %parallel_loop3A_389 = arith.xori %parallel_loop3A_379, %parallel_loop3A_388 : vector<16xi32>
        %parallel_loop3A_390 = vector.shape_cast %parallel_loop3A_389 : vector<16xi32> to vector<16x1xi32>
        %parallel_loop3A_391 = vector.shape_cast %parallel_loop3A_390 : vector<16x1xi32> to vector<16xi32>
        %parallel_loop3A_392 = tpu.dynamic_gather %parallel_loop3A_386[%parallel_loop3A_391] in [0] : vector<16xf32>, vector<16xi32> -> vector<16xf32>
        %parallel_loop3A_393 = arith.addf %parallel_loop3A_386, %parallel_loop3A_392 : vector<16xf32>
        %parallel_loop3A_394 = arith.constant 2 : i32
        %parallel_loop3A_395 = vector.broadcast %parallel_loop3A_394 : i32 to vector<16xi32>
        %parallel_loop3A_396 = arith.xori %parallel_loop3A_379, %parallel_loop3A_395 : vector<16xi32>
        %parallel_loop3A_397 = vector.shape_cast %parallel_loop3A_396 : vector<16xi32> to vector<16x1xi32>
        %parallel_loop3A_398 = vector.shape_cast %parallel_loop3A_397 : vector<16x1xi32> to vector<16xi32>
        %parallel_loop3A_399 = tpu.dynamic_gather %parallel_loop3A_393[%parallel_loop3A_398] in [0] : vector<16xf32>, vector<16xi32> -> vector<16xf32>
        %parallel_loop3A_400 = arith.addf %parallel_loop3A_393, %parallel_loop3A_399 : vector<16xf32>
        %parallel_loop3A_401 = arith.constant 1 : i32
        %parallel_loop3A_402 = vector.broadcast %parallel_loop3A_401 : i32 to vector<16xi32>
        %parallel_loop3A_403 = arith.xori %parallel_loop3A_379, %parallel_loop3A_402 : vector<16xi32>
        %parallel_loop3A_404 = vector.shape_cast %parallel_loop3A_403 : vector<16xi32> to vector<16x1xi32>
        %parallel_loop3A_405 = vector.shape_cast %parallel_loop3A_404 : vector<16x1xi32> to vector<16xi32>
        %parallel_loop3A_406 = tpu.dynamic_gather %parallel_loop3A_400[%parallel_loop3A_405] in [0] : vector<16xf32>, vector<16xi32> -> vector<16xf32>
        %parallel_loop3A_407 = arith.addf %parallel_loop3A_400, %parallel_loop3A_406 : vector<16xf32>
        %parallel_loop3A_408 = arith.constant 1.562500e-02 : f32
        %parallel_loop3A_409 = vector.broadcast %parallel_loop3A_408 : f32 to vector<16xf32>
        %parallel_loop3A_410 = arith.mulf %parallel_loop3A_407, %parallel_loop3A_409 : vector<16xf32>
        %parallel_loop3A_411 = arith.mulf %parallel_loop3A_375, %parallel_loop3A_375 : vector<16xf32>
        %parallel_loop3A_412 = arith.subf %parallel_loop3A_410, %parallel_loop3A_411 : vector<16xf32>
        %parallel_loop3A_413 = arith.constant 9.99999974E-6 : f32
        %parallel_loop3A_414 = vector.broadcast %parallel_loop3A_413 : f32 to vector<16xf32>
        %parallel_loop3A_415 = arith.addf %parallel_loop3A_412, %parallel_loop3A_414 : vector<16xf32>
        %parallel_loop3A_416 = tpu.bitcast %parallel_loop3A_415 : vector<16xf32> -> vector<16xi32>
        %parallel_loop3A_417 = arith.constant 1 : i32
        %parallel_loop3A_418 = vector.broadcast %parallel_loop3A_417 : i32 to vector<16xi32>
        %parallel_loop3A_419 = arith.shrui %parallel_loop3A_416, %parallel_loop3A_418 : vector<16xi32>
        %parallel_loop3A_420 = arith.constant 1597463007 : i32
        %parallel_loop3A_421 = vector.broadcast %parallel_loop3A_420 : i32 to vector<16xi32>
        %parallel_loop3A_422 = arith.subi %parallel_loop3A_421, %parallel_loop3A_419 : vector<16xi32>
        %parallel_loop3A_423 = tpu.bitcast %parallel_loop3A_422 : vector<16xi32> -> vector<16xf32>
        %parallel_loop3A_424 = arith.constant 5.000000e-01 : f32
        %parallel_loop3A_425 = vector.broadcast %parallel_loop3A_424 : f32 to vector<16xf32>
        %parallel_loop3A_426 = arith.mulf %parallel_loop3A_425, %parallel_loop3A_415 : vector<16xf32>
        %parallel_loop3A_427 = arith.mulf %parallel_loop3A_426, %parallel_loop3A_423 : vector<16xf32>
        %parallel_loop3A_428 = arith.mulf %parallel_loop3A_427, %parallel_loop3A_423 : vector<16xf32>
        %parallel_loop3A_429 = arith.constant 1.500000e+00 : f32
        %parallel_loop3A_430 = vector.broadcast %parallel_loop3A_429 : f32 to vector<16xf32>
        %parallel_loop3A_431 = arith.subf %parallel_loop3A_430, %parallel_loop3A_428 : vector<16xf32>
        %parallel_loop3A_432 = arith.mulf %parallel_loop3A_423, %parallel_loop3A_431 : vector<16xf32>
        %parallel_loop3A_433 = arith.constant 5.000000e-01 : f32
        %parallel_loop3A_434 = vector.broadcast %parallel_loop3A_433 : f32 to vector<16xf32>
        %parallel_loop3A_435 = arith.mulf %parallel_loop3A_434, %parallel_loop3A_415 : vector<16xf32>
        %parallel_loop3A_436 = arith.mulf %parallel_loop3A_435, %parallel_loop3A_432 : vector<16xf32>
        %parallel_loop3A_437 = arith.mulf %parallel_loop3A_436, %parallel_loop3A_432 : vector<16xf32>
        %parallel_loop3A_438 = arith.constant 1.500000e+00 : f32
        %parallel_loop3A_439 = vector.broadcast %parallel_loop3A_438 : f32 to vector<16xf32>
        %parallel_loop3A_440 = arith.subf %parallel_loop3A_439, %parallel_loop3A_437 : vector<16xf32>
        %parallel_loop3A_441 = arith.mulf %parallel_loop3A_432, %parallel_loop3A_440 : vector<16xf32>
        %parallel_loop3A_442 = arith.constant 5.000000e-01 : f32
        %parallel_loop3A_443 = vector.broadcast %parallel_loop3A_442 : f32 to vector<16xf32>
        %parallel_loop3A_444 = arith.mulf %parallel_loop3A_443, %parallel_loop3A_415 : vector<16xf32>
        %parallel_loop3A_445 = arith.mulf %parallel_loop3A_444, %parallel_loop3A_441 : vector<16xf32>
        %parallel_loop3A_446 = arith.mulf %parallel_loop3A_445, %parallel_loop3A_441 : vector<16xf32>
        %parallel_loop3A_447 = arith.constant 1.500000e+00 : f32
        %parallel_loop3A_448 = vector.broadcast %parallel_loop3A_447 : f32 to vector<16xf32>
        %parallel_loop3A_449 = arith.subf %parallel_loop3A_448, %parallel_loop3A_446 : vector<16xf32>
        %parallel_loop3A_450 = arith.mulf %parallel_loop3A_441, %parallel_loop3A_449 : vector<16xf32>
        %parallel_loop3A_451 = arith.subf %parallel_loop3A_321, %parallel_loop3A_375 : vector<16xf32>
        %parallel_loop3A_452 = arith.mulf %parallel_loop3A_451, %parallel_loop3A_450 : vector<16xf32>
        %parallel_loop3A_453 = arith.subf %parallel_loop3A_326, %parallel_loop3A_375 : vector<16xf32>
        %parallel_loop3A_454 = arith.mulf %parallel_loop3A_453, %parallel_loop3A_450 : vector<16xf32>
        %parallel_loop3A_455 = arith.subf %parallel_loop3A_331, %parallel_loop3A_375 : vector<16xf32>
        %parallel_loop3A_456 = arith.mulf %parallel_loop3A_455, %parallel_loop3A_450 : vector<16xf32>
        %parallel_loop3A_457 = arith.subf %parallel_loop3A_336, %parallel_loop3A_375 : vector<16xf32>
        %parallel_loop3A_458 = arith.mulf %parallel_loop3A_457, %parallel_loop3A_450 : vector<16xf32>
        %parallel_loop3A_459 = arith.index_cast %parallel_loop3A_316 : i32 to index
        %parallel_loop3A_460 = arith.constant 0 : index
        %parallel_loop3A_461 = tpu.vector_load %arg11[%parallel_loop3A_459, %parallel_loop3A_460] {strides = array<i32>} : memref<128x64xf32, #tpu.memory_space<vmem>>, vector<1x16xf32>,
        %parallel_loop3A_462 = vector.shape_cast %parallel_loop3A_461 : vector<1x16xf32> to vector<16xf32>
        %parallel_loop3A_463 = vector.shape_cast %parallel_loop3A_452 : vector<16xf32> to vector<1x16xf32>
        tpu.vector_store %arg11[%parallel_loop3A_459, %parallel_loop3A_460], %parallel_loop3A_463 {strides = array<i32>} : memref<128x64xf32, #tpu.memory_space<vmem>>, vector<1x16xf32>,
        %parallel_loop3A_464 = arith.index_cast %parallel_loop3A_316 : i32 to index
        %parallel_loop3A_465 = arith.constant 16 : index
        %parallel_loop3A_466 = tpu.vector_load %arg11[%parallel_loop3A_464, %parallel_loop3A_465] {strides = array<i32>} : memref<128x64xf32, #tpu.memory_space<vmem>>, vector<1x16xf32>,
        %parallel_loop3A_467 = vector.shape_cast %parallel_loop3A_466 : vector<1x16xf32> to vector<16xf32>
        %parallel_loop3A_468 = vector.shape_cast %parallel_loop3A_454 : vector<16xf32> to vector<1x16xf32>
        tpu.vector_store %arg11[%parallel_loop3A_464, %parallel_loop3A_465], %parallel_loop3A_468 {strides = array<i32>} : memref<128x64xf32, #tpu.memory_space<vmem>>, vector<1x16xf32>,
        %parallel_loop3A_469 = arith.index_cast %parallel_loop3A_316 : i32 to index
        %parallel_loop3A_470 = arith.constant 32 : index
        %parallel_loop3A_471 = tpu.vector_load %arg11[%parallel_loop3A_469, %parallel_loop3A_470] {strides = array<i32>} : memref<128x64xf32, #tpu.memory_space<vmem>>, vector<1x16xf32>,
        %parallel_loop3A_472 = vector.shape_cast %parallel_loop3A_471 : vector<1x16xf32> to vector<16xf32>
        %parallel_loop3A_473 = vector.shape_cast %parallel_loop3A_456 : vector<16xf32> to vector<1x16xf32>
        tpu.vector_store %arg11[%parallel_loop3A_469, %parallel_loop3A_470], %parallel_loop3A_473 {strides = array<i32>} : memref<128x64xf32, #tpu.memory_space<vmem>>, vector<1x16xf32>,
        %parallel_loop3A_474 = arith.index_cast %parallel_loop3A_316 : i32 to index
        %parallel_loop3A_475 = arith.constant 48 : index
        %parallel_loop3A_476 = tpu.vector_load %arg11[%parallel_loop3A_474, %parallel_loop3A_475] {strides = array<i32>} : memref<128x64xf32, #tpu.memory_space<vmem>>, vector<1x16xf32>,
        %parallel_loop3A_477 = vector.shape_cast %parallel_loop3A_476 : vector<1x16xf32> to vector<16xf32>
        %parallel_loop3A_478 = vector.shape_cast %parallel_loop3A_458 : vector<16xf32> to vector<1x16xf32>
        tpu.vector_store %arg11[%parallel_loop3A_474, %parallel_loop3A_475], %parallel_loop3A_478 {strides = array<i32>} : memref<128x64xf32, #tpu.memory_space<vmem>>, vector<1x16xf32>,
      } {sc.loop_unroll_factor = 4 : i64, sc.parallel_access}
      %add3A_98 = arith.constant 4 : i32
      %add3A_99 = arith.addi %add3A_55, %add3A_98 : i32
      %lt3A = arith.constant 200 : i32
      %lt3A_100 = arith.cmpi slt, %add3A_99, %lt3A : i32
      %convert_element_type3A_101 = arith.extui %lt3A_100 : i1 to i32
      %cond3A_102 = arith.constant 0 : i32
      %cond3A_103 = arith.cmpi ne, %convert_element_type3A_101, %cond3A_102 : i32
      scf.if %cond3A_103 {
        %add3A_316 = arith.constant 4 : i32
        %add3A_317 = arith.addi %add3A_55, %add3A_316 : i32
        %mul3A_318 = arith.constant 128 : i32
        %mul3A_319 = arith.muli %add3A_317, %mul3A_318 : i32
        %dma_start3A_320 = tpu.memref_slice %arg6[%mul3A_319] : memref<25600xi32, #tpu.memory_space<vmem>> -> memref<128xi32, #tpu.memory_space<vmem>>
        %dma_start3A_321 = arith.constant 0 : i32
        %dma_start3A_322 = arith.constant 0 : i32
        %dma_start3A_323 = tpu.memref_slice %arg3[%dma_start3A_321, %dma_start3A_322] : memref<1000000x64xf32, #tpu.memory_space<hbm>> -> memref<1000000x64xf32, #tpu.memory_space<hbm>>
        tpu.enqueue_indirect_dma source(%dma_start3A_323 : memref<1000000x64xf32, #tpu.memory_space<hbm>>) target(%arg7 : memref<128x64xf32, #tpu.memory_space<vmem>>) offsets(%dma_start3A_320 : memref<128xi32, #tpu.memory_space<vmem>>) semaphore(%arg16 : memref<!tpu.dma_semaphore, #tpu.memory_space<semaphore_mem>>)
      } else {
      }
      %add3A_104 = arith.addi %multiple_of3A, %mul3A_57 : i32
      %dma_start3A_105 = arith.constant 0 : i32
      %dma_start3A_106 = tpu.memref_slice %arg5[%add3A_104, %dma_start3A_105] : memref<819200x64xf32, #tpu.memory_space<hbm>> -> memref<128x64xf32, #tpu.memory_space<hbm>>
      %dma_start3A_107 = arith.constant 0 : i32
      %dma_start3A_108 = tpu.memref_slice %arg5[%add3A_104, %dma_start3A_107] : memref<819200x64xf32, #tpu.memory_space<hbm>> -> memref<128x64xf32, #tpu.memory_space<hbm>>
      tpu.enqueue_dma source(%arg11 : memref<128x64xf32, #tpu.memory_space<vmem>>) target(%dma_start3A_108 : memref<128x64xf32, #tpu.memory_space<hbm>>) target_semaphore(%arg20 : memref<!tpu.dma_semaphore, #tpu.memory_space<semaphore_mem>>)
      %add3A_109 = arith.constant 1 : i32
      %add3A_110 = arith.addi %add3A_53, %add3A_109 : i32
      %mul3A_111 = arith.constant 128 : i32
      %mul3A_112 = arith.muli %add3A_110, %mul3A_111 : i32
      %dma_wait3A_113 = tpu.memref_slice %arg6[%mul3A_112] : memref<25600xi32, #tpu.memory_space<vmem>> -> memref<128xi32, #tpu.memory_space<vmem>>
      %dma_wait3A_114 = arith.constant 0 : i32
      %dma_wait3A_115 = arith.constant 0 : i32
      %dma_wait3A_116 = tpu.memref_slice %arg3[%dma_wait3A_114, %dma_wait3A_115] : memref<1000000x64xf32, #tpu.memory_space<hbm>> -> memref<1000000x64xf32, #tpu.memory_space<hbm>>
      tpu.wait_indirect_dma semaphore(%arg17 : memref<!tpu.dma_semaphore, #tpu.memory_space<semaphore_mem>>) src(%dma_wait3A_116 : memref<1000000x64xf32, #tpu.memory_space<hbm>>) dst(%arg8 : memref<128x64xf32, #tpu.memory_space<vmem>>)
      %gt3A_117 = arith.constant 0 : i32
      %gt3A_118 = arith.cmpi sgt, %add3A_53, %gt3A_117 : i32
      %convert_element_type3A_119 = arith.extui %gt3A_118 : i1 to i32
      %cond3A_120 = arith.constant 0 : i32
      %cond3A_121 = arith.cmpi ne, %convert_element_type3A_119, %cond3A_120 : i32
      scf.if %cond3A_121 {
        %add3A_316 = arith.addi %multiple_of3A, %mul3A_112 : i32
        %sub3A_317 = arith.constant 512 : i32
        %sub3A_318 = arith.subi %add3A_316, %sub3A_317 : i32
        %dma_wait3A_319 = arith.constant 0 : i32
        %dma_wait3A_320 = tpu.memref_slice %arg5[%sub3A_318, %dma_wait3A_319] : memref<819200x64xf32, #tpu.memory_space<hbm>> -> memref<128x64xf32, #tpu.memory_space<hbm>>
        %dma_wait3A_321 = arith.constant 0 : i32
        %dma_wait3A_322 = tpu.memref_slice %arg5[%sub3A_318, %dma_wait3A_321] : memref<819200x64xf32, #tpu.memory_space<hbm>> -> memref<128x64xf32, #tpu.memory_space<hbm>>
        tpu.wait_dma2 semaphore(%arg21 : memref<!tpu.dma_semaphore, #tpu.memory_space<semaphore_mem>>) src(%arg12 : memref<128x64xf32, #tpu.memory_space<vmem>>) dst(%dma_wait3A_322 : memref<128x64xf32, #tpu.memory_space<hbm>>)
      } else {
      }
      %add3A_122 = arith.addi %multiple_of3A, %mul3A_112 : i32
      %jit3A_123 = arith.constant 4096 : i32
      %div3A_124 = arith.divsi %add3A_122, %jit3A_123 : i32
      %sign3A_125 = arith.constant 0 : i32
      %sign3A_126 = arith.cmpi sgt, %add3A_122, %sign3A_125 : i32
      %sign3A_127 = arith.extui %sign3A_126 : i1 to i32
      %sign3A_128 = arith.constant 0 : i32
      %sign3A_129 = arith.cmpi slt, %add3A_122, %sign3A_128 : i32
      %sign3A_130 = arith.extui %sign3A_129 : i1 to i32
      %sign3A_131 = arith.subi %sign3A_127, %sign3A_130 : i32
      %sign3A_132 = arith.constant 0 : i32
      %sign3A_133 = arith.cmpi sgt, %jit3A_123, %sign3A_132 : i32
      %sign3A_134 = arith.extui %sign3A_133 : i1 to i32
      %sign3A_135 = arith.constant 0 : i32
      %sign3A_136 = arith.cmpi slt, %jit3A_123, %sign3A_135 : i32
      %sign3A_137 = arith.extui %sign3A_136 : i1 to i32
      %sign3A_138 = arith.subi %sign3A_134, %sign3A_137 : i32
      %ne3A_139 = arith.cmpi ne, %sign3A_131, %sign3A_138 : i32
      %rem3A_140 = arith.remsi %add3A_122, %jit3A_123 : i32
      %ne3A_141 = arith.constant 0 : i32
      %ne3A_142 = arith.cmpi ne, %rem3A_140, %ne3A_141 : i32
      %and3A_143 = arith.andi %ne3A_139, %ne3A_142 : i1
      %sub3A_144 = arith.constant 1 : i32
      %sub3A_145 = arith.subi %div3A_124, %sub3A_144 : i32
      %select_n3A_146 = arith.select %and3A_143, %sub3A_145, %div3A_124 : i32
      %get3A_147 = arith.index_cast %select_n3A_146 : i32 to index
      %get3A_148 = arith.constant 0 : index
      %get3A_149 = tpu.vector_load %arg15[%get3A_147, %get3A_148] {strides = array<i32>} : memref<200x64xf32, #tpu.memory_space<vmem>>, vector<1x16xf32>,
      %get3A_150 = vector.shape_cast %get3A_149 : vector<1x16xf32> to vector<16xf32>
      %get3A_151 = arith.index_cast %select_n3A_146 : i32 to index
      %get3A_152 = arith.constant 16 : index
      %get3A_153 = tpu.vector_load %arg15[%get3A_151, %get3A_152] {strides = array<i32>} : memref<200x64xf32, #tpu.memory_space<vmem>>, vector<1x16xf32>,
      %get3A_154 = vector.shape_cast %get3A_153 : vector<1x16xf32> to vector<16xf32>
      %get3A_155 = arith.index_cast %select_n3A_146 : i32 to index
      %get3A_156 = arith.constant 32 : index
      %get3A_157 = tpu.vector_load %arg15[%get3A_155, %get3A_156] {strides = array<i32>} : memref<200x64xf32, #tpu.memory_space<vmem>>, vector<1x16xf32>,
      %get3A_158 = vector.shape_cast %get3A_157 : vector<1x16xf32> to vector<16xf32>
      %get3A_159 = arith.index_cast %select_n3A_146 : i32 to index
      %get3A_160 = arith.constant 48 : index
      %get3A_161 = tpu.vector_load %arg15[%get3A_159, %get3A_160] {strides = array<i32>} : memref<200x64xf32, #tpu.memory_space<vmem>>, vector<1x16xf32>,
      %get3A_162 = vector.shape_cast %get3A_161 : vector<1x16xf32> to vector<16xf32>
      %parallel_loop3A_163 = arith.constant 0 : i32
      %parallel_loop3A_164 = arith.constant 128 : i32
      %parallel_loop3A_165 = arith.constant 1 : i32
      scf.for %parallel_loop3A_316 = %parallel_loop3A_163 to %parallel_loop3A_164 step %parallel_loop3A_165  : i32 {
        %parallel_loop3A_317 = arith.index_cast %parallel_loop3A_316 : i32 to index
        %parallel_loop3A_318 = arith.constant 0 : index
        %parallel_loop3A_319 = tpu.vector_load %arg8[%parallel_loop3A_317, %parallel_loop3A_318] {strides = array<i32>} : memref<128x64xf32, #tpu.memory_space<vmem>>, vector<1x16xf32>,
        %parallel_loop3A_320 = vector.shape_cast %parallel_loop3A_319 : vector<1x16xf32> to vector<16xf32>
        %parallel_loop3A_321 = arith.addf %parallel_loop3A_320, %get3A_150 : vector<16xf32>
        %parallel_loop3A_322 = arith.index_cast %parallel_loop3A_316 : i32 to index
        %parallel_loop3A_323 = arith.constant 16 : index
        %parallel_loop3A_324 = tpu.vector_load %arg8[%parallel_loop3A_322, %parallel_loop3A_323] {strides = array<i32>} : memref<128x64xf32, #tpu.memory_space<vmem>>, vector<1x16xf32>,
        %parallel_loop3A_325 = vector.shape_cast %parallel_loop3A_324 : vector<1x16xf32> to vector<16xf32>
        %parallel_loop3A_326 = arith.addf %parallel_loop3A_325, %get3A_154 : vector<16xf32>
        %parallel_loop3A_327 = arith.index_cast %parallel_loop3A_316 : i32 to index
        %parallel_loop3A_328 = arith.constant 32 : index
        %parallel_loop3A_329 = tpu.vector_load %arg8[%parallel_loop3A_327, %parallel_loop3A_328] {strides = array<i32>} : memref<128x64xf32, #tpu.memory_space<vmem>>, vector<1x16xf32>,
        %parallel_loop3A_330 = vector.shape_cast %parallel_loop3A_329 : vector<1x16xf32> to vector<16xf32>
        %parallel_loop3A_331 = arith.addf %parallel_loop3A_330, %get3A_158 : vector<16xf32>
        %parallel_loop3A_332 = arith.index_cast %parallel_loop3A_316 : i32 to index
        %parallel_loop3A_333 = arith.constant 48 : index
        %parallel_loop3A_334 = tpu.vector_load %arg8[%parallel_loop3A_332, %parallel_loop3A_333] {strides = array<i32>} : memref<128x64xf32, #tpu.memory_space<vmem>>, vector<1x16xf32>,
        %parallel_loop3A_335 = vector.shape_cast %parallel_loop3A_334 : vector<1x16xf32> to vector<16xf32>
        %parallel_loop3A_336 = arith.addf %parallel_loop3A_335, %get3A_162 : vector<16xf32>
        %parallel_loop3A_337 = arith.mulf %parallel_loop3A_321, %parallel_loop3A_321 : vector<16xf32>
        %parallel_loop3A_338 = arith.mulf %parallel_loop3A_326, %parallel_loop3A_326 : vector<16xf32>
        %parallel_loop3A_339 = arith.mulf %parallel_loop3A_331, %parallel_loop3A_331 : vector<16xf32>
        %parallel_loop3A_340 = arith.mulf %parallel_loop3A_336, %parallel_loop3A_336 : vector<16xf32>
        %parallel_loop3A_341 = arith.addf %parallel_loop3A_321, %parallel_loop3A_326 : vector<16xf32>
        %parallel_loop3A_342 = arith.addf %parallel_loop3A_331, %parallel_loop3A_336 : vector<16xf32>
        %parallel_loop3A_343 = arith.addf %parallel_loop3A_341, %parallel_loop3A_342 : vector<16xf32>
        %parallel_loop3A_344 = tpu.iota {dimensions = array<i32: 0>} : vector<16xi32>
        %parallel_loop3A_345 = arith.constant 8 : i32
        %parallel_loop3A_346 = vector.broadcast %parallel_loop3A_345 : i32 to vector<16xi32>
        %parallel_loop3A_347 = arith.xori %parallel_loop3A_344, %parallel_loop3A_346 : vector<16xi32>
        %parallel_loop3A_348 = vector.shape_cast %parallel_loop3A_347 : vector<16xi32> to vector<16x1xi32>
        %parallel_loop3A_349 = vector.shape_cast %parallel_loop3A_348 : vector<16x1xi32> to vector<16xi32>
        %parallel_loop3A_350 = tpu.dynamic_gather %parallel_loop3A_343[%parallel_loop3A_349] in [0] : vector<16xf32>, vector<16xi32> -> vector<16xf32>
        %parallel_loop3A_351 = arith.addf %parallel_loop3A_343, %parallel_loop3A_350 : vector<16xf32>
        %parallel_loop3A_352 = arith.constant 4 : i32
        %parallel_loop3A_353 = vector.broadcast %parallel_loop3A_352 : i32 to vector<16xi32>
        %parallel_loop3A_354 = arith.xori %parallel_loop3A_344, %parallel_loop3A_353 : vector<16xi32>
        %parallel_loop3A_355 = vector.shape_cast %parallel_loop3A_354 : vector<16xi32> to vector<16x1xi32>
        %parallel_loop3A_356 = vector.shape_cast %parallel_loop3A_355 : vector<16x1xi32> to vector<16xi32>
        %parallel_loop3A_357 = tpu.dynamic_gather %parallel_loop3A_351[%parallel_loop3A_356] in [0] : vector<16xf32>, vector<16xi32> -> vector<16xf32>
        %parallel_loop3A_358 = arith.addf %parallel_loop3A_351, %parallel_loop3A_357 : vector<16xf32>
        %parallel_loop3A_359 = arith.constant 2 : i32
        %parallel_loop3A_360 = vector.broadcast %parallel_loop3A_359 : i32 to vector<16xi32>
        %parallel_loop3A_361 = arith.xori %parallel_loop3A_344, %parallel_loop3A_360 : vector<16xi32>
        %parallel_loop3A_362 = vector.shape_cast %parallel_loop3A_361 : vector<16xi32> to vector<16x1xi32>
        %parallel_loop3A_363 = vector.shape_cast %parallel_loop3A_362 : vector<16x1xi32> to vector<16xi32>
        %parallel_loop3A_364 = tpu.dynamic_gather %parallel_loop3A_358[%parallel_loop3A_363] in [0] : vector<16xf32>, vector<16xi32> -> vector<16xf32>
        %parallel_loop3A_365 = arith.addf %parallel_loop3A_358, %parallel_loop3A_364 : vector<16xf32>
        %parallel_loop3A_366 = arith.constant 1 : i32
        %parallel_loop3A_367 = vector.broadcast %parallel_loop3A_366 : i32 to vector<16xi32>
        %parallel_loop3A_368 = arith.xori %parallel_loop3A_344, %parallel_loop3A_367 : vector<16xi32>
        %parallel_loop3A_369 = vector.shape_cast %parallel_loop3A_368 : vector<16xi32> to vector<16x1xi32>
        %parallel_loop3A_370 = vector.shape_cast %parallel_loop3A_369 : vector<16x1xi32> to vector<16xi32>
        %parallel_loop3A_371 = tpu.dynamic_gather %parallel_loop3A_365[%parallel_loop3A_370] in [0] : vector<16xf32>, vector<16xi32> -> vector<16xf32>
        %parallel_loop3A_372 = arith.addf %parallel_loop3A_365, %parallel_loop3A_371 : vector<16xf32>
        %parallel_loop3A_373 = arith.constant 1.562500e-02 : f32
        %parallel_loop3A_374 = vector.broadcast %parallel_loop3A_373 : f32 to vector<16xf32>
        %parallel_loop3A_375 = arith.mulf %parallel_loop3A_372, %parallel_loop3A_374 : vector<16xf32>
        %parallel_loop3A_376 = arith.addf %parallel_loop3A_337, %parallel_loop3A_338 : vector<16xf32>
        %parallel_loop3A_377 = arith.addf %parallel_loop3A_339, %parallel_loop3A_340 : vector<16xf32>
        %parallel_loop3A_378 = arith.addf %parallel_loop3A_376, %parallel_loop3A_377 : vector<16xf32>
        %parallel_loop3A_379 = tpu.iota {dimensions = array<i32: 0>} : vector<16xi32>
        %parallel_loop3A_380 = arith.constant 8 : i32
        %parallel_loop3A_381 = vector.broadcast %parallel_loop3A_380 : i32 to vector<16xi32>
        %parallel_loop3A_382 = arith.xori %parallel_loop3A_379, %parallel_loop3A_381 : vector<16xi32>
        %parallel_loop3A_383 = vector.shape_cast %parallel_loop3A_382 : vector<16xi32> to vector<16x1xi32>
        %parallel_loop3A_384 = vector.shape_cast %parallel_loop3A_383 : vector<16x1xi32> to vector<16xi32>
        %parallel_loop3A_385 = tpu.dynamic_gather %parallel_loop3A_378[%parallel_loop3A_384] in [0] : vector<16xf32>, vector<16xi32> -> vector<16xf32>
        %parallel_loop3A_386 = arith.addf %parallel_loop3A_378, %parallel_loop3A_385 : vector<16xf32>
        %parallel_loop3A_387 = arith.constant 4 : i32
        %parallel_loop3A_388 = vector.broadcast %parallel_loop3A_387 : i32 to vector<16xi32>
        %parallel_loop3A_389 = arith.xori %parallel_loop3A_379, %parallel_loop3A_388 : vector<16xi32>
        %parallel_loop3A_390 = vector.shape_cast %parallel_loop3A_389 : vector<16xi32> to vector<16x1xi32>
        %parallel_loop3A_391 = vector.shape_cast %parallel_loop3A_390 : vector<16x1xi32> to vector<16xi32>
        %parallel_loop3A_392 = tpu.dynamic_gather %parallel_loop3A_386[%parallel_loop3A_391] in [0] : vector<16xf32>, vector<16xi32> -> vector<16xf32>
        %parallel_loop3A_393 = arith.addf %parallel_loop3A_386, %parallel_loop3A_392 : vector<16xf32>
        %parallel_loop3A_394 = arith.constant 2 : i32
        %parallel_loop3A_395 = vector.broadcast %parallel_loop3A_394 : i32 to vector<16xi32>
        %parallel_loop3A_396 = arith.xori %parallel_loop3A_379, %parallel_loop3A_395 : vector<16xi32>
        %parallel_loop3A_397 = vector.shape_cast %parallel_loop3A_396 : vector<16xi32> to vector<16x1xi32>
        %parallel_loop3A_398 = vector.shape_cast %parallel_loop3A_397 : vector<16x1xi32> to vector<16xi32>
        %parallel_loop3A_399 = tpu.dynamic_gather %parallel_loop3A_393[%parallel_loop3A_398] in [0] : vector<16xf32>, vector<16xi32> -> vector<16xf32>
        %parallel_loop3A_400 = arith.addf %parallel_loop3A_393, %parallel_loop3A_399 : vector<16xf32>
        %parallel_loop3A_401 = arith.constant 1 : i32
        %parallel_loop3A_402 = vector.broadcast %parallel_loop3A_401 : i32 to vector<16xi32>
        %parallel_loop3A_403 = arith.xori %parallel_loop3A_379, %parallel_loop3A_402 : vector<16xi32>
        %parallel_loop3A_404 = vector.shape_cast %parallel_loop3A_403 : vector<16xi32> to vector<16x1xi32>
        %parallel_loop3A_405 = vector.shape_cast %parallel_loop3A_404 : vector<16x1xi32> to vector<16xi32>
        %parallel_loop3A_406 = tpu.dynamic_gather %parallel_loop3A_400[%parallel_loop3A_405] in [0] : vector<16xf32>, vector<16xi32> -> vector<16xf32>
        %parallel_loop3A_407 = arith.addf %parallel_loop3A_400, %parallel_loop3A_406 : vector<16xf32>
        %parallel_loop3A_408 = arith.constant 1.562500e-02 : f32
        %parallel_loop3A_409 = vector.broadcast %parallel_loop3A_408 : f32 to vector<16xf32>
        %parallel_loop3A_410 = arith.mulf %parallel_loop3A_407, %parallel_loop3A_409 : vector<16xf32>
        %parallel_loop3A_411 = arith.mulf %parallel_loop3A_375, %parallel_loop3A_375 : vector<16xf32>
        %parallel_loop3A_412 = arith.subf %parallel_loop3A_410, %parallel_loop3A_411 : vector<16xf32>
        %parallel_loop3A_413 = arith.constant 9.99999974E-6 : f32
        %parallel_loop3A_414 = vector.broadcast %parallel_loop3A_413 : f32 to vector<16xf32>
        %parallel_loop3A_415 = arith.addf %parallel_loop3A_412, %parallel_loop3A_414 : vector<16xf32>
        %parallel_loop3A_416 = tpu.bitcast %parallel_loop3A_415 : vector<16xf32> -> vector<16xi32>
        %parallel_loop3A_417 = arith.constant 1 : i32
        %parallel_loop3A_418 = vector.broadcast %parallel_loop3A_417 : i32 to vector<16xi32>
        %parallel_loop3A_419 = arith.shrui %parallel_loop3A_416, %parallel_loop3A_418 : vector<16xi32>
        %parallel_loop3A_420 = arith.constant 1597463007 : i32
        %parallel_loop3A_421 = vector.broadcast %parallel_loop3A_420 : i32 to vector<16xi32>
        %parallel_loop3A_422 = arith.subi %parallel_loop3A_421, %parallel_loop3A_419 : vector<16xi32>
        %parallel_loop3A_423 = tpu.bitcast %parallel_loop3A_422 : vector<16xi32> -> vector<16xf32>
        %parallel_loop3A_424 = arith.constant 5.000000e-01 : f32
        %parallel_loop3A_425 = vector.broadcast %parallel_loop3A_424 : f32 to vector<16xf32>
        %parallel_loop3A_426 = arith.mulf %parallel_loop3A_425, %parallel_loop3A_415 : vector<16xf32>
        %parallel_loop3A_427 = arith.mulf %parallel_loop3A_426, %parallel_loop3A_423 : vector<16xf32>
        %parallel_loop3A_428 = arith.mulf %parallel_loop3A_427, %parallel_loop3A_423 : vector<16xf32>
        %parallel_loop3A_429 = arith.constant 1.500000e+00 : f32
        %parallel_loop3A_430 = vector.broadcast %parallel_loop3A_429 : f32 to vector<16xf32>
        %parallel_loop3A_431 = arith.subf %parallel_loop3A_430, %parallel_loop3A_428 : vector<16xf32>
        %parallel_loop3A_432 = arith.mulf %parallel_loop3A_423, %parallel_loop3A_431 : vector<16xf32>
        %parallel_loop3A_433 = arith.constant 5.000000e-01 : f32
        %parallel_loop3A_434 = vector.broadcast %parallel_loop3A_433 : f32 to vector<16xf32>
        %parallel_loop3A_435 = arith.mulf %parallel_loop3A_434, %parallel_loop3A_415 : vector<16xf32>
        %parallel_loop3A_436 = arith.mulf %parallel_loop3A_435, %parallel_loop3A_432 : vector<16xf32>
        %parallel_loop3A_437 = arith.mulf %parallel_loop3A_436, %parallel_loop3A_432 : vector<16xf32>
        %parallel_loop3A_438 = arith.constant 1.500000e+00 : f32
        %parallel_loop3A_439 = vector.broadcast %parallel_loop3A_438 : f32 to vector<16xf32>
        %parallel_loop3A_440 = arith.subf %parallel_loop3A_439, %parallel_loop3A_437 : vector<16xf32>
        %parallel_loop3A_441 = arith.mulf %parallel_loop3A_432, %parallel_loop3A_440 : vector<16xf32>
        %parallel_loop3A_442 = arith.constant 5.000000e-01 : f32
        %parallel_loop3A_443 = vector.broadcast %parallel_loop3A_442 : f32 to vector<16xf32>
        %parallel_loop3A_444 = arith.mulf %parallel_loop3A_443, %parallel_loop3A_415 : vector<16xf32>
        %parallel_loop3A_445 = arith.mulf %parallel_loop3A_444, %parallel_loop3A_441 : vector<16xf32>
        %parallel_loop3A_446 = arith.mulf %parallel_loop3A_445, %parallel_loop3A_441 : vector<16xf32>
        %parallel_loop3A_447 = arith.constant 1.500000e+00 : f32
        %parallel_loop3A_448 = vector.broadcast %parallel_loop3A_447 : f32 to vector<16xf32>
        %parallel_loop3A_449 = arith.subf %parallel_loop3A_448, %parallel_loop3A_446 : vector<16xf32>
        %parallel_loop3A_450 = arith.mulf %parallel_loop3A_441, %parallel_loop3A_449 : vector<16xf32>
        %parallel_loop3A_451 = arith.subf %parallel_loop3A_321, %parallel_loop3A_375 : vector<16xf32>
        %parallel_loop3A_452 = arith.mulf %parallel_loop3A_451, %parallel_loop3A_450 : vector<16xf32>
        %parallel_loop3A_453 = arith.subf %parallel_loop3A_326, %parallel_loop3A_375 : vector<16xf32>
        %parallel_loop3A_454 = arith.mulf %parallel_loop3A_453, %parallel_loop3A_450 : vector<16xf32>
        %parallel_loop3A_455 = arith.subf %parallel_loop3A_331, %parallel_loop3A_375 : vector<16xf32>
        %parallel_loop3A_456 = arith.mulf %parallel_loop3A_455, %parallel_loop3A_450 : vector<16xf32>
        %parallel_loop3A_457 = arith.subf %parallel_loop3A_336, %parallel_loop3A_375 : vector<16xf32>
        %parallel_loop3A_458 = arith.mulf %parallel_loop3A_457, %parallel_loop3A_450 : vector<16xf32>
        %parallel_loop3A_459 = arith.index_cast %parallel_loop3A_316 : i32 to index
        %parallel_loop3A_460 = arith.constant 0 : index
        %parallel_loop3A_461 = tpu.vector_load %arg12[%parallel_loop3A_459, %parallel_loop3A_460] {strides = array<i32>} : memref<128x64xf32, #tpu.memory_space<vmem>>, vector<1x16xf32>,
        %parallel_loop3A_462 = vector.shape_cast %parallel_loop3A_461 : vector<1x16xf32> to vector<16xf32>
        %parallel_loop3A_463 = vector.shape_cast %parallel_loop3A_452 : vector<16xf32> to vector<1x16xf32>
        tpu.vector_store %arg12[%parallel_loop3A_459, %parallel_loop3A_460], %parallel_loop3A_463 {strides = array<i32>} : memref<128x64xf32, #tpu.memory_space<vmem>>, vector<1x16xf32>,
        %parallel_loop3A_464 = arith.index_cast %parallel_loop3A_316 : i32 to index
        %parallel_loop3A_465 = arith.constant 16 : index
        %parallel_loop3A_466 = tpu.vector_load %arg12[%parallel_loop3A_464, %parallel_loop3A_465] {strides = array<i32>} : memref<128x64xf32, #tpu.memory_space<vmem>>, vector<1x16xf32>,
        %parallel_loop3A_467 = vector.shape_cast %parallel_loop3A_466 : vector<1x16xf32> to vector<16xf32>
        %parallel_loop3A_468 = vector.shape_cast %parallel_loop3A_454 : vector<16xf32> to vector<1x16xf32>
        tpu.vector_store %arg12[%parallel_loop3A_464, %parallel_loop3A_465], %parallel_loop3A_468 {strides = array<i32>} : memref<128x64xf32, #tpu.memory_space<vmem>>, vector<1x16xf32>,
        %parallel_loop3A_469 = arith.index_cast %parallel_loop3A_316 : i32 to index
        %parallel_loop3A_470 = arith.constant 32 : index
        %parallel_loop3A_471 = tpu.vector_load %arg12[%parallel_loop3A_469, %parallel_loop3A_470] {strides = array<i32>} : memref<128x64xf32, #tpu.memory_space<vmem>>, vector<1x16xf32>,
        %parallel_loop3A_472 = vector.shape_cast %parallel_loop3A_471 : vector<1x16xf32> to vector<16xf32>
        %parallel_loop3A_473 = vector.shape_cast %parallel_loop3A_456 : vector<16xf32> to vector<1x16xf32>
        tpu.vector_store %arg12[%parallel_loop3A_469, %parallel_loop3A_470], %parallel_loop3A_473 {strides = array<i32>} : memref<128x64xf32, #tpu.memory_space<vmem>>, vector<1x16xf32>,
        %parallel_loop3A_474 = arith.index_cast %parallel_loop3A_316 : i32 to index
        %parallel_loop3A_475 = arith.constant 48 : index
        %parallel_loop3A_476 = tpu.vector_load %arg12[%parallel_loop3A_474, %parallel_loop3A_475] {strides = array<i32>} : memref<128x64xf32, #tpu.memory_space<vmem>>, vector<1x16xf32>,
        %parallel_loop3A_477 = vector.shape_cast %parallel_loop3A_476 : vector<1x16xf32> to vector<16xf32>
        %parallel_loop3A_478 = vector.shape_cast %parallel_loop3A_458 : vector<16xf32> to vector<1x16xf32>
        tpu.vector_store %arg12[%parallel_loop3A_474, %parallel_loop3A_475], %parallel_loop3A_478 {strides = array<i32>} : memref<128x64xf32, #tpu.memory_space<vmem>>, vector<1x16xf32>,
      } {sc.loop_unroll_factor = 4 : i64, sc.parallel_access}
      %add3A_166 = arith.constant 4 : i32
      %add3A_167 = arith.addi %add3A_110, %add3A_166 : i32
      %lt3A_168 = arith.constant 200 : i32
      %lt3A_169 = arith.cmpi slt, %add3A_167, %lt3A_168 : i32
      %convert_element_type3A_170 = arith.extui %lt3A_169 : i1 to i32
      %cond3A_171 = arith.constant 0 : i32
      %cond3A_172 = arith.cmpi ne, %convert_element_type3A_170, %cond3A_171 : i32
      scf.if %cond3A_172 {
        %add3A_316 = arith.constant 4 : i32
        %add3A_317 = arith.addi %add3A_110, %add3A_316 : i32
        %mul3A_318 = arith.constant 128 : i32
        %mul3A_319 = arith.muli %add3A_317, %mul3A_318 : i32
        %dma_start3A_320 = tpu.memref_slice %arg6[%mul3A_319] : memref<25600xi32, #tpu.memory_space<vmem>> -> memref<128xi32, #tpu.memory_space<vmem>>
        %dma_start3A_321 = arith.constant 0 : i32
        %dma_start3A_322 = arith.constant 0 : i32
        %dma_start3A_323 = tpu.memref_slice %arg3[%dma_start3A_321, %dma_start3A_322] : memref<1000000x64xf32, #tpu.memory_space<hbm>> -> memref<1000000x64xf32, #tpu.memory_space<hbm>>
        tpu.enqueue_indirect_dma source(%dma_start3A_323 : memref<1000000x64xf32, #tpu.memory_space<hbm>>) target(%arg8 : memref<128x64xf32, #tpu.memory_space<vmem>>) offsets(%dma_start3A_320 : memref<128xi32, #tpu.memory_space<vmem>>) semaphore(%arg17 : memref<!tpu.dma_semaphore, #tpu.memory_space<semaphore_mem>>)
      } else {
      }
      %add3A_173 = arith.addi %multiple_of3A, %mul3A_112 : i32
      %dma_start3A_174 = arith.constant 0 : i32
      %dma_start3A_175 = tpu.memref_slice %arg5[%add3A_173, %dma_start3A_174] : memref<819200x64xf32, #tpu.memory_space<hbm>> -> memref<128x64xf32, #tpu.memory_space<hbm>>
      %dma_start3A_176 = arith.constant 0 : i32
      %dma_start3A_177 = tpu.memref_slice %arg5[%add3A_173, %dma_start3A_176] : memref<819200x64xf32, #tpu.memory_space<hbm>> -> memref<128x64xf32, #tpu.memory_space<hbm>>
      tpu.enqueue_dma source(%arg12 : memref<128x64xf32, #tpu.memory_space<vmem>>) target(%dma_start3A_177 : memref<128x64xf32, #tpu.memory_space<hbm>>) target_semaphore(%arg21 : memref<!tpu.dma_semaphore, #tpu.memory_space<semaphore_mem>>)
      %add3A_178 = arith.constant 2 : i32
      %add3A_179 = arith.addi %add3A_53, %add3A_178 : i32
      %mul3A_180 = arith.constant 128 : i32
      %mul3A_181 = arith.muli %add3A_179, %mul3A_180 : i32
      %dma_wait3A_182 = tpu.memref_slice %arg6[%mul3A_181] : memref<25600xi32, #tpu.memory_space<vmem>> -> memref<128xi32, #tpu.memory_space<vmem>>
      %dma_wait3A_183 = arith.constant 0 : i32
      %dma_wait3A_184 = arith.constant 0 : i32
      %dma_wait3A_185 = tpu.memref_slice %arg3[%dma_wait3A_183, %dma_wait3A_184] : memref<1000000x64xf32, #tpu.memory_space<hbm>> -> memref<1000000x64xf32, #tpu.memory_space<hbm>>
      tpu.wait_indirect_dma semaphore(%arg18 : memref<!tpu.dma_semaphore, #tpu.memory_space<semaphore_mem>>) src(%dma_wait3A_185 : memref<1000000x64xf32, #tpu.memory_space<hbm>>) dst(%arg9 : memref<128x64xf32, #tpu.memory_space<vmem>>)
      %gt3A_186 = arith.constant 0 : i32
      %gt3A_187 = arith.cmpi sgt, %add3A_53, %gt3A_186 : i32
      %convert_element_type3A_188 = arith.extui %gt3A_187 : i1 to i32
      %cond3A_189 = arith.constant 0 : i32
      %cond3A_190 = arith.cmpi ne, %convert_element_type3A_188, %cond3A_189 : i32
      scf.if %cond3A_190 {
        %add3A_316 = arith.addi %multiple_of3A, %mul3A_181 : i32
        %sub3A_317 = arith.constant 512 : i32
        %sub3A_318 = arith.subi %add3A_316, %sub3A_317 : i32
        %dma_wait3A_319 = arith.constant 0 : i32
        %dma_wait3A_320 = tpu.memref_slice %arg5[%sub3A_318, %dma_wait3A_319] : memref<819200x64xf32, #tpu.memory_space<hbm>> -> memref<128x64xf32, #tpu.memory_space<hbm>>
        %dma_wait3A_321 = arith.constant 0 : i32
        %dma_wait3A_322 = tpu.memref_slice %arg5[%sub3A_318, %dma_wait3A_321] : memref<819200x64xf32, #tpu.memory_space<hbm>> -> memref<128x64xf32, #tpu.memory_space<hbm>>
        tpu.wait_dma2 semaphore(%arg22 : memref<!tpu.dma_semaphore, #tpu.memory_space<semaphore_mem>>) src(%arg13 : memref<128x64xf32, #tpu.memory_space<vmem>>) dst(%dma_wait3A_322 : memref<128x64xf32, #tpu.memory_space<hbm>>)
      } else {
      }
      %add3A_191 = arith.addi %multiple_of3A, %mul3A_181 : i32
      %jit3A_192 = arith.constant 4096 : i32
      %div3A_193 = arith.divsi %add3A_191, %jit3A_192 : i32
      %sign3A_194 = arith.constant 0 : i32
      %sign3A_195 = arith.cmpi sgt, %add3A_191, %sign3A_194 : i32
      %sign3A_196 = arith.extui %sign3A_195 : i1 to i32
      %sign3A_197 = arith.constant 0 : i32
      %sign3A_198 = arith.cmpi slt, %add3A_191, %sign3A_197 : i32
      %sign3A_199 = arith.extui %sign3A_198 : i1 to i32
      %sign3A_200 = arith.subi %sign3A_196, %sign3A_199 : i32
      %sign3A_201 = arith.constant 0 : i32
      %sign3A_202 = arith.cmpi sgt, %jit3A_192, %sign3A_201 : i32
      %sign3A_203 = arith.extui %sign3A_202 : i1 to i32
      %sign3A_204 = arith.constant 0 : i32
      %sign3A_205 = arith.cmpi slt, %jit3A_192, %sign3A_204 : i32
      %sign3A_206 = arith.extui %sign3A_205 : i1 to i32
      %sign3A_207 = arith.subi %sign3A_203, %sign3A_206 : i32
      %ne3A_208 = arith.cmpi ne, %sign3A_200, %sign3A_207 : i32
      %rem3A_209 = arith.remsi %add3A_191, %jit3A_192 : i32
      %ne3A_210 = arith.constant 0 : i32
      %ne3A_211 = arith.cmpi ne, %rem3A_209, %ne3A_210 : i32
      %and3A_212 = arith.andi %ne3A_208, %ne3A_211 : i1
      %sub3A_213 = arith.constant 1 : i32
      %sub3A_214 = arith.subi %div3A_193, %sub3A_213 : i32
      %select_n3A_215 = arith.select %and3A_212, %sub3A_214, %div3A_193 : i32
      %get3A_216 = arith.index_cast %select_n3A_215 : i32 to index
      %get3A_217 = arith.constant 0 : index
      %get3A_218 = tpu.vector_load %arg15[%get3A_216, %get3A_217] {strides = array<i32>} : memref<200x64xf32, #tpu.memory_space<vmem>>, vector<1x16xf32>,
      %get3A_219 = vector.shape_cast %get3A_218 : vector<1x16xf32> to vector<16xf32>
      %get3A_220 = arith.index_cast %select_n3A_215 : i32 to index
      %get3A_221 = arith.constant 16 : index
      %get3A_222 = tpu.vector_load %arg15[%get3A_220, %get3A_221] {strides = array<i32>} : memref<200x64xf32, #tpu.memory_space<vmem>>, vector<1x16xf32>,
      %get3A_223 = vector.shape_cast %get3A_222 : vector<1x16xf32> to vector<16xf32>
      %get3A_224 = arith.index_cast %select_n3A_215 : i32 to index
      %get3A_225 = arith.constant 32 : index
      %get3A_226 = tpu.vector_load %arg15[%get3A_224, %get3A_225] {strides = array<i32>} : memref<200x64xf32, #tpu.memory_space<vmem>>, vector<1x16xf32>,
      %get3A_227 = vector.shape_cast %get3A_226 : vector<1x16xf32> to vector<16xf32>
      %get3A_228 = arith.index_cast %select_n3A_215 : i32 to index
      %get3A_229 = arith.constant 48 : index
      %get3A_230 = tpu.vector_load %arg15[%get3A_228, %get3A_229] {strides = array<i32>} : memref<200x64xf32, #tpu.memory_space<vmem>>, vector<1x16xf32>,
      %get3A_231 = vector.shape_cast %get3A_230 : vector<1x16xf32> to vector<16xf32>
      %parallel_loop3A_232 = arith.constant 0 : i32
      %parallel_loop3A_233 = arith.constant 128 : i32
      %parallel_loop3A_234 = arith.constant 1 : i32
      scf.for %parallel_loop3A_316 = %parallel_loop3A_232 to %parallel_loop3A_233 step %parallel_loop3A_234  : i32 {
        %parallel_loop3A_317 = arith.index_cast %parallel_loop3A_316 : i32 to index
        %parallel_loop3A_318 = arith.constant 0 : index
        %parallel_loop3A_319 = tpu.vector_load %arg9[%parallel_loop3A_317, %parallel_loop3A_318] {strides = array<i32>} : memref<128x64xf32, #tpu.memory_space<vmem>>, vector<1x16xf32>,
        %parallel_loop3A_320 = vector.shape_cast %parallel_loop3A_319 : vector<1x16xf32> to vector<16xf32>
        %parallel_loop3A_321 = arith.addf %parallel_loop3A_320, %get3A_219 : vector<16xf32>
        %parallel_loop3A_322 = arith.index_cast %parallel_loop3A_316 : i32 to index
        %parallel_loop3A_323 = arith.constant 16 : index
        %parallel_loop3A_324 = tpu.vector_load %arg9[%parallel_loop3A_322, %parallel_loop3A_323] {strides = array<i32>} : memref<128x64xf32, #tpu.memory_space<vmem>>, vector<1x16xf32>,
        %parallel_loop3A_325 = vector.shape_cast %parallel_loop3A_324 : vector<1x16xf32> to vector<16xf32>
        %parallel_loop3A_326 = arith.addf %parallel_loop3A_325, %get3A_223 : vector<16xf32>
        %parallel_loop3A_327 = arith.index_cast %parallel_loop3A_316 : i32 to index
        %parallel_loop3A_328 = arith.constant 32 : index
        %parallel_loop3A_329 = tpu.vector_load %arg9[%parallel_loop3A_327, %parallel_loop3A_328] {strides = array<i32>} : memref<128x64xf32, #tpu.memory_space<vmem>>, vector<1x16xf32>,
        %parallel_loop3A_330 = vector.shape_cast %parallel_loop3A_329 : vector<1x16xf32> to vector<16xf32>
        %parallel_loop3A_331 = arith.addf %parallel_loop3A_330, %get3A_227 : vector<16xf32>
        %parallel_loop3A_332 = arith.index_cast %parallel_loop3A_316 : i32 to index
        %parallel_loop3A_333 = arith.constant 48 : index
        %parallel_loop3A_334 = tpu.vector_load %arg9[%parallel_loop3A_332, %parallel_loop3A_333] {strides = array<i32>} : memref<128x64xf32, #tpu.memory_space<vmem>>, vector<1x16xf32>,
        %parallel_loop3A_335 = vector.shape_cast %parallel_loop3A_334 : vector<1x16xf32> to vector<16xf32>
        %parallel_loop3A_336 = arith.addf %parallel_loop3A_335, %get3A_231 : vector<16xf32>
        %parallel_loop3A_337 = arith.mulf %parallel_loop3A_321, %parallel_loop3A_321 : vector<16xf32>
        %parallel_loop3A_338 = arith.mulf %parallel_loop3A_326, %parallel_loop3A_326 : vector<16xf32>
        %parallel_loop3A_339 = arith.mulf %parallel_loop3A_331, %parallel_loop3A_331 : vector<16xf32>
        %parallel_loop3A_340 = arith.mulf %parallel_loop3A_336, %parallel_loop3A_336 : vector<16xf32>
        %parallel_loop3A_341 = arith.addf %parallel_loop3A_321, %parallel_loop3A_326 : vector<16xf32>
        %parallel_loop3A_342 = arith.addf %parallel_loop3A_331, %parallel_loop3A_336 : vector<16xf32>
        %parallel_loop3A_343 = arith.addf %parallel_loop3A_341, %parallel_loop3A_342 : vector<16xf32>
        %parallel_loop3A_344 = tpu.iota {dimensions = array<i32: 0>} : vector<16xi32>
        %parallel_loop3A_345 = arith.constant 8 : i32
        %parallel_loop3A_346 = vector.broadcast %parallel_loop3A_345 : i32 to vector<16xi32>
        %parallel_loop3A_347 = arith.xori %parallel_loop3A_344, %parallel_loop3A_346 : vector<16xi32>
        %parallel_loop3A_348 = vector.shape_cast %parallel_loop3A_347 : vector<16xi32> to vector<16x1xi32>
        %parallel_loop3A_349 = vector.shape_cast %parallel_loop3A_348 : vector<16x1xi32> to vector<16xi32>
        %parallel_loop3A_350 = tpu.dynamic_gather %parallel_loop3A_343[%parallel_loop3A_349] in [0] : vector<16xf32>, vector<16xi32> -> vector<16xf32>
        %parallel_loop3A_351 = arith.addf %parallel_loop3A_343, %parallel_loop3A_350 : vector<16xf32>
        %parallel_loop3A_352 = arith.constant 4 : i32
        %parallel_loop3A_353 = vector.broadcast %parallel_loop3A_352 : i32 to vector<16xi32>
        %parallel_loop3A_354 = arith.xori %parallel_loop3A_344, %parallel_loop3A_353 : vector<16xi32>
        %parallel_loop3A_355 = vector.shape_cast %parallel_loop3A_354 : vector<16xi32> to vector<16x1xi32>
        %parallel_loop3A_356 = vector.shape_cast %parallel_loop3A_355 : vector<16x1xi32> to vector<16xi32>
        %parallel_loop3A_357 = tpu.dynamic_gather %parallel_loop3A_351[%parallel_loop3A_356] in [0] : vector<16xf32>, vector<16xi32> -> vector<16xf32>
        %parallel_loop3A_358 = arith.addf %parallel_loop3A_351, %parallel_loop3A_357 : vector<16xf32>
        %parallel_loop3A_359 = arith.constant 2 : i32
        %parallel_loop3A_360 = vector.broadcast %parallel_loop3A_359 : i32 to vector<16xi32>
        %parallel_loop3A_361 = arith.xori %parallel_loop3A_344, %parallel_loop3A_360 : vector<16xi32>
        %parallel_loop3A_362 = vector.shape_cast %parallel_loop3A_361 : vector<16xi32> to vector<16x1xi32>
        %parallel_loop3A_363 = vector.shape_cast %parallel_loop3A_362 : vector<16x1xi32> to vector<16xi32>
        %parallel_loop3A_364 = tpu.dynamic_gather %parallel_loop3A_358[%parallel_loop3A_363] in [0] : vector<16xf32>, vector<16xi32> -> vector<16xf32>
        %parallel_loop3A_365 = arith.addf %parallel_loop3A_358, %parallel_loop3A_364 : vector<16xf32>
        %parallel_loop3A_366 = arith.constant 1 : i32
        %parallel_loop3A_367 = vector.broadcast %parallel_loop3A_366 : i32 to vector<16xi32>
        %parallel_loop3A_368 = arith.xori %parallel_loop3A_344, %parallel_loop3A_367 : vector<16xi32>
        %parallel_loop3A_369 = vector.shape_cast %parallel_loop3A_368 : vector<16xi32> to vector<16x1xi32>
        %parallel_loop3A_370 = vector.shape_cast %parallel_loop3A_369 : vector<16x1xi32> to vector<16xi32>
        %parallel_loop3A_371 = tpu.dynamic_gather %parallel_loop3A_365[%parallel_loop3A_370] in [0] : vector<16xf32>, vector<16xi32> -> vector<16xf32>
        %parallel_loop3A_372 = arith.addf %parallel_loop3A_365, %parallel_loop3A_371 : vector<16xf32>
        %parallel_loop3A_373 = arith.constant 1.562500e-02 : f32
        %parallel_loop3A_374 = vector.broadcast %parallel_loop3A_373 : f32 to vector<16xf32>
        %parallel_loop3A_375 = arith.mulf %parallel_loop3A_372, %parallel_loop3A_374 : vector<16xf32>
        %parallel_loop3A_376 = arith.addf %parallel_loop3A_337, %parallel_loop3A_338 : vector<16xf32>
        %parallel_loop3A_377 = arith.addf %parallel_loop3A_339, %parallel_loop3A_340 : vector<16xf32>
        %parallel_loop3A_378 = arith.addf %parallel_loop3A_376, %parallel_loop3A_377 : vector<16xf32>
        %parallel_loop3A_379 = tpu.iota {dimensions = array<i32: 0>} : vector<16xi32>
        %parallel_loop3A_380 = arith.constant 8 : i32
        %parallel_loop3A_381 = vector.broadcast %parallel_loop3A_380 : i32 to vector<16xi32>
        %parallel_loop3A_382 = arith.xori %parallel_loop3A_379, %parallel_loop3A_381 : vector<16xi32>
        %parallel_loop3A_383 = vector.shape_cast %parallel_loop3A_382 : vector<16xi32> to vector<16x1xi32>
        %parallel_loop3A_384 = vector.shape_cast %parallel_loop3A_383 : vector<16x1xi32> to vector<16xi32>
        %parallel_loop3A_385 = tpu.dynamic_gather %parallel_loop3A_378[%parallel_loop3A_384] in [0] : vector<16xf32>, vector<16xi32> -> vector<16xf32>
        %parallel_loop3A_386 = arith.addf %parallel_loop3A_378, %parallel_loop3A_385 : vector<16xf32>
        %parallel_loop3A_387 = arith.constant 4 : i32
        %parallel_loop3A_388 = vector.broadcast %parallel_loop3A_387 : i32 to vector<16xi32>
        %parallel_loop3A_389 = arith.xori %parallel_loop3A_379, %parallel_loop3A_388 : vector<16xi32>
        %parallel_loop3A_390 = vector.shape_cast %parallel_loop3A_389 : vector<16xi32> to vector<16x1xi32>
        %parallel_loop3A_391 = vector.shape_cast %parallel_loop3A_390 : vector<16x1xi32> to vector<16xi32>
        %parallel_loop3A_392 = tpu.dynamic_gather %parallel_loop3A_386[%parallel_loop3A_391] in [0] : vector<16xf32>, vector<16xi32> -> vector<16xf32>
        %parallel_loop3A_393 = arith.addf %parallel_loop3A_386, %parallel_loop3A_392 : vector<16xf32>
        %parallel_loop3A_394 = arith.constant 2 : i32
        %parallel_loop3A_395 = vector.broadcast %parallel_loop3A_394 : i32 to vector<16xi32>
        %parallel_loop3A_396 = arith.xori %parallel_loop3A_379, %parallel_loop3A_395 : vector<16xi32>
        %parallel_loop3A_397 = vector.shape_cast %parallel_loop3A_396 : vector<16xi32> to vector<16x1xi32>
        %parallel_loop3A_398 = vector.shape_cast %parallel_loop3A_397 : vector<16x1xi32> to vector<16xi32>
        %parallel_loop3A_399 = tpu.dynamic_gather %parallel_loop3A_393[%parallel_loop3A_398] in [0] : vector<16xf32>, vector<16xi32> -> vector<16xf32>
        %parallel_loop3A_400 = arith.addf %parallel_loop3A_393, %parallel_loop3A_399 : vector<16xf32>
        %parallel_loop3A_401 = arith.constant 1 : i32
        %parallel_loop3A_402 = vector.broadcast %parallel_loop3A_401 : i32 to vector<16xi32>
        %parallel_loop3A_403 = arith.xori %parallel_loop3A_379, %parallel_loop3A_402 : vector<16xi32>
        %parallel_loop3A_404 = vector.shape_cast %parallel_loop3A_403 : vector<16xi32> to vector<16x1xi32>
        %parallel_loop3A_405 = vector.shape_cast %parallel_loop3A_404 : vector<16x1xi32> to vector<16xi32>
        %parallel_loop3A_406 = tpu.dynamic_gather %parallel_loop3A_400[%parallel_loop3A_405] in [0] : vector<16xf32>, vector<16xi32> -> vector<16xf32>
        %parallel_loop3A_407 = arith.addf %parallel_loop3A_400, %parallel_loop3A_406 : vector<16xf32>
        %parallel_loop3A_408 = arith.constant 1.562500e-02 : f32
        %parallel_loop3A_409 = vector.broadcast %parallel_loop3A_408 : f32 to vector<16xf32>
        %parallel_loop3A_410 = arith.mulf %parallel_loop3A_407, %parallel_loop3A_409 : vector<16xf32>
        %parallel_loop3A_411 = arith.mulf %parallel_loop3A_375, %parallel_loop3A_375 : vector<16xf32>
        %parallel_loop3A_412 = arith.subf %parallel_loop3A_410, %parallel_loop3A_411 : vector<16xf32>
        %parallel_loop3A_413 = arith.constant 9.99999974E-6 : f32
        %parallel_loop3A_414 = vector.broadcast %parallel_loop3A_413 : f32 to vector<16xf32>
        %parallel_loop3A_415 = arith.addf %parallel_loop3A_412, %parallel_loop3A_414 : vector<16xf32>
        %parallel_loop3A_416 = tpu.bitcast %parallel_loop3A_415 : vector<16xf32> -> vector<16xi32>
        %parallel_loop3A_417 = arith.constant 1 : i32
        %parallel_loop3A_418 = vector.broadcast %parallel_loop3A_417 : i32 to vector<16xi32>
        %parallel_loop3A_419 = arith.shrui %parallel_loop3A_416, %parallel_loop3A_418 : vector<16xi32>
        %parallel_loop3A_420 = arith.constant 1597463007 : i32
        %parallel_loop3A_421 = vector.broadcast %parallel_loop3A_420 : i32 to vector<16xi32>
        %parallel_loop3A_422 = arith.subi %parallel_loop3A_421, %parallel_loop3A_419 : vector<16xi32>
        %parallel_loop3A_423 = tpu.bitcast %parallel_loop3A_422 : vector<16xi32> -> vector<16xf32>
        %parallel_loop3A_424 = arith.constant 5.000000e-01 : f32
        %parallel_loop3A_425 = vector.broadcast %parallel_loop3A_424 : f32 to vector<16xf32>
        %parallel_loop3A_426 = arith.mulf %parallel_loop3A_425, %parallel_loop3A_415 : vector<16xf32>
        %parallel_loop3A_427 = arith.mulf %parallel_loop3A_426, %parallel_loop3A_423 : vector<16xf32>
        %parallel_loop3A_428 = arith.mulf %parallel_loop3A_427, %parallel_loop3A_423 : vector<16xf32>
        %parallel_loop3A_429 = arith.constant 1.500000e+00 : f32
        %parallel_loop3A_430 = vector.broadcast %parallel_loop3A_429 : f32 to vector<16xf32>
        %parallel_loop3A_431 = arith.subf %parallel_loop3A_430, %parallel_loop3A_428 : vector<16xf32>
        %parallel_loop3A_432 = arith.mulf %parallel_loop3A_423, %parallel_loop3A_431 : vector<16xf32>
        %parallel_loop3A_433 = arith.constant 5.000000e-01 : f32
        %parallel_loop3A_434 = vector.broadcast %parallel_loop3A_433 : f32 to vector<16xf32>
        %parallel_loop3A_435 = arith.mulf %parallel_loop3A_434, %parallel_loop3A_415 : vector<16xf32>
        %parallel_loop3A_436 = arith.mulf %parallel_loop3A_435, %parallel_loop3A_432 : vector<16xf32>
        %parallel_loop3A_437 = arith.mulf %parallel_loop3A_436, %parallel_loop3A_432 : vector<16xf32>
        %parallel_loop3A_438 = arith.constant 1.500000e+00 : f32
        %parallel_loop3A_439 = vector.broadcast %parallel_loop3A_438 : f32 to vector<16xf32>
        %parallel_loop3A_440 = arith.subf %parallel_loop3A_439, %parallel_loop3A_437 : vector<16xf32>
        %parallel_loop3A_441 = arith.mulf %parallel_loop3A_432, %parallel_loop3A_440 : vector<16xf32>
        %parallel_loop3A_442 = arith.constant 5.000000e-01 : f32
        %parallel_loop3A_443 = vector.broadcast %parallel_loop3A_442 : f32 to vector<16xf32>
        %parallel_loop3A_444 = arith.mulf %parallel_loop3A_443, %parallel_loop3A_415 : vector<16xf32>
        %parallel_loop3A_445 = arith.mulf %parallel_loop3A_444, %parallel_loop3A_441 : vector<16xf32>
        %parallel_loop3A_446 = arith.mulf %parallel_loop3A_445, %parallel_loop3A_441 : vector<16xf32>
        %parallel_loop3A_447 = arith.constant 1.500000e+00 : f32
        %parallel_loop3A_448 = vector.broadcast %parallel_loop3A_447 : f32 to vector<16xf32>
        %parallel_loop3A_449 = arith.subf %parallel_loop3A_448, %parallel_loop3A_446 : vector<16xf32>
        %parallel_loop3A_450 = arith.mulf %parallel_loop3A_441, %parallel_loop3A_449 : vector<16xf32>
        %parallel_loop3A_451 = arith.subf %parallel_loop3A_321, %parallel_loop3A_375 : vector<16xf32>
        %parallel_loop3A_452 = arith.mulf %parallel_loop3A_451, %parallel_loop3A_450 : vector<16xf32>
        %parallel_loop3A_453 = arith.subf %parallel_loop3A_326, %parallel_loop3A_375 : vector<16xf32>
        %parallel_loop3A_454 = arith.mulf %parallel_loop3A_453, %parallel_loop3A_450 : vector<16xf32>
        %parallel_loop3A_455 = arith.subf %parallel_loop3A_331, %parallel_loop3A_375 : vector<16xf32>
        %parallel_loop3A_456 = arith.mulf %parallel_loop3A_455, %parallel_loop3A_450 : vector<16xf32>
        %parallel_loop3A_457 = arith.subf %parallel_loop3A_336, %parallel_loop3A_375 : vector<16xf32>
        %parallel_loop3A_458 = arith.mulf %parallel_loop3A_457, %parallel_loop3A_450 : vector<16xf32>
        %parallel_loop3A_459 = arith.index_cast %parallel_loop3A_316 : i32 to index
        %parallel_loop3A_460 = arith.constant 0 : index
        %parallel_loop3A_461 = tpu.vector_load %arg13[%parallel_loop3A_459, %parallel_loop3A_460] {strides = array<i32>} : memref<128x64xf32, #tpu.memory_space<vmem>>, vector<1x16xf32>,
        %parallel_loop3A_462 = vector.shape_cast %parallel_loop3A_461 : vector<1x16xf32> to vector<16xf32>
        %parallel_loop3A_463 = vector.shape_cast %parallel_loop3A_452 : vector<16xf32> to vector<1x16xf32>
        tpu.vector_store %arg13[%parallel_loop3A_459, %parallel_loop3A_460], %parallel_loop3A_463 {strides = array<i32>} : memref<128x64xf32, #tpu.memory_space<vmem>>, vector<1x16xf32>,
        %parallel_loop3A_464 = arith.index_cast %parallel_loop3A_316 : i32 to index
        %parallel_loop3A_465 = arith.constant 16 : index
        %parallel_loop3A_466 = tpu.vector_load %arg13[%parallel_loop3A_464, %parallel_loop3A_465] {strides = array<i32>} : memref<128x64xf32, #tpu.memory_space<vmem>>, vector<1x16xf32>,
        %parallel_loop3A_467 = vector.shape_cast %parallel_loop3A_466 : vector<1x16xf32> to vector<16xf32>
        %parallel_loop3A_468 = vector.shape_cast %parallel_loop3A_454 : vector<16xf32> to vector<1x16xf32>
        tpu.vector_store %arg13[%parallel_loop3A_464, %parallel_loop3A_465], %parallel_loop3A_468 {strides = array<i32>} : memref<128x64xf32, #tpu.memory_space<vmem>>, vector<1x16xf32>,
        %parallel_loop3A_469 = arith.index_cast %parallel_loop3A_316 : i32 to index
        %parallel_loop3A_470 = arith.constant 32 : index
        %parallel_loop3A_471 = tpu.vector_load %arg13[%parallel_loop3A_469, %parallel_loop3A_470] {strides = array<i32>} : memref<128x64xf32, #tpu.memory_space<vmem>>, vector<1x16xf32>,
        %parallel_loop3A_472 = vector.shape_cast %parallel_loop3A_471 : vector<1x16xf32> to vector<16xf32>
        %parallel_loop3A_473 = vector.shape_cast %parallel_loop3A_456 : vector<16xf32> to vector<1x16xf32>
        tpu.vector_store %arg13[%parallel_loop3A_469, %parallel_loop3A_470], %parallel_loop3A_473 {strides = array<i32>} : memref<128x64xf32, #tpu.memory_space<vmem>>, vector<1x16xf32>,
        %parallel_loop3A_474 = arith.index_cast %parallel_loop3A_316 : i32 to index
        %parallel_loop3A_475 = arith.constant 48 : index
        %parallel_loop3A_476 = tpu.vector_load %arg13[%parallel_loop3A_474, %parallel_loop3A_475] {strides = array<i32>} : memref<128x64xf32, #tpu.memory_space<vmem>>, vector<1x16xf32>,
        %parallel_loop3A_477 = vector.shape_cast %parallel_loop3A_476 : vector<1x16xf32> to vector<16xf32>
        %parallel_loop3A_478 = vector.shape_cast %parallel_loop3A_458 : vector<16xf32> to vector<1x16xf32>
        tpu.vector_store %arg13[%parallel_loop3A_474, %parallel_loop3A_475], %parallel_loop3A_478 {strides = array<i32>} : memref<128x64xf32, #tpu.memory_space<vmem>>, vector<1x16xf32>,
      } {sc.loop_unroll_factor = 4 : i64, sc.parallel_access}
      %add3A_235 = arith.constant 4 : i32
      %add3A_236 = arith.addi %add3A_179, %add3A_235 : i32
      %lt3A_237 = arith.constant 200 : i32
      %lt3A_238 = arith.cmpi slt, %add3A_236, %lt3A_237 : i32
      %convert_element_type3A_239 = arith.extui %lt3A_238 : i1 to i32
      %cond3A_240 = arith.constant 0 : i32
      %cond3A_241 = arith.cmpi ne, %convert_element_type3A_239, %cond3A_240 : i32
      scf.if %cond3A_241 {
        %add3A_316 = arith.constant 4 : i32
        %add3A_317 = arith.addi %add3A_179, %add3A_316 : i32
        %mul3A_318 = arith.constant 128 : i32
        %mul3A_319 = arith.muli %add3A_317, %mul3A_318 : i32
        %dma_start3A_320 = tpu.memref_slice %arg6[%mul3A_319] : memref<25600xi32, #tpu.memory_space<vmem>> -> memref<128xi32, #tpu.memory_space<vmem>>
        %dma_start3A_321 = arith.constant 0 : i32
        %dma_start3A_322 = arith.constant 0 : i32
        %dma_start3A_323 = tpu.memref_slice %arg3[%dma_start3A_321, %dma_start3A_322] : memref<1000000x64xf32, #tpu.memory_space<hbm>> -> memref<1000000x64xf32, #tpu.memory_space<hbm>>
        tpu.enqueue_indirect_dma source(%dma_start3A_323 : memref<1000000x64xf32, #tpu.memory_space<hbm>>) target(%arg9 : memref<128x64xf32, #tpu.memory_space<vmem>>) offsets(%dma_start3A_320 : memref<128xi32, #tpu.memory_space<vmem>>) semaphore(%arg18 : memref<!tpu.dma_semaphore, #tpu.memory_space<semaphore_mem>>)
      } else {
      }
      %add3A_242 = arith.addi %multiple_of3A, %mul3A_181 : i32
      %dma_start3A_243 = arith.constant 0 : i32
      %dma_start3A_244 = tpu.memref_slice %arg5[%add3A_242, %dma_start3A_243] : memref<819200x64xf32, #tpu.memory_space<hbm>> -> memref<128x64xf32, #tpu.memory_space<hbm>>
      %dma_start3A_245 = arith.constant 0 : i32
      %dma_start3A_246 = tpu.memref_slice %arg5[%add3A_242, %dma_start3A_245] : memref<819200x64xf32, #tpu.memory_space<hbm>> -> memref<128x64xf32, #tpu.memory_space<hbm>>
      tpu.enqueue_dma source(%arg13 : memref<128x64xf32, #tpu.memory_space<vmem>>) target(%dma_start3A_246 : memref<128x64xf32, #tpu.memory_space<hbm>>) target_semaphore(%arg22 : memref<!tpu.dma_semaphore, #tpu.memory_space<semaphore_mem>>)
      %add3A_247 = arith.constant 3 : i32
      %add3A_248 = arith.addi %add3A_53, %add3A_247 : i32
      %mul3A_249 = arith.constant 128 : i32
      %mul3A_250 = arith.muli %add3A_248, %mul3A_249 : i32
      %dma_wait3A_251 = tpu.memref_slice %arg6[%mul3A_250] : memref<25600xi32, #tpu.memory_space<vmem>> -> memref<128xi32, #tpu.memory_space<vmem>>
      %dma_wait3A_252 = arith.constant 0 : i32
      %dma_wait3A_253 = arith.constant 0 : i32
      %dma_wait3A_254 = tpu.memref_slice %arg3[%dma_wait3A_252, %dma_wait3A_253] : memref<1000000x64xf32, #tpu.memory_space<hbm>> -> memref<1000000x64xf32, #tpu.memory_space<hbm>>
      tpu.wait_indirect_dma semaphore(%arg19 : memref<!tpu.dma_semaphore, #tpu.memory_space<semaphore_mem>>) src(%dma_wait3A_254 : memref<1000000x64xf32, #tpu.memory_space<hbm>>) dst(%arg10 : memref<128x64xf32, #tpu.memory_space<vmem>>)
      %gt3A_255 = arith.constant 0 : i32
      %gt3A_256 = arith.cmpi sgt, %add3A_53, %gt3A_255 : i32
      %convert_element_type3A_257 = arith.extui %gt3A_256 : i1 to i32
      %cond3A_258 = arith.constant 0 : i32
      %cond3A_259 = arith.cmpi ne, %convert_element_type3A_257, %cond3A_258 : i32
      scf.if %cond3A_259 {
        %add3A_316 = arith.addi %multiple_of3A, %mul3A_250 : i32
        %sub3A_317 = arith.constant 512 : i32
        %sub3A_318 = arith.subi %add3A_316, %sub3A_317 : i32
        %dma_wait3A_319 = arith.constant 0 : i32
        %dma_wait3A_320 = tpu.memref_slice %arg5[%sub3A_318, %dma_wait3A_319] : memref<819200x64xf32, #tpu.memory_space<hbm>> -> memref<128x64xf32, #tpu.memory_space<hbm>>
        %dma_wait3A_321 = arith.constant 0 : i32
        %dma_wait3A_322 = tpu.memref_slice %arg5[%sub3A_318, %dma_wait3A_321] : memref<819200x64xf32, #tpu.memory_space<hbm>> -> memref<128x64xf32, #tpu.memory_space<hbm>>
        tpu.wait_dma2 semaphore(%arg23 : memref<!tpu.dma_semaphore, #tpu.memory_space<semaphore_mem>>) src(%arg14 : memref<128x64xf32, #tpu.memory_space<vmem>>) dst(%dma_wait3A_322 : memref<128x64xf32, #tpu.memory_space<hbm>>)
      } else {
      }
      %add3A_260 = arith.addi %multiple_of3A, %mul3A_250 : i32
      %jit3A_261 = arith.constant 4096 : i32
      %div3A_262 = arith.divsi %add3A_260, %jit3A_261 : i32
      %sign3A_263 = arith.constant 0 : i32
      %sign3A_264 = arith.cmpi sgt, %add3A_260, %sign3A_263 : i32
      %sign3A_265 = arith.extui %sign3A_264 : i1 to i32
      %sign3A_266 = arith.constant 0 : i32
      %sign3A_267 = arith.cmpi slt, %add3A_260, %sign3A_266 : i32
      %sign3A_268 = arith.extui %sign3A_267 : i1 to i32
      %sign3A_269 = arith.subi %sign3A_265, %sign3A_268 : i32
      %sign3A_270 = arith.constant 0 : i32
      %sign3A_271 = arith.cmpi sgt, %jit3A_261, %sign3A_270 : i32
      %sign3A_272 = arith.extui %sign3A_271 : i1 to i32
      %sign3A_273 = arith.constant 0 : i32
      %sign3A_274 = arith.cmpi slt, %jit3A_261, %sign3A_273 : i32
      %sign3A_275 = arith.extui %sign3A_274 : i1 to i32
      %sign3A_276 = arith.subi %sign3A_272, %sign3A_275 : i32
      %ne3A_277 = arith.cmpi ne, %sign3A_269, %sign3A_276 : i32
      %rem3A_278 = arith.remsi %add3A_260, %jit3A_261 : i32
      %ne3A_279 = arith.constant 0 : i32
      %ne3A_280 = arith.cmpi ne, %rem3A_278, %ne3A_279 : i32
      %and3A_281 = arith.andi %ne3A_277, %ne3A_280 : i1
      %sub3A_282 = arith.constant 1 : i32
      %sub3A_283 = arith.subi %div3A_262, %sub3A_282 : i32
      %select_n3A_284 = arith.select %and3A_281, %sub3A_283, %div3A_262 : i32
      %get3A_285 = arith.index_cast %select_n3A_284 : i32 to index
      %get3A_286 = arith.constant 0 : index
      %get3A_287 = tpu.vector_load %arg15[%get3A_285, %get3A_286] {strides = array<i32>} : memref<200x64xf32, #tpu.memory_space<vmem>>, vector<1x16xf32>,
      %get3A_288 = vector.shape_cast %get3A_287 : vector<1x16xf32> to vector<16xf32>
      %get3A_289 = arith.index_cast %select_n3A_284 : i32 to index
      %get3A_290 = arith.constant 16 : index
      %get3A_291 = tpu.vector_load %arg15[%get3A_289, %get3A_290] {strides = array<i32>} : memref<200x64xf32, #tpu.memory_space<vmem>>, vector<1x16xf32>,
      %get3A_292 = vector.shape_cast %get3A_291 : vector<1x16xf32> to vector<16xf32>
      %get3A_293 = arith.index_cast %select_n3A_284 : i32 to index
      %get3A_294 = arith.constant 32 : index
      %get3A_295 = tpu.vector_load %arg15[%get3A_293, %get3A_294] {strides = array<i32>} : memref<200x64xf32, #tpu.memory_space<vmem>>, vector<1x16xf32>,
      %get3A_296 = vector.shape_cast %get3A_295 : vector<1x16xf32> to vector<16xf32>
      %get3A_297 = arith.index_cast %select_n3A_284 : i32 to index
      %get3A_298 = arith.constant 48 : index
      %get3A_299 = tpu.vector_load %arg15[%get3A_297, %get3A_298] {strides = array<i32>} : memref<200x64xf32, #tpu.memory_space<vmem>>, vector<1x16xf32>,
      %get3A_300 = vector.shape_cast %get3A_299 : vector<1x16xf32> to vector<16xf32>
      %parallel_loop3A_301 = arith.constant 0 : i32
      %parallel_loop3A_302 = arith.constant 128 : i32
      %parallel_loop3A_303 = arith.constant 1 : i32
      scf.for %parallel_loop3A_316 = %parallel_loop3A_301 to %parallel_loop3A_302 step %parallel_loop3A_303  : i32 {
        %parallel_loop3A_317 = arith.index_cast %parallel_loop3A_316 : i32 to index
        %parallel_loop3A_318 = arith.constant 0 : index
        %parallel_loop3A_319 = tpu.vector_load %arg10[%parallel_loop3A_317, %parallel_loop3A_318] {strides = array<i32>} : memref<128x64xf32, #tpu.memory_space<vmem>>, vector<1x16xf32>,
        %parallel_loop3A_320 = vector.shape_cast %parallel_loop3A_319 : vector<1x16xf32> to vector<16xf32>
        %parallel_loop3A_321 = arith.addf %parallel_loop3A_320, %get3A_288 : vector<16xf32>
        %parallel_loop3A_322 = arith.index_cast %parallel_loop3A_316 : i32 to index
        %parallel_loop3A_323 = arith.constant 16 : index
        %parallel_loop3A_324 = tpu.vector_load %arg10[%parallel_loop3A_322, %parallel_loop3A_323] {strides = array<i32>} : memref<128x64xf32, #tpu.memory_space<vmem>>, vector<1x16xf32>,
        %parallel_loop3A_325 = vector.shape_cast %parallel_loop3A_324 : vector<1x16xf32> to vector<16xf32>
        %parallel_loop3A_326 = arith.addf %parallel_loop3A_325, %get3A_292 : vector<16xf32>
        %parallel_loop3A_327 = arith.index_cast %parallel_loop3A_316 : i32 to index
        %parallel_loop3A_328 = arith.constant 32 : index
        %parallel_loop3A_329 = tpu.vector_load %arg10[%parallel_loop3A_327, %parallel_loop3A_328] {strides = array<i32>} : memref<128x64xf32, #tpu.memory_space<vmem>>, vector<1x16xf32>,
        %parallel_loop3A_330 = vector.shape_cast %parallel_loop3A_329 : vector<1x16xf32> to vector<16xf32>
        %parallel_loop3A_331 = arith.addf %parallel_loop3A_330, %get3A_296 : vector<16xf32>
        %parallel_loop3A_332 = arith.index_cast %parallel_loop3A_316 : i32 to index
        %parallel_loop3A_333 = arith.constant 48 : index
        %parallel_loop3A_334 = tpu.vector_load %arg10[%parallel_loop3A_332, %parallel_loop3A_333] {strides = array<i32>} : memref<128x64xf32, #tpu.memory_space<vmem>>, vector<1x16xf32>,
        %parallel_loop3A_335 = vector.shape_cast %parallel_loop3A_334 : vector<1x16xf32> to vector<16xf32>
        %parallel_loop3A_336 = arith.addf %parallel_loop3A_335, %get3A_300 : vector<16xf32>
        %parallel_loop3A_337 = arith.mulf %parallel_loop3A_321, %parallel_loop3A_321 : vector<16xf32>
        %parallel_loop3A_338 = arith.mulf %parallel_loop3A_326, %parallel_loop3A_326 : vector<16xf32>
        %parallel_loop3A_339 = arith.mulf %parallel_loop3A_331, %parallel_loop3A_331 : vector<16xf32>
        %parallel_loop3A_340 = arith.mulf %parallel_loop3A_336, %parallel_loop3A_336 : vector<16xf32>
        %parallel_loop3A_341 = arith.addf %parallel_loop3A_321, %parallel_loop3A_326 : vector<16xf32>
        %parallel_loop3A_342 = arith.addf %parallel_loop3A_331, %parallel_loop3A_336 : vector<16xf32>
        %parallel_loop3A_343 = arith.addf %parallel_loop3A_341, %parallel_loop3A_342 : vector<16xf32>
        %parallel_loop3A_344 = tpu.iota {dimensions = array<i32: 0>} : vector<16xi32>
        %parallel_loop3A_345 = arith.constant 8 : i32
        %parallel_loop3A_346 = vector.broadcast %parallel_loop3A_345 : i32 to vector<16xi32>
        %parallel_loop3A_347 = arith.xori %parallel_loop3A_344, %parallel_loop3A_346 : vector<16xi32>
        %parallel_loop3A_348 = vector.shape_cast %parallel_loop3A_347 : vector<16xi32> to vector<16x1xi32>
        %parallel_loop3A_349 = vector.shape_cast %parallel_loop3A_348 : vector<16x1xi32> to vector<16xi32>
        %parallel_loop3A_350 = tpu.dynamic_gather %parallel_loop3A_343[%parallel_loop3A_349] in [0] : vector<16xf32>, vector<16xi32> -> vector<16xf32>
        %parallel_loop3A_351 = arith.addf %parallel_loop3A_343, %parallel_loop3A_350 : vector<16xf32>
        %parallel_loop3A_352 = arith.constant 4 : i32
        %parallel_loop3A_353 = vector.broadcast %parallel_loop3A_352 : i32 to vector<16xi32>
        %parallel_loop3A_354 = arith.xori %parallel_loop3A_344, %parallel_loop3A_353 : vector<16xi32>
        %parallel_loop3A_355 = vector.shape_cast %parallel_loop3A_354 : vector<16xi32> to vector<16x1xi32>
        %parallel_loop3A_356 = vector.shape_cast %parallel_loop3A_355 : vector<16x1xi32> to vector<16xi32>
        %parallel_loop3A_357 = tpu.dynamic_gather %parallel_loop3A_351[%parallel_loop3A_356] in [0] : vector<16xf32>, vector<16xi32> -> vector<16xf32>
        %parallel_loop3A_358 = arith.addf %parallel_loop3A_351, %parallel_loop3A_357 : vector<16xf32>
        %parallel_loop3A_359 = arith.constant 2 : i32
        %parallel_loop3A_360 = vector.broadcast %parallel_loop3A_359 : i32 to vector<16xi32>
        %parallel_loop3A_361 = arith.xori %parallel_loop3A_344, %parallel_loop3A_360 : vector<16xi32>
        %parallel_loop3A_362 = vector.shape_cast %parallel_loop3A_361 : vector<16xi32> to vector<16x1xi32>
        %parallel_loop3A_363 = vector.shape_cast %parallel_loop3A_362 : vector<16x1xi32> to vector<16xi32>
        %parallel_loop3A_364 = tpu.dynamic_gather %parallel_loop3A_358[%parallel_loop3A_363] in [0] : vector<16xf32>, vector<16xi32> -> vector<16xf32>
        %parallel_loop3A_365 = arith.addf %parallel_loop3A_358, %parallel_loop3A_364 : vector<16xf32>
        %parallel_loop3A_366 = arith.constant 1 : i32
        %parallel_loop3A_367 = vector.broadcast %parallel_loop3A_366 : i32 to vector<16xi32>
        %parallel_loop3A_368 = arith.xori %parallel_loop3A_344, %parallel_loop3A_367 : vector<16xi32>
        %parallel_loop3A_369 = vector.shape_cast %parallel_loop3A_368 : vector<16xi32> to vector<16x1xi32>
        %parallel_loop3A_370 = vector.shape_cast %parallel_loop3A_369 : vector<16x1xi32> to vector<16xi32>
        %parallel_loop3A_371 = tpu.dynamic_gather %parallel_loop3A_365[%parallel_loop3A_370] in [0] : vector<16xf32>, vector<16xi32> -> vector<16xf32>
        %parallel_loop3A_372 = arith.addf %parallel_loop3A_365, %parallel_loop3A_371 : vector<16xf32>
        %parallel_loop3A_373 = arith.constant 1.562500e-02 : f32
        %parallel_loop3A_374 = vector.broadcast %parallel_loop3A_373 : f32 to vector<16xf32>
        %parallel_loop3A_375 = arith.mulf %parallel_loop3A_372, %parallel_loop3A_374 : vector<16xf32>
        %parallel_loop3A_376 = arith.addf %parallel_loop3A_337, %parallel_loop3A_338 : vector<16xf32>
        %parallel_loop3A_377 = arith.addf %parallel_loop3A_339, %parallel_loop3A_340 : vector<16xf32>
        %parallel_loop3A_378 = arith.addf %parallel_loop3A_376, %parallel_loop3A_377 : vector<16xf32>
        %parallel_loop3A_379 = tpu.iota {dimensions = array<i32: 0>} : vector<16xi32>
        %parallel_loop3A_380 = arith.constant 8 : i32
        %parallel_loop3A_381 = vector.broadcast %parallel_loop3A_380 : i32 to vector<16xi32>
        %parallel_loop3A_382 = arith.xori %parallel_loop3A_379, %parallel_loop3A_381 : vector<16xi32>
        %parallel_loop3A_383 = vector.shape_cast %parallel_loop3A_382 : vector<16xi32> to vector<16x1xi32>
        %parallel_loop3A_384 = vector.shape_cast %parallel_loop3A_383 : vector<16x1xi32> to vector<16xi32>
        %parallel_loop3A_385 = tpu.dynamic_gather %parallel_loop3A_378[%parallel_loop3A_384] in [0] : vector<16xf32>, vector<16xi32> -> vector<16xf32>
        %parallel_loop3A_386 = arith.addf %parallel_loop3A_378, %parallel_loop3A_385 : vector<16xf32>
        %parallel_loop3A_387 = arith.constant 4 : i32
        %parallel_loop3A_388 = vector.broadcast %parallel_loop3A_387 : i32 to vector<16xi32>
        %parallel_loop3A_389 = arith.xori %parallel_loop3A_379, %parallel_loop3A_388 : vector<16xi32>
        %parallel_loop3A_390 = vector.shape_cast %parallel_loop3A_389 : vector<16xi32> to vector<16x1xi32>
        %parallel_loop3A_391 = vector.shape_cast %parallel_loop3A_390 : vector<16x1xi32> to vector<16xi32>
        %parallel_loop3A_392 = tpu.dynamic_gather %parallel_loop3A_386[%parallel_loop3A_391] in [0] : vector<16xf32>, vector<16xi32> -> vector<16xf32>
        %parallel_loop3A_393 = arith.addf %parallel_loop3A_386, %parallel_loop3A_392 : vector<16xf32>
        %parallel_loop3A_394 = arith.constant 2 : i32
        %parallel_loop3A_395 = vector.broadcast %parallel_loop3A_394 : i32 to vector<16xi32>
        %parallel_loop3A_396 = arith.xori %parallel_loop3A_379, %parallel_loop3A_395 : vector<16xi32>
        %parallel_loop3A_397 = vector.shape_cast %parallel_loop3A_396 : vector<16xi32> to vector<16x1xi32>
        %parallel_loop3A_398 = vector.shape_cast %parallel_loop3A_397 : vector<16x1xi32> to vector<16xi32>
        %parallel_loop3A_399 = tpu.dynamic_gather %parallel_loop3A_393[%parallel_loop3A_398] in [0] : vector<16xf32>, vector<16xi32> -> vector<16xf32>
        %parallel_loop3A_400 = arith.addf %parallel_loop3A_393, %parallel_loop3A_399 : vector<16xf32>
        %parallel_loop3A_401 = arith.constant 1 : i32
        %parallel_loop3A_402 = vector.broadcast %parallel_loop3A_401 : i32 to vector<16xi32>
        %parallel_loop3A_403 = arith.xori %parallel_loop3A_379, %parallel_loop3A_402 : vector<16xi32>
        %parallel_loop3A_404 = vector.shape_cast %parallel_loop3A_403 : vector<16xi32> to vector<16x1xi32>
        %parallel_loop3A_405 = vector.shape_cast %parallel_loop3A_404 : vector<16x1xi32> to vector<16xi32>
        %parallel_loop3A_406 = tpu.dynamic_gather %parallel_loop3A_400[%parallel_loop3A_405] in [0] : vector<16xf32>, vector<16xi32> -> vector<16xf32>
        %parallel_loop3A_407 = arith.addf %parallel_loop3A_400, %parallel_loop3A_406 : vector<16xf32>
        %parallel_loop3A_408 = arith.constant 1.562500e-02 : f32
        %parallel_loop3A_409 = vector.broadcast %parallel_loop3A_408 : f32 to vector<16xf32>
        %parallel_loop3A_410 = arith.mulf %parallel_loop3A_407, %parallel_loop3A_409 : vector<16xf32>
        %parallel_loop3A_411 = arith.mulf %parallel_loop3A_375, %parallel_loop3A_375 : vector<16xf32>
        %parallel_loop3A_412 = arith.subf %parallel_loop3A_410, %parallel_loop3A_411 : vector<16xf32>
        %parallel_loop3A_413 = arith.constant 9.99999974E-6 : f32
        %parallel_loop3A_414 = vector.broadcast %parallel_loop3A_413 : f32 to vector<16xf32>
        %parallel_loop3A_415 = arith.addf %parallel_loop3A_412, %parallel_loop3A_414 : vector<16xf32>
        %parallel_loop3A_416 = tpu.bitcast %parallel_loop3A_415 : vector<16xf32> -> vector<16xi32>
        %parallel_loop3A_417 = arith.constant 1 : i32
        %parallel_loop3A_418 = vector.broadcast %parallel_loop3A_417 : i32 to vector<16xi32>
        %parallel_loop3A_419 = arith.shrui %parallel_loop3A_416, %parallel_loop3A_418 : vector<16xi32>
        %parallel_loop3A_420 = arith.constant 1597463007 : i32
        %parallel_loop3A_421 = vector.broadcast %parallel_loop3A_420 : i32 to vector<16xi32>
        %parallel_loop3A_422 = arith.subi %parallel_loop3A_421, %parallel_loop3A_419 : vector<16xi32>
        %parallel_loop3A_423 = tpu.bitcast %parallel_loop3A_422 : vector<16xi32> -> vector<16xf32>
        %parallel_loop3A_424 = arith.constant 5.000000e-01 : f32
        %parallel_loop3A_425 = vector.broadcast %parallel_loop3A_424 : f32 to vector<16xf32>
        %parallel_loop3A_426 = arith.mulf %parallel_loop3A_425, %parallel_loop3A_415 : vector<16xf32>
        %parallel_loop3A_427 = arith.mulf %parallel_loop3A_426, %parallel_loop3A_423 : vector<16xf32>
        %parallel_loop3A_428 = arith.mulf %parallel_loop3A_427, %parallel_loop3A_423 : vector<16xf32>
        %parallel_loop3A_429 = arith.constant 1.500000e+00 : f32
        %parallel_loop3A_430 = vector.broadcast %parallel_loop3A_429 : f32 to vector<16xf32>
        %parallel_loop3A_431 = arith.subf %parallel_loop3A_430, %parallel_loop3A_428 : vector<16xf32>
        %parallel_loop3A_432 = arith.mulf %parallel_loop3A_423, %parallel_loop3A_431 : vector<16xf32>
        %parallel_loop3A_433 = arith.constant 5.000000e-01 : f32
        %parallel_loop3A_434 = vector.broadcast %parallel_loop3A_433 : f32 to vector<16xf32>
        %parallel_loop3A_435 = arith.mulf %parallel_loop3A_434, %parallel_loop3A_415 : vector<16xf32>
        %parallel_loop3A_436 = arith.mulf %parallel_loop3A_435, %parallel_loop3A_432 : vector<16xf32>
        %parallel_loop3A_437 = arith.mulf %parallel_loop3A_436, %parallel_loop3A_432 : vector<16xf32>
        %parallel_loop3A_438 = arith.constant 1.500000e+00 : f32
        %parallel_loop3A_439 = vector.broadcast %parallel_loop3A_438 : f32 to vector<16xf32>
        %parallel_loop3A_440 = arith.subf %parallel_loop3A_439, %parallel_loop3A_437 : vector<16xf32>
        %parallel_loop3A_441 = arith.mulf %parallel_loop3A_432, %parallel_loop3A_440 : vector<16xf32>
        %parallel_loop3A_442 = arith.constant 5.000000e-01 : f32
        %parallel_loop3A_443 = vector.broadcast %parallel_loop3A_442 : f32 to vector<16xf32>
        %parallel_loop3A_444 = arith.mulf %parallel_loop3A_443, %parallel_loop3A_415 : vector<16xf32>
        %parallel_loop3A_445 = arith.mulf %parallel_loop3A_444, %parallel_loop3A_441 : vector<16xf32>
        %parallel_loop3A_446 = arith.mulf %parallel_loop3A_445, %parallel_loop3A_441 : vector<16xf32>
        %parallel_loop3A_447 = arith.constant 1.500000e+00 : f32
        %parallel_loop3A_448 = vector.broadcast %parallel_loop3A_447 : f32 to vector<16xf32>
        %parallel_loop3A_449 = arith.subf %parallel_loop3A_448, %parallel_loop3A_446 : vector<16xf32>
        %parallel_loop3A_450 = arith.mulf %parallel_loop3A_441, %parallel_loop3A_449 : vector<16xf32>
        %parallel_loop3A_451 = arith.subf %parallel_loop3A_321, %parallel_loop3A_375 : vector<16xf32>
        %parallel_loop3A_452 = arith.mulf %parallel_loop3A_451, %parallel_loop3A_450 : vector<16xf32>
        %parallel_loop3A_453 = arith.subf %parallel_loop3A_326, %parallel_loop3A_375 : vector<16xf32>
        %parallel_loop3A_454 = arith.mulf %parallel_loop3A_453, %parallel_loop3A_450 : vector<16xf32>
        %parallel_loop3A_455 = arith.subf %parallel_loop3A_331, %parallel_loop3A_375 : vector<16xf32>
        %parallel_loop3A_456 = arith.mulf %parallel_loop3A_455, %parallel_loop3A_450 : vector<16xf32>
        %parallel_loop3A_457 = arith.subf %parallel_loop3A_336, %parallel_loop3A_375 : vector<16xf32>
        %parallel_loop3A_458 = arith.mulf %parallel_loop3A_457, %parallel_loop3A_450 : vector<16xf32>
        %parallel_loop3A_459 = arith.index_cast %parallel_loop3A_316 : i32 to index
        %parallel_loop3A_460 = arith.constant 0 : index
        %parallel_loop3A_461 = tpu.vector_load %arg14[%parallel_loop3A_459, %parallel_loop3A_460] {strides = array<i32>} : memref<128x64xf32, #tpu.memory_space<vmem>>, vector<1x16xf32>,
        %parallel_loop3A_462 = vector.shape_cast %parallel_loop3A_461 : vector<1x16xf32> to vector<16xf32>
        %parallel_loop3A_463 = vector.shape_cast %parallel_loop3A_452 : vector<16xf32> to vector<1x16xf32>
        tpu.vector_store %arg14[%parallel_loop3A_459, %parallel_loop3A_460], %parallel_loop3A_463 {strides = array<i32>} : memref<128x64xf32, #tpu.memory_space<vmem>>, vector<1x16xf32>,
        %parallel_loop3A_464 = arith.index_cast %parallel_loop3A_316 : i32 to index
        %parallel_loop3A_465 = arith.constant 16 : index
        %parallel_loop3A_466 = tpu.vector_load %arg14[%parallel_loop3A_464, %parallel_loop3A_465] {strides = array<i32>} : memref<128x64xf32, #tpu.memory_space<vmem>>, vector<1x16xf32>,
        %parallel_loop3A_467 = vector.shape_cast %parallel_loop3A_466 : vector<1x16xf32> to vector<16xf32>
        %parallel_loop3A_468 = vector.shape_cast %parallel_loop3A_454 : vector<16xf32> to vector<1x16xf32>
        tpu.vector_store %arg14[%parallel_loop3A_464, %parallel_loop3A_465], %parallel_loop3A_468 {strides = array<i32>} : memref<128x64xf32, #tpu.memory_space<vmem>>, vector<1x16xf32>,
        %parallel_loop3A_469 = arith.index_cast %parallel_loop3A_316 : i32 to index
        %parallel_loop3A_470 = arith.constant 32 : index
        %parallel_loop3A_471 = tpu.vector_load %arg14[%parallel_loop3A_469, %parallel_loop3A_470] {strides = array<i32>} : memref<128x64xf32, #tpu.memory_space<vmem>>, vector<1x16xf32>,
        %parallel_loop3A_472 = vector.shape_cast %parallel_loop3A_471 : vector<1x16xf32> to vector<16xf32>
        %parallel_loop3A_473 = vector.shape_cast %parallel_loop3A_456 : vector<16xf32> to vector<1x16xf32>
        tpu.vector_store %arg14[%parallel_loop3A_469, %parallel_loop3A_470], %parallel_loop3A_473 {strides = array<i32>} : memref<128x64xf32, #tpu.memory_space<vmem>>, vector<1x16xf32>,
        %parallel_loop3A_474 = arith.index_cast %parallel_loop3A_316 : i32 to index
        %parallel_loop3A_475 = arith.constant 48 : index
        %parallel_loop3A_476 = tpu.vector_load %arg14[%parallel_loop3A_474, %parallel_loop3A_475] {strides = array<i32>} : memref<128x64xf32, #tpu.memory_space<vmem>>, vector<1x16xf32>,
        %parallel_loop3A_477 = vector.shape_cast %parallel_loop3A_476 : vector<1x16xf32> to vector<16xf32>
        %parallel_loop3A_478 = vector.shape_cast %parallel_loop3A_458 : vector<16xf32> to vector<1x16xf32>
        tpu.vector_store %arg14[%parallel_loop3A_474, %parallel_loop3A_475], %parallel_loop3A_478 {strides = array<i32>} : memref<128x64xf32, #tpu.memory_space<vmem>>, vector<1x16xf32>,
      } {sc.loop_unroll_factor = 4 : i64, sc.parallel_access}
      %add3A_304 = arith.constant 4 : i32
      %add3A_305 = arith.addi %add3A_248, %add3A_304 : i32
      %lt3A_306 = arith.constant 200 : i32
      %lt3A_307 = arith.cmpi slt, %add3A_305, %lt3A_306 : i32
      %convert_element_type3A_308 = arith.extui %lt3A_307 : i1 to i32
      %cond3A_309 = arith.constant 0 : i32
      %cond3A_310 = arith.cmpi ne, %convert_element_type3A_308, %cond3A_309 : i32
      scf.if %cond3A_310 {
        %add3A_316 = arith.constant 4 : i32
        %add3A_317 = arith.addi %add3A_248, %add3A_316 : i32
        %mul3A_318 = arith.constant 128 : i32
        %mul3A_319 = arith.muli %add3A_317, %mul3A_318 : i32
        %dma_start3A_320 = tpu.memref_slice %arg6[%mul3A_319] : memref<25600xi32, #tpu.memory_space<vmem>> -> memref<128xi32, #tpu.memory_space<vmem>>
        %dma_start3A_321 = arith.constant 0 : i32
        %dma_start3A_322 = arith.constant 0 : i32
        %dma_start3A_323 = tpu.memref_slice %arg3[%dma_start3A_321, %dma_start3A_322] : memref<1000000x64xf32, #tpu.memory_space<hbm>> -> memref<1000000x64xf32, #tpu.memory_space<hbm>>
        tpu.enqueue_indirect_dma source(%dma_start3A_323 : memref<1000000x64xf32, #tpu.memory_space<hbm>>) target(%arg10 : memref<128x64xf32, #tpu.memory_space<vmem>>) offsets(%dma_start3A_320 : memref<128xi32, #tpu.memory_space<vmem>>) semaphore(%arg19 : memref<!tpu.dma_semaphore, #tpu.memory_space<semaphore_mem>>)
      } else {
      }
      %add3A_311 = arith.addi %multiple_of3A, %mul3A_250 : i32
      %dma_start3A_312 = arith.constant 0 : i32
      %dma_start3A_313 = tpu.memref_slice %arg5[%add3A_311, %dma_start3A_312] : memref<819200x64xf32, #tpu.memory_space<hbm>> -> memref<128x64xf32, #tpu.memory_space<hbm>>
      %dma_start3A_314 = arith.constant 0 : i32
      %dma_start3A_315 = tpu.memref_slice %arg5[%add3A_311, %dma_start3A_314] : memref<819200x64xf32, #tpu.memory_space<hbm>> -> memref<128x64xf32, #tpu.memory_space<hbm>>
      tpu.enqueue_dma source(%arg14 : memref<128x64xf32, #tpu.memory_space<vmem>>) target(%dma_start3A_315 : memref<128x64xf32, #tpu.memory_space<hbm>>) target_semaphore(%arg23 : memref<!tpu.dma_semaphore, #tpu.memory_space<semaphore_mem>>)
    }
    %scan3A_25 = arith.constant 50 : i32
    %add3A_26 = arith.constant 25088 : i32
    %add3A_27 = arith.addi %multiple_of3A, %add3A_26 : i32
    %dma_wait3A = arith.constant 0 : i32
    %dma_wait3A_28 = tpu.memref_slice %arg5[%add3A_27, %dma_wait3A] : memref<819200x64xf32, #tpu.memory_space<hbm>> -> memref<128x64xf32, #tpu.memory_space<hbm>>
    %dma_wait3A_29 = arith.constant 0 : i32
    %dma_wait3A_30 = tpu.memref_slice %arg5[%add3A_27, %dma_wait3A_29] : memref<819200x64xf32, #tpu.memory_space<hbm>> -> memref<128x64xf32, #tpu.memory_space<hbm>>
    tpu.wait_dma2 semaphore(%arg20 : memref<!tpu.dma_semaphore, #tpu.memory_space<semaphore_mem>>) src(%arg11 : memref<128x64xf32, #tpu.memory_space<vmem>>) dst(%dma_wait3A_30 : memref<128x64xf32, #tpu.memory_space<hbm>>)
    %add3A_31 = arith.constant 25216 : i32
    %add3A_32 = arith.addi %multiple_of3A, %add3A_31 : i32
    %dma_wait3A_33 = arith.constant 0 : i32
    %dma_wait3A_34 = tpu.memref_slice %arg5[%add3A_32, %dma_wait3A_33] : memref<819200x64xf32, #tpu.memory_space<hbm>> -> memref<128x64xf32, #tpu.memory_space<hbm>>
    %dma_wait3A_35 = arith.constant 0 : i32
    %dma_wait3A_36 = tpu.memref_slice %arg5[%add3A_32, %dma_wait3A_35] : memref<819200x64xf32, #tpu.memory_space<hbm>> -> memref<128x64xf32, #tpu.memory_space<hbm>>
    tpu.wait_dma2 semaphore(%arg21 : memref<!tpu.dma_semaphore, #tpu.memory_space<semaphore_mem>>) src(%arg12 : memref<128x64xf32, #tpu.memory_space<vmem>>) dst(%dma_wait3A_36 : memref<128x64xf32, #tpu.memory_space<hbm>>)
    %add3A_37 = arith.constant 25344 : i32
    %add3A_38 = arith.addi %multiple_of3A, %add3A_37 : i32
    %dma_wait3A_39 = arith.constant 0 : i32
    %dma_wait3A_40 = tpu.memref_slice %arg5[%add3A_38, %dma_wait3A_39] : memref<819200x64xf32, #tpu.memory_space<hbm>> -> memref<128x64xf32, #tpu.memory_space<hbm>>
    %dma_wait3A_41 = arith.constant 0 : i32
    %dma_wait3A_42 = tpu.memref_slice %arg5[%add3A_38, %dma_wait3A_41] : memref<819200x64xf32, #tpu.memory_space<hbm>> -> memref<128x64xf32, #tpu.memory_space<hbm>>
    tpu.wait_dma2 semaphore(%arg22 : memref<!tpu.dma_semaphore, #tpu.memory_space<semaphore_mem>>) src(%arg13 : memref<128x64xf32, #tpu.memory_space<vmem>>) dst(%dma_wait3A_42 : memref<128x64xf32, #tpu.memory_space<hbm>>)
    %add3A_43 = arith.constant 25472 : i32
    %add3A_44 = arith.addi %multiple_of3A, %add3A_43 : i32
    %dma_wait3A_45 = arith.constant 0 : i32
    %dma_wait3A_46 = tpu.memref_slice %arg5[%add3A_44, %dma_wait3A_45] : memref<819200x64xf32, #tpu.memory_space<hbm>> -> memref<128x64xf32, #tpu.memory_space<hbm>>
    %dma_wait3A_47 = arith.constant 0 : i32
    %dma_wait3A_48 = tpu.memref_slice %arg5[%add3A_44, %dma_wait3A_47] : memref<819200x64xf32, #tpu.memory_space<hbm>> -> memref<128x64xf32, #tpu.memory_space<hbm>>
    tpu.wait_dma2 semaphore(%arg23 : memref<!tpu.dma_semaphore, #tpu.memory_space<semaphore_mem>>) src(%arg14 : memref<128x64xf32, #tpu.memory_space<vmem>>) dst(%dma_wait3A_48 : memref<128x64xf32, #tpu.memory_space<hbm>>)
    return
  }
}

</mosaic_0001>

<sc_bundles>
// kernel: kernel.3.cloned.1.call-start
scs
__scs_entry_jumppad:
0x0: {  	(pc) =	sbr.rel $0x88, $3  }
0x1: {  	(tag) =	ssettag $0x0;
	lr =	simm.s32 $0x1  }
0x2: {  	[smem:$0x3F9E] =	sst lr;
	_ =	strace $0xD0000000  }
0x3: {  	_ = 	snop  }
0x4: {  	_ = 	snop  }
0x5: {  	_ = 	snop  }
0x6: {  	_ = 	snop  }
0x7: {  	_ = 	snop  }
__scs_overlays_trampoline_lowered:
0x8: {  	[smem:$0x3FAD] =	sst s0  }
0x9: {  	[smem:$0x3FAE] =	sst s1  }
0xa: {  	[smem:$0x3FAF] =	sst s2  }
0xb: {  	[smem:$0x3FB0] =	sst s3  }
0xc: {  	[smem:$0x3FB1] =	sst s4  }
0xd: {  	[smem:$0x3FB2] =	sst s5  }
0xe: {  	[smem:$0x3FB3] =	sst s6  }
0xf: {  	[smem:$0x3FB4] =	sst s7  }
0x10: {  	[smem:$0x3FB5] =	sst s8  }
0x11: {  	[smem:$0x3FB6] =	sst s9;
	s0 =	simm.s32 @!p0 $0x0  }
0x12: {  	s1 =	sld [smem:$0x3F9C];
	s0 =	simm.s32 @p0 $0x1  }
0x13: {  	[smem:$0x3FB7] =	sst s0;
	s0 =	simm.s32 @!p1 $0x0  }
0x14: {  	s2 =	sld [smem:$0x3F9B];
	s0 =	simm.s32 @p1 $0x1  }
0x15: {  	[smem:$0x3FB8] =	sst s0;
	s0 =	simm.s32 @!p2 $0x0  }
0x16: {  	s3 =	sld [smem:$0x3FDB];
	s0 =	simm.s32 @p2 $0x1  }
0x17: {  	s4 =	simm.s32 $0x1BF5;
	[smem:$0x3FBA] =	sst s0  }
0x18: {  	s0 =	sld [smem:$0x3F9D];
	_ =	swait.ge [sflag:s4], $0x0  }
0x19: {  	s7 =	sld [smem:$0x3F9E]  }
0x1a: {  	s8 =	sadd.s32 $0xFFFFE003, lr  }
0x1b: {  	s9 =	sadd.s32 $0xFFFFFEF7, lr;
	s5 =	simm.s32 $0xFFFFFFFF;
	p2 =	slt.u32 s8, $0xFFFFF086  }
0x1c: {  	p1 =	slt.u32 s9, $0xF7A;
	s5 =	simm.s32 @!p2 $0x0  }
0x1d: {  	s5 =	simm.s32 @p1 $0x1;
	p0 =	seq.s32 s7, s2  }
0x1e: {  	s7 =	smul.u32 @!p0 $0xF7A, s2;
	p2 =	seq.s32 @!p0 s5, $0x0  }
0x1f: {  	s9 =	smul.u32 $0xF7A, s1;
	s8 =	simm.s32 @!p0 $0x1BF5;
	p2 =	por !p2, p0  }
0x20: {  	[sflag:s8] =	ssyncset.s32 @!p0 $0xFFFFF086;
	s6 =	sadd.s32 @!p0 s3, s7;
	s7 =	simm.s32 @!p0 $0x108  }
0x21: {  	s3 =	sadd.s32 s3, s9;
	s6 =	sadd.s32 @!p0 $0x88, s6;
	s7 =	simm.s32 @p2 $0x1082  }
0x22: {  	[simem:s7], [sflag:s8] =	dma.local @!p0 [hbm:s6], $0xF7A  }
0x23: {  	s9 =	sor.u32 $0xD0000000, s2;
	s6 =	simm.s32 $0x108;
	_ =	swait.ge @!p0 [sflag:s8], $0x0  }
0x24: {  	s3 =	sadd.s32 $0x88, s3;
	s6 =	simm.s32 @!p1 $0x1082;
	[sflag:s4] =	ssyncset.s32 $0xFFFFF086  }
0x25: {  	[simem:s6], [sflag:s4] =	dma.local [hbm:s3], $0xF7A  }
0x26: {  	[smem:$0x3F9E] =	sst s1;
	(tag) =	ssettag s2;
	_ =	strace s9  }
0x27: {  	s1 =	sld [smem:$0x3FAE]  }
0x28: {  	s2 =	sld [smem:$0x3FAF]  }
0x29: {  	s4 =	sld [smem:$0x3FB1]  }
0x2a: {  	p0 =	seq.s32 s5, $0x0;
	s5 =	sld [smem:$0x3FB2]  }
0x2b: {  	s6 =	sld [smem:$0x3FB3]  }
0x2c: {  	s7 =	sld [smem:$0x3FB4]  }
0x2d: {  	s3 =	simm.s32 $0x108;
	s8 =	sld [smem:$0x3FB5]  }
0x2e: {  	s3 =	simm.s32 @!p0 $0x1082;
	s9 =	sld [smem:$0x3FB6]  }
0x2f: {  	lr =	sadd.s32 s0, s3;
	s0 =	sld [smem:$0x3FAD]  }
0x30: {  	s3 =	sld [smem:$0x3FB0]  }
0x31: {  	[smem:$0x3FB9] =	sst s10  }
0x32: {  	s10 =	sld [smem:$0x3FB7];
	_ =	sdelay $0x3  }
0x33: {  	p0 =	seq.s32 s10, $0x1;
	s10 =	sld [smem:$0x3FB9];
	_ =	sdelay $0x3  }
0x34: {  	[smem:$0x3FB9] =	sst s10  }
0x35: {  	s10 =	sld [smem:$0x3FB8];
	_ =	sdelay $0x3  }
0x36: {  	p1 =	seq.s32 s10, $0x1;
	s10 =	sld [smem:$0x3FB9];
	_ =	sdelay $0x3  }
0x37: {  	[smem:$0x3FB9] =	sst s10  }
0x38: {  	s10 =	sld [smem:$0x3FBA]  }
0x39: {  	_ = 	snop;
	(pc) =	sbr.ind lr, $3  }
0x3a: {  	_ = 	snop  }
0x3b: {  	_ = 	snop  }
0x3c: {  	p2 =	seq.s32 s10, $0x1;
	s10 =	sld [smem:$0x3FB9]  }
0x3d: {  	_ =	shalt  }
0x3e: {  	_ =	shalt  }
0x3f: {  	_ =	shalt  }
0x40: {  	_ =	shalt  }
0x41: {  	_ =	shalt  }
0x42: {  	_ =	shalt  }
0x43: {  	_ =	shalt  }
0x44: {  	_ =	shalt  }
0x45: {  	_ =	shalt  }
0x46: {  	_ =	shalt  }
0x47: {  	_ =	shalt  }
0x48: {  	_ =	shalt  }
0x49: {  	_ =	shalt  }
0x4a: {  	_ =	shalt  }
0x4b: {  	_ =	shalt  }
0x4c: {  	_ =	shalt  }
0x4d: {  	_ =	shalt  }
0x4e: {  	_ =	shalt  }
0x4f: {  	_ =	shalt  }
0x50: {  	_ =	shalt  }
0x51: {  	_ =	shalt  }
0x52: {  	_ =	shalt  }
0x53: {  	_ =	shalt  }
0x54: {  	_ =	shalt  }
0x55: {  	_ =	shalt  }
0x56: {  	_ =	shalt  }
0x57: {  	_ =	shalt  }
0x58: {  	_ =	shalt  }
0x59: {  	_ =	shalt  }
0x5a: {  	_ =	shalt  }
0x5b: {  	_ =	shalt  }
0x5c: {  	_ =	shalt  }
0x5d: {  	_ =	shalt  }
0x5e: {  	_ =	shalt  }
0x5f: {  	_ =	shalt  }
0x60: {  	_ =	shalt  }
0x61: {  	_ =	shalt  }
0x62: {  	_ =	shalt  }
0x63: {  	_ =	shalt  }
0x64: {  	_ =	shalt  }
0x65: {  	_ =	shalt  }
0x66: {  	_ =	shalt  }
0x67: {  	_ =	shalt  }
0x68: {  	_ =	shalt  }
0x69: {  	_ =	shalt  }
0x6a: {  	_ =	shalt  }
0x6b: {  	_ =	shalt  }
0x6c: {  	_ =	shalt  }
0x6d: {  	_ =	shalt  }
0x6e: {  	_ =	shalt  }
0x6f: {  	_ =	shalt  }
0x70: {  	_ =	shalt  }
0x71: {  	_ =	shalt  }
0x72: {  	_ =	shalt  }
0x73: {  	_ =	shalt  }
0x74: {  	_ =	shalt  }
0x75: {  	_ =	shalt  }
0x76: {  	_ =	shalt  }
0x77: {  	_ =	shalt  }
0x78: {  	_ =	shalt  }
0x79: {  	_ =	shalt  }
0x7a: {  	_ =	shalt  }
0x7b: {  	_ =	shalt  }
0x7c: {  	_ =	shalt  }
0x7d: {  	_ =	shalt  }
0x7e: {  	_ =	shalt  }
0x7f: {  	_ =	shalt  }
0x80: {  	_ =	shalt  }
0x81: {  	_ =	shalt  }
0x82: {  	_ =	shalt  }
0x83: {  	_ =	shalt  }
0x84: {  	_ =	shalt  }
0x85: {  	_ =	shalt  }
0x86: {  	_ =	shalt  }
0x87: {  	_ =	shalt  }
.Lfunc_end0:
.L_simem_size_0:
called_computation.1_lowered:
.L_overlay_start_0:
0x88: {  	s2 =	sld [smem:$0x3FD9]  }
0x89: {  	s3 =	sld [smem:$0x3FFE];
	_ =	sdelay $0x1  }
0x8a: {  	s1 =	srdreg.scid  }
0x8b: {  	s0 =	sand.u32 $0x1, s1  }
0x8c: {  	s17 =	sshll.u32 s0, $0xA;
	s2 =	sadd.s32 s3, s2  }
0x8d: {  	s2 =	sadd.s32 s2, s17  }
0x8e: {  	[smem:$0x3FC5] =	sst s2  }
0x8f: {  	_ = 	snop  }
0x90: {  	s2 =	sld [smem:$0x3FD0];
	(tm) =	ssettm $0x1  }
0x91: {  	s18 =	sld [smem:$0x3FFB];
	_ =	sdelay $0x3  }
0x92: {  	_ =	strace s18  }
0x93: {  	s3 =	sld [smem:$0x3FFC];
	_ =	sdelay $0x3  }
0x94: {  	_ =	strace s3  }
0x95: {  	s3 =	sld [smem:$0x3FFD];
	_ =	sdelay $0x3  }
0x96: {  	_ =	strace s3  }
0x97: {  	_ =	strace $0x8FFFFFFF  }
0x98: {  	s19 =	sld [smem:$0x3FDB];
	_ =	sdelay $0x1  }
0x99: {  	s4 =	simm.s32 $_scs_section_size  }
0x9a: {  	s5 =	simm.s32 $_size__tile_overlayer_lowered;
	s6 =	simm.s32 $_tile_overlayer_lowered  }
0x9b: {  	s22 =	simm.s32 $0x1BFF;
	s21 =	sshll.u32 s6, $0x1;
	s3 =	sadd.s32 s4, s19  }
0x9c: {  	s7 =	simm.s32 $0x0;
	s20 =	sshll.u32 s5, $0x1;
	s5 =	sadd.s32 s21, s3  }
0x9d: {  	[timem:s7], [sflag:s22] =	dma.local [hbm:s5], s20  }
0x9e: {  	_ =	swait.ge [sflag:s22], s20  }
0x9f: {  	s4 =	ssub.s32 $0x0, s20;
	[sflag:s22] =	ssyncset.done $0x0  }
0xa0: {  	[sflag:s22] =	ssyncadd.s32 s4;
	_ =	sdelay $0x1  }
0xa1: {  	s23 =	simm.s32 $0x1B8B  }
0xa2: {  	_ =	swait.ge [sflag:s23], $0x1  }
0xa3: {  	[sflag:s23] =	ssyncset.done $0x0  }
0xa4: {  	s25 =	simm.s32 $0x1B8E;
	s24 =	sld [smem:$0x3FFE];
	[sflag:s23] =	ssyncadd.s32 $0xFFFFFFFF  }
0xa5: {  	s26 =	simm.s32 $execute0_lowered;
	[smem:$0x3FD2] =	sst s25  }
0xa6: {  	s5 =	sshll.u32 s26, $0x1;
	_ =	strace $0x80000046;
	[dreg:$0x1] =	wrdreg $0xFFFFFFFF  }
0xa7: {  	s28 =	simm.s32 $_size_execute0_lowered;
	s3 =	sadd.s32 s3, s5;
	[dreg:$0x0] =	wrdreg $0x0  }
0xa8: {  	s5 =	sshll.u32 s28, $0x1;
	[dreg:$0x2] =	wrdreg s3  }
0xa9: {  	[dreg:$0x3] =	wrdreg s5  }
0xaa: {  	[dreg:$0x4] =	wrdreg $0xC0  }
0xab: {  	_ =	task [dreg:s7], $0x5FFFF  }
0xac: {  	[dreg:$0x1] =	wrdreg $0xFFFFFFFF  }
0xad: {  	[dreg:$0x0] =	wrdreg $0x60  }
0xae: {  	[dreg:$0x2] =	wrdreg s24  }
0xaf: {  	[dreg:$0x3] =	wrdreg s2  }
0xb0: {  	[dreg:$0x4] =	wrdreg $0x9  }
0xb1: {  	_ =	task.clear_ibuf [dreg:s7], $0x5FFFF;
	_ =	strace $0x90000046  }
0xb2: {  	s29 =	simm.s32 $0x9;
	_ =	strace $0x80000048  }
0xb3: {  	_ =	swait.ge [sflag:s29], $0x1  }
0xb4: {  	[sflag:s29] =	ssyncadd.s32 $0xFFFFFFFF  }
0xb5: {  	_ =	strace $0x90000048  }
0xb6: {  	_ =	sfence  }
0xb7: {  	s30 =	sld [smem:$0x0];
	_ =	sdelay $0x2  }
0xb8: {  	s31 =	sshll.u32 s1, $0xD;
	s1 =	sshrl.u32 s1, $0x2  }
0xb9: {  	s3 =	sand.u32 $0x4000, s31;
	s1 =	sadd.s32 s1, s30  }
0xba: {  	s0 =	sor.u32 s3, s0;
	s1 =	sshll.u32 s1, $0x11  }
0xbb: {  	s0 =	sor.u32 s1, s0  }
0xbc: {  	s0 =	sadd.s32 $0x8F2B, s0  }
0xbd: {  	[sflag:s0] =	ssyncadd.remote.s32 $0x1  }
0xbe: {  	_ =	sfence.sel $0xFFFF  }
0xbf: {  	[dreg:$0x0] =	wrdreg $0xFFFFFFFF;
	(pc) =	sbr.abs _section_cstart, $3  }
0xc0: {  	[dreg:$0x1] =	wrdreg $0xFFFFFFFF  }
0xc1: {  	_ =	task.clear_ibuf [dreg:s7], $0x2FFFF;
	_ =	strace $0x9FFFFFFF  }
0xc2: {  	(tm) =	ssettm $0x7FFFFFFF  }
0xc3: {  	_ =	shalt  }
tec
execute0_lowered:
.L_overlay_start_1:
0x0: {  	(tag) =	ssettag $0x1  }
0x1: {  	s0 =	srdreg.scid;
	v0 =	vimm.s32 $0xFEDCBA98  }
0x2: {  	s2 =	stileid.u32;
	s1 =	rddreg [dreg:$0x0];
	v1 =	vimm.s32 $0x76543210;
	v2 =	vimm.s32 $0xBA98FEDC;
	v3 =	vimm.s32 $0x32107654  }
0x3: {  	v4 =	vimm.s32 $0xDCFE98BA;
	v5 =	vimm.s32 $0x54761032;
	s10 =	simm.s32 $0x9;
	s11 =	simm.s32 $0x80;
	s17 =	simm.s32 $0xC400  }
0x4: {  	v6 =	vimm.s32 $0xEFCDAB89;
	v7 =	vimm.s32 $0x67452301;
	s18 =	simm.s32 $0x1;
	s19 =	simm.s32 $0xE400;
	s20 =	simm.s32 $0x2  }
0x5: {  	s21 =	simm.s32 $0x10400;
	s22 =	simm.s32 $0x3;
	s23 =	simm.s32 $0x12400;
	v0 =	vunpack.c.l.s4.s8 v0;
	v1 =	vunpack.c.l.s4.s8 v1;
	v2 =	vunpack.c.l.s4.s8 v2  }
0x6: {  	s24 =	simm.s32 $0x4;
	s25 =	simm.s32 $0x14400;
	s28 =	simm.s32 $0x6;
	v3 =	vunpack.c.l.s4.s8 v3;
	v4 =	vunpack.c.l.s4.s8 v4;
	v5 =	vunpack.c.l.s4.s8 v5  }
0x7: {  	s29 =	simm.s32 $0x7;
	s0 =	sand.u32 $0x1, s0;
	s3 =	sshll.u32 s2, $0x1;
	v6 =	vunpack.c.l.s4.s8 v6;
	v7 =	vunpack.c.l.s4.s8 v7;
	v0 =	vunpack.c.0.s8.s32 v0  }
0x8: {  	s30 =	simm.s32 $0x8;
	s31 =	simm.s32 $0x0;
	s4 =	sor.u32 s0, s3;
	v2 =	vunpack.c.0.s8.s32 v2;
	v3 =	vunpack.c.0.s8.s32 v3;
	v4 =	vunpack.c.0.s8.s32 v4  }
0x9: {  	s2 =	rddreg [dreg:$0x1];
	s5 =	sadd.s32 $0xF43000, s1;
	s4 =	smul.u32 $0x6400, s4;
	v5 =	vunpack.c.0.s8.s32 v5;
	v6 =	vunpack.c.0.s8.s32 v6;
	v7 =	vunpack.c.0.s8.s32 v7  }
0xa: {  	s6 =	sadd.s32 $0x19C00, s1;
	s3 =	simm.s32 $0x0;
	s0 =	ssub.s32 $0x2, s0;
	v1 =	vunpack.c.0.s8.s32 v1;
	v2 =	vcombine.low v3, v2  }
0xb: {  	[smem:$0x7FF] =	sst s3;
	s26 =	sshrl.u32 s0, $0x1;
	s7 =	sshrl.u32 s4, $0x3;
	v3 =	vcombine.low v5, v4;
	v4 =	vcombine.low v7, v6;
	v0 =	vand.u32 $0xF, v0  }
0xc: {  	_ =	strace $0x80000047;
	s0 =	ssub.s32 s0, s26;
	s1 =	sadd.s32 s7, s1;
	v0 =	vcombine.low v0, v1  }
0xd: {  	s26 =	simm.s32 $0x5;
	s9 =	smax.u32 s0, $0x1;
	s7 =	sadd.s32 $0xC00, s1;
	v1 =	vand.u32 $0xF, v2;
	v2 =	vand.u32 $0xF, v3;
	v3 =	vand.u32 $0xF, v4  }
.LBB2_1:
0xe: {  	s0 =	simm.s32 $0x16400  }
0xf: {  	[tilespmem:s0], [sflag:$0x9] =	stream.linear.gather [hbm4b:s6+s3], $0x3200, $0x38;
	[tilespmem:$0x19600] =	vst v63  }
0x10: {  	_ =	swait.ge [sflag:s10], $0x3200  }
0x11: {  	[sflag:s10] =	ssyncset.done $0x0  }
0x12: {  	[sflag:s10] =	ssyncadd.s32 $0xFFFFCE00  }
0x13: {  	[tilespmem:s3], [sflag:$0x9] =	stream.linear.gather [hbm4b:s7+s3], $0x6400, $0x38;
	[tilespmem:$0x19600] =	vst v63  }
0x14: {  	_ =	swait.ge [sflag:s10], $0x6400  }
0x15: {  	[sflag:s10] =	ssyncset.done $0x0  }
0x16: {  	s13 =	simm.s32 $0x6400;
	[sflag:s10] =	ssyncadd.s32 $0xFFFF9C00  }
0x17: {  	[tilespmem:s13], [sflag:$0x1] =	stream.indirect.gather [hbm4b:s5+s11], $0x40, s3, s11, $0xb8;
	[tilespmem:$0x19600] =	vst v63  }
0x18: {  	s14 =	simm.s32 $0x8400  }
0x19: {  	[tilespmem:s14], [sflag:$0x2] =	stream.indirect.gather [hbm4b:s5+s11], $0x40, s11, s11, $0xb8;
	[tilespmem:$0x19600] =	vst v63  }
0x1a: {  	s15 =	simm.s32 $0x100;
	s1 =	simm.s32 $0xA400  }
0x1b: {  	[tilespmem:s1], [sflag:$0x3] =	stream.indirect.gather [hbm4b:s5+s11], $0x40, s15, s11, $0xb8;
	[tilespmem:$0x19600] =	vst v63  }
0x1c: {  	s16 =	simm.s32 $0x180;
	s1 =	simm.s32 $0x0  }
0x1d: {  	[tilespmem:s17], [sflag:$0x4] =	stream.indirect.gather [hbm4b:s5+s11], $0x40, s16, s11, $0xb8;
	[tilespmem:$0x19600] =	vst v63  }
.LBB2_2:
0x1e: {  	_ =	swait.ge [sflag:s18], $0x2000  }
0x1f: {  	p0 =	seq.s32 s1, $0x0;
	[sflag:s18] =	ssyncset.done $0x0  }
0x20: {  	s0 =	sshll.u32 s1, $0x9;
	s8 =	simm.s32 @!p0 $0x5;
	[sflag:s18] =	ssyncadd.s32 $0xFFFFE000  }
0x21: {  	s12 =	sadd.s32 s4, s0;
	_ =	swait.ge @!p0 [sflag:s8], $0x2000  }
0x22: {  	s13 =	sshrl.u32 s12, $0x6;
	[sflag:s8] =	ssyncset.done @!p0 $0x0  }
0x23: {  	s14 =	sand.u32 $0x1FFFFC0, s13;
	[sflag:s8] =	ssyncadd.s32 @!p0 $0xFFFFE000  }
0x24: {  	v4 =	vld [tilespmem:s14+$0x16400]  }
0x25: {  	v5 =	vld [tilespmem:s14+$0x16410]  }
0x26: {  	v6 =	vld [tilespmem:s14+$0x16420]  }
0x27: {  	s15 =	simm.s32 $0x6480;
	v7 =	vld [tilespmem:s14+$0x16430]  }
0x28: {  	v8 =	vld [tilespmem:s15+$0x40]  }
0x29: {  	v9 =	vld [tilespmem:s15+$0x50]  }
0x2a: {  	v11 =	vld [tilespmem:s15+$0x60]  }
0x2b: {  	v13 =	vld [tilespmem:s15+$0x70]  }
0x2c: {  	v14 =	vld [tilespmem:s15+$0xFFFFFF90]  }
0x2d: {  	v15 =	vld [tilespmem:s15+$0xFFFFFFA0];
	_ =	sdelay $0x1  }
0x2e: {  	v16 =	vld [tilespmem:s15+$0xFFFFFFB0]  }
0x2f: {  	v17 =	vld [tilespmem:s15+$0xFFFFFFC0];
	v12 =	vadd.f32 v8, v4;
	v10 =	vadd.f32 v9, v5  }
0x30: {  	v18 =	vld [tilespmem:s15+$0xFFFFFFD0];
	v11 =	vadd.f32 v11, v6;
	v8 =	vadd.f32 v13, v7  }
0x31: {  	v25 =	vld [tilespmem:s15+$0x0];
	v9 =	vadd.f32 v14, v5;
	v13 =	vadd.f32 v15, v6;
	v20 =	vmul.f32 v12, v12  }
0x32: {  	v19 =	vld [tilespmem:s15+$0xFFFFFFE0];
	v22 =	vmul.f32 v10, v10;
	v23 =	vadd.f32 v10, v12;
	v24 =	vadd.f32 v8, v11  }
0x33: {  	v21 =	vld [tilespmem:s15+$0xFFFFFFF0];
	v14 =	vadd.f32 v16, v7;
	v15 =	vmul.f32 v11, v11;
	v26 =	vmul.f32 v8, v8  }
0x34: {  	v16 =	vld [tilespmem:s15+$0x10];
	v23 =	vadd.f32 v24, v23;
	v24 =	vadd.f32 v22, v20  }
0x35: {  	v31 =	vld [tilespmem:s15+$0xFFFFFF80];
	v27 =	vmul.f32 v9, v9;
	v15 =	vadd.f32 v26, v15;
	v22 =	vadd.f32 v17, v4  }
0x36: {  	v29 =	vmul.f32 v14, v14;
	v20 =	vadd.f32 v18, v5;
	v18 =	vadd.f32 v25, v4  }
0x37: {  	v28 =	vld [tilespmem:s15+$0x20];
	v26 =	vmul.f32 v13, v13;
	v25 =	vadd.f32 v14, v13;
	v32 =	vadd.f32 v15, v24  }
0x38: {  	v17 =	vperm.xlane v23, v0;
	v24 =	vadd.f32 v19, v6;
	v15 =	vadd.f32 v21, v7  }
0x39: {  	v33 =	vmul.f32 v22, v22;
	v19 =	vadd.f32 v16, v5;
	v34 =	vmul.f32 v20, v20  }
0x3a: {  	v30 =	vld [tilespmem:s15+$0x30];
	v16 =	vadd.f32 v31, v4;
	v35 =	vadd.f32 v20, v22;
	v38 =	vmul.f32 v18, v18  }
0x3b: {  	v26 =	vadd.f32 v29, v26;
	v23 =	vadd.f32 v23, v17;
	v21 =	vperm.xlane v32, v0  }
0x3c: {  	v17 =	vadd.f32 v28, v6;
	v31 =	vmul.f32 v15, v15;
	v37 =	vadd.f32 v9, v16  }
0x3d: {  	v36 =	vmul.f32 v16, v16;
	v48 =	vadd.f32 v15, v24;
	v42 =	vadd.f32 v19, v18  }
0x3e: {  	v40 =	vmul.f32 v19, v19;
	v52 =	vadd.f32 v34, v33;
	v32 =	vadd.f32 v21, v32  }
0x3f: {  	v28 =	vperm.xlane v23, v1;
	v21 =	vadd.f32 v30, v7;
	v25 =	vadd.f32 v25, v37  }
0x40: {  	v30 =	vmul.f32 v24, v24;
	v36 =	vadd.f32 v27, v36;
	v29 =	vadd.f32 v48, v35  }
0x41: {  	v41 =	vmul.f32 v17, v17;
	v55 =	vadd.f32 v40, v38;
	v23 =	vadd.f32 v23, v28  }
0x42: {  	v28 =	vperm.xlane v32, v1;
	v43 =	vmul.f32 v21, v21;
	v50 =	vadd.f32 v21, v17  }
0x43: {  	v51 =	vperm.xlane v25, v0;
	v30 =	vadd.f32 v31, v30;
	v26 =	vadd.f32 v26, v36  }
0x44: {  	v54 =	vperm.xlane v29, v0;
	v28 =	vadd.f32 v28, v32;
	v31 =	vadd.f32 v50, v42  }
0x45: {  	v39 =	vperm.xlane v23, v2;
	v56 =	vadd.f32 v43, v41;
	v30 =	vadd.f32 v30, v52  }
0x46: {  	v25 =	vadd.f32 v25, v51;
	v36 =	vperm.xlane v26, v0;
	v29 =	vadd.f32 v29, v54  }
0x47: {  	v23 =	vadd.f32 v23, v39;
	v49 =	vperm.xlane v28, v2;
	v33 =	vadd.f32 v56, v55  }
0x48: {  	v58 =	vperm.xlane v30, v0;
	v59 =	vperm.xlane v25, v1;
	v26 =	vadd.f32 v36, v26  }
0x49: {  	v60 =	vperm.xlane v29, v1;
	v27 =	vperm.xlane v23, v3;
	v28 =	vadd.f32 v49, v28  }
0x4a: {  	v30 =	vadd.f32 v58, v30;
	v25 =	vadd.f32 v25, v59;
	v63 =	vperm.xlane v26, v1  }
0x4b: {  	v29 =	vadd.f32 v29, v60;
	v23 =	vadd.f32 v23, v27;
	v53 =	vperm.xlane v28, v3  }
0x4c: {  	v40 =	vperm.xlane v30, v1;
	v42 =	vperm.xlane v25, v2;
	v26 =	vadd.f32 v63, v26  }
0x4d: {  	v27 =	vmul.f32 $1.562500000e-02, v23;
	v23 =	vadd.f32 v53, v28;
	v28 =	vperm.xlane v31, v0  }
0x4e: {  	v44 =	vperm.xlane v29, v2;
	v30 =	vadd.f32 v40, v30;
	v25 =	vadd.f32 v25, v42  }
0x4f: {  	v45 =	vperm.xlane v26, v2;
	v28 =	vadd.f32 v31, v28;
	v31 =	vperm.xlane v33, v0  }
0x50: {  	v29 =	vadd.f32 v29, v44;
	v23 =	vmul.f32 $1.562500000e-02, v23;
	v57 =	vmul.f32 v27, v27  }
0x51: {  	v47 =	vperm.xlane v30, v2;
	v61 =	vperm.xlane v28, v1;
	v31 =	vadd.f32 v31, v33  }
0x52: {  	v48 =	vperm.xlane v25, v3;
	v26 =	vadd.f32 v45, v26;
	v50 =	vperm.xlane v29, v3  }
0x53: {  	v23 =	vsub.f32 v23, v57;
	v28 =	vadd.f32 v28, v61;
	v43 =	vperm.xlane v31, v1  }
0x54: {  	v30 =	vadd.f32 v47, v30;
	v25 =	vadd.f32 v25, v48;
	v51 =	vperm.xlane v26, v3  }
0x55: {  	v29 =	vadd.f32 v29, v50;
	v31 =	vadd.f32 v43, v31;
	v46 =	vperm.xlane v28, v2  }
0x56: {  	v23 =	vadd.f32 $9.999999740e-06, v23;
	v53 =	vperm.xlane v30, v3;
	v25 =	vmul.f32 $1.562500000e-02, v25  }
0x57: {  	v26 =	vadd.f32 v51, v26;
	v28 =	vadd.f32 v28, v46;
	v49 =	vperm.xlane v31, v2  }
0x58: {  	v29 =	vmul.f32 $1.562500000e-02, v29;
	v62 =	vshrl.u32 v23, $0x1;
	v23 =	vmul.f32 $5.000000000e-01, v23  }
0x59: {  	v30 =	vadd.f32 v53, v30;
	v52 =	vperm.xlane v28, v3;
	v31 =	vadd.f32 v49, v31  }
0x5a: {  	v26 =	vmul.f32 $1.562500000e-02, v26;
	v55 =	vmul.f32 v25, v25;
	v32 =	vsub.s32 $0x5F3759DF, v62  }
0x5b: {  	v41 =	vmul.f32 v32, v23;
	v28 =	vadd.f32 v28, v52;
	v54 =	vperm.xlane v31, v3  }
0x5c: {  	v56 =	vmul.f32 v29, v29;
	v30 =	vmul.f32 $1.562500000e-02, v30;
	v26 =	vsub.f32 v26, v55  }
0x5d: {  	v34 =	vmul.f32 v32, v41;
	v28 =	vmul.f32 $1.562500000e-02, v28;
	v31 =	vadd.f32 v54, v31  }
0x5e: {  	v26 =	vadd.f32 $9.999999740e-06, v26;
	v30 =	vsub.f32 v30, v56  }
0x5f: {  	v34 =	vsub.f32 $1.500000000e+00, v34;
	v31 =	vmul.f32 $1.562500000e-02, v31;
	v57 =	vmul.f32 v28, v28  }
0x60: {  	v59 =	vshrl.u32 v26, $0x1;
	v60 =	vmul.f32 $5.000000000e-01, v26;
	v26 =	vadd.f32 $9.999999740e-06, v30  }
0x61: {  	v32 =	vmul.f32 v32, v34;
	v31 =	vsub.f32 v31, v57  }
0x62: {  	v61 =	vsub.s32 $0x5F3759DF, v59;
	v62 =	vshrl.u32 v26, $0x1;
	v63 =	vmul.f32 $5.000000000e-01, v26  }
0x63: {  	v36 =	vsub.s32 $0x5F3759DF, v62;
	v58 =	vmul.f32 v32, v23;
	v31 =	vadd.f32 $9.999999740e-06, v31  }
0x64: {  	v12 =	vsub.f32 v12, v27;
	v34 =	vmul.f32 v61, v60;
	v44 =	vmul.f32 v36, v63  }
0x65: {  	v30 =	vmul.f32 v58, v32;
	v26 =	vshrl.u32 v31, $0x1;
	v31 =	vmul.f32 $5.000000000e-01, v31  }
0x66: {  	v10 =	vsub.f32 v10, v27;
	v34 =	vmul.f32 v61, v34;
	v26 =	vsub.s32 $0x5F3759DF, v26  }
0x67: {  	v46 =	vmul.f32 v36, v44;
	v30 =	vsub.f32 $1.500000000e+00, v30;
	v45 =	vmul.f32 v26, v31  }
0x68: {  	s16 =	simm.s32 $0x6580;
	v11 =	vsub.f32 v11, v27;
	v34 =	vsub.f32 $1.500000000e+00, v34  }
0x69: {  	v58 =	vld [tilespmem:s16+$0x60];
	v30 =	vmul.f32 v30, v32;
	v32 =	vsub.f32 $1.500000000e+00, v46;
	v47 =	vmul.f32 v26, v45  }
0x6a: {  	v39 =	vsub.f32 v9, v25;
	v13 =	vsub.f32 v13, v25;
	v52 =	vld [tilespmem:s16+$0xFFFFFFF0];
	v33 =	vmul.f32 v61, v34  }
0x6b: {  	v22 =	vsub.f32 v22, v29;
	v32 =	vmul.f32 v36, v32;
	v48 =	vsub.f32 $1.500000000e+00, v47  }
0x6c: {  	v49 =	vsub.f32 v16, v25;
	v16 =	vmul.f32 v33, v60;
	v23 =	vmul.f32 v30, v23  }
0x6d: {  	v56 =	vsub.f32 v8, v27;
	v9 =	vmul.f32 v32, v63;
	v34 =	vmul.f32 v26, v48  }
0x6e: {  	v27 =	vadd.f32 v58, v6;
	v23 =	vmul.f32 v23, v30;
	v26 =	vmul.f32 v16, v33  }
0x6f: {  	v41 =	vadd.f32 v52, v7;
	v8 =	vmul.f32 v9, v32;
	v55 =	vmul.f32 v34, v31  }
0x70: {  	v45 =	vmul.f32 v27, v27;
	v23 =	vsub.f32 $1.500000000e+00, v23;
	v9 =	vsub.f32 $1.500000000e+00, v26  }
0x71: {  	v16 =	vsub.f32 v14, v25;
	v8 =	vsub.f32 $1.500000000e+00, v8;
	v14 =	vmul.f32 v55, v34  }
0x72: {  	v54 =	vld [tilespmem:s16+$0x0];
	v25 =	vsub.f32 v24, v29;
	v24 =	vsub.f32 v18, v28;
	v33 =	vmul.f32 v9, v33  }
0x73: {  	v30 =	vmul.f32 v23, v30;
	v18 =	vld [tilespmem:s16+$0x50];
	v26 =	vsub.f32 v15, v29;
	v9 =	vsub.f32 $1.500000000e+00, v14  }
0x74: {  	v57 =	vmul.f32 v8, v32;
	v8 =	vsub.f32 v21, v28;
	v21 =	vld [tilespmem:s16+$0x70];
	v15 =	vmul.f32 v33, v60  }
0x75: {  	v23 =	vsub.f32 v20, v29;
	v20 =	vsub.f32 v19, v28;
	v14 =	vld [tilespmem:s16+$0x40];
	v19 =	vmul.f32 v9, v34  }
0x76: {  	v9 =	vsub.f32 v17, v28;
	v17 =	vmul.f32 v57, v63;
	v28 =	vmul.f32 v15, v33  }
0x77: {  	v35 =	vadd.f32 v54, v4;
	v15 =	vmul.f32 v30, v56;
	v63 =	vld [tilespmem:s16+$0xFFFFFFD0];
	v29 =	vmul.f32 v19, v31  }
0x78: {  	v56 =	vld [tilespmem:s16+$0x10];
	v31 =	vmul.f32 v17, v57;
	v60 =	vsub.f32 $1.500000000e+00, v28;
	v17 =	vmul.f32 v30, v12  }
0x79: {  	v59 =	vld [tilespmem:s16+$0xFFFFFF90];
	v28 =	vadd.f32 v18, v5;
	v18 =	vmul.f32 v30, v10;
	v12 =	vadd.f32 v21, v7  }
0x7a: {  	v21 =	vld [tilespmem:s16+$0xFFFFFFC0];
	v61 =	vmul.f32 v29, v19;
	v29 =	vadd.f32 v14, v4;
	v10 =	vsub.f32 $1.500000000e+00, v31  }
0x7b: {  	v62 =	vld [tilespmem:s16+$0xFFFFFFA0];
	v31 =	vmul.f32 v30, v11;
	v50 =	vmul.f32 v28, v28;
	v44 =	vadd.f32 v12, v27  }
0x7c: {  	v46 =	vld [tilespmem:s16+$0xFFFFFFE0];
	v47 =	vmul.f32 v12, v12;
	v32 =	vmul.f32 v60, v33;
	v43 =	vadd.f32 v63, v5  }
0x7d: {  	v38 =	vadd.f32 v56, v5;
	v11 =	vmul.f32 v29, v29;
	v51 =	vadd.f32 v28, v29  }
0x7e: {  	v14 =	vld [tilespmem:s16+$0xFFFFFFB0];
	v37 =	vsub.f32 $1.500000000e+00, v61;
	v30 =	vmul.f32 v10, v57;
	v55 =	vadd.f32 v47, v45  }
0x7f: {  	v33 =	vmul.f32 v32, v49;
	v45 =	vadd.f32 v21, v4;
	v53 =	vadd.f32 v44, v51  }
0x80: {  	v57 =	vld [tilespmem:s16+$0x20];
	v10 =	vmul.f32 v37, v19;
	v42 =	vadd.f32 v50, v11;
	v19 =	vadd.f32 v59, v5  }
0x81: {  	v52 =	vmul.f32 v43, v43;
	v11 =	vadd.f32 v62, v6;
	v44 =	vadd.f32 v46, v6  }
0x82: {  	v22 =	vmul.f32 v30, v22;
	v58 =	vperm.xlane v53, v0;
	v42 =	vadd.f32 v55, v42  }
0x83: {  	v49 =	vld [tilespmem:s16+$0xFFFFFF80];
	v14 =	vadd.f32 v14, v7;
	v46 =	vmul.f32 v45, v45;
	v54 =	vadd.f32 v43, v45  }
0x84: {  	v21 =	vld [tilespmem:s16+$0x30];
	v48 =	vmul.f32 v11, v11;
	v40 =	vadd.f32 v53, v58;
	v59 =	vperm.xlane v42, v0  }
0x85: {  	v50 =	vmul.f32 v14, v14;
	v51 =	vadd.f32 v14, v11;
	v34 =	vadd.f32 v57, v6  }
0x86: {  	v57 =	vadd.f32 v41, v44;
	v60 =	vperm.xlane v40, v1;
	v42 =	vadd.f32 v59, v42  }
0x87: {  	v47 =	vmul.f32 v19, v19;
	v52 =	vadd.f32 v52, v46;
	v48 =	vadd.f32 v50, v48  }
0x88: {  	v50 =	vadd.f32 v57, v54;
	v61 =	vadd.f32 v40, v60;
	v62 =	vperm.xlane v42, v1  }
0x89: {  	v58 =	vmul.f32 v38, v38;
	v40 =	vadd.f32 v21, v7;
	v21 =	vadd.f32 v49, v4  }
0x8a: {  	v49 =	vmul.f32 v44, v44;
	v53 =	vperm.xlane v61, v2;
	v37 =	vadd.f32 v62, v42  }
0x8b: {  	v42 =	vmul.f32 v41, v41;
	v55 =	vadd.f32 v19, v21;
	v56 =	vmul.f32 v21, v21  }
0x8c: {  	v57 =	vmul.f32 v40, v40;
	v62 =	vadd.f32 v40, v34;
	v36 =	vadd.f32 v61, v53  }
0x8d: {  	v63 =	vperm.xlane v37, v2;
	v51 =	vadd.f32 v51, v55;
	v55 =	vmul.f32 v35, v35  }
0x8e: {  	v56 =	vadd.f32 v47, v56;
	v61 =	vadd.f32 v38, v35;
	v60 =	vperm.xlane v36, v3  }
0x8f: {  	v47 =	vmul.f32 v32, v39;
	v39 =	vadd.f32 v42, v49;
	v37 =	vadd.f32 v63, v37  }
0x90: {  	v53 =	vmul.f32 v34, v34;
	v49 =	vadd.f32 v62, v61;
	v36 =	vadd.f32 v36, v60  }
0x91: {  	v55 =	vadd.f32 v58, v55;
	v61 =	vperm.xlane v50, v0;
	v63 =	vperm.xlane v37, v3  }
0x92: {  	v39 =	vadd.f32 v39, v52;
	v60 =	vperm.xlane v51, v0;
	v46 =	vmul.f32 $1.562500000e-02, v36  }
0x93: {  	v62 =	vadd.f32 v63, v37;
	v37 =	vadd.f32 v48, v56;
	v63 =	vperm.xlane v49, v0  }
0x94: {  	v56 =	vadd.f32 v57, v53;
	v51 =	vadd.f32 v51, v60;
	v60 =	vperm.xlane v39, v0  }
0x95: {  	v50 =	vadd.f32 v50, v61;
	v36 =	vmul.f32 $1.562500000e-02, v62;
	v57 =	vmul.f32 v46, v46  }
0x96: {  	v59 =	vperm.xlane v37, v0;
	v48 =	vadd.f32 v56, v55;
	v61 =	vperm.xlane v51, v1  }
0x97: {  	v42 =	vadd.f32 v49, v63;
	v63 =	vperm.xlane v50, v1;
	v36 =	vsub.f32 v36, v57  }
0x98: {  	v39 =	vadd.f32 v60, v39;
	v62 =	vperm.xlane v48, v0;
	v37 =	vadd.f32 v59, v37  }
0x99: {  	v57 =	vperm.xlane v42, v1;
	v49 =	vadd.f32 v51, v61;
	v36 =	vadd.f32 $9.999999740e-06, v36  }
0x9a: {  	v50 =	vadd.f32 v50, v63;
	v53 =	vperm.xlane v39, v1;
	v48 =	vadd.f32 v62, v48  }
0x9b: {  	v59 =	vperm.xlane v37, v1;
	v58 =	vshrl.u32 v36, $0x1;
	v36 =	vmul.f32 $5.000000000e-01, v36  }
0x9c: {  	v42 =	vadd.f32 v42, v57;
	v61 =	vperm.xlane v49, v2;
	v51 =	vsub.s32 $0x5F3759DF, v58  }
0x9d: {  	v63 =	vperm.xlane v50, v2;
	v39 =	vadd.f32 v53, v39;
	v60 =	vmul.f32 v51, v36  }
0x9e: {  	v37 =	vadd.f32 v59, v37;
	v62 =	vperm.xlane v48, v1;
	v59 =	vperm.xlane v42, v2  }
0x9f: {  	v49 =	vadd.f32 v49, v61;
	v50 =	vadd.f32 v50, v63;
	v58 =	vmul.f32 v51, v60  }
0xa0: {  	v61 =	vperm.xlane v39, v2;
	v48 =	vadd.f32 v62, v48;
	v42 =	vadd.f32 v42, v59  }
0xa1: {  	v63 =	vperm.xlane v49, v3;
	v59 =	vperm.xlane v50, v3;
	v53 =	vsub.f32 $1.500000000e+00, v58  }
0xa2: {  	v39 =	vadd.f32 v61, v39;
	v60 =	vperm.xlane v37, v2;
	v62 =	vperm.xlane v48, v2  }
0xa3: {  	v49 =	vadd.f32 v49, v63;
	v50 =	vadd.f32 v50, v59;
	v51 =	vmul.f32 v51, v53  }
0xa4: {  	v63 =	vperm.xlane v39, v3;
	v37 =	vadd.f32 v60, v37;
	v60 =	vperm.xlane v42, v3  }
0xa5: {  	v49 =	vmul.f32 $1.562500000e-02, v49;
	v61 =	vmul.f32 v51, v36  }
0xa6: {  	v48 =	vadd.f32 v62, v48;
	v50 =	vmul.f32 $1.562500000e-02, v50;
	v62 =	vperm.xlane v37, v3  }
0xa7: {  	v39 =	vadd.f32 v63, v39;
	v42 =	vadd.f32 v42, v60;
	v54 =	vmul.f32 v61, v51  }
0xa8: {  	v57 =	vperm.xlane v48, v3;
	v59 =	vmul.f32 v49, v49;
	v37 =	vadd.f32 v62, v37  }
0xa9: {  	v39 =	vmul.f32 $1.562500000e-02, v39;
	v60 =	vmul.f32 v50, v50;
	v58 =	vsub.f32 $1.500000000e+00, v54  }
0xaa: {  	v52 =	vmul.f32 $1.562500000e-02, v42;
	v48 =	vadd.f32 v57, v48;
	v37 =	vmul.f32 $1.562500000e-02, v37  }
0xab: {  	v20 =	vmul.f32 v10, v20;
	v39 =	vsub.f32 v39, v60;
	v51 =	vmul.f32 v58, v51  }
0xac: {  	v48 =	vmul.f32 $1.562500000e-02, v48;
	v61 =	vmul.f32 v52, v52;
	v37 =	vsub.f32 v37, v59  }
0xad: {  	v29 =	vsub.f32 v29, v46;
	v39 =	vadd.f32 $9.999999740e-06, v39;
	v36 =	vmul.f32 v51, v36  }
0xae: {  	v54 =	vmul.f32 v32, v13;
	v13 =	vsub.f32 v48, v61;
	v37 =	vadd.f32 $9.999999740e-06, v37  }
0xaf: {  	v60 =	vshrl.u32 v39, $0x1;
	v42 =	vmul.f32 $5.000000000e-01, v39;
	v36 =	vmul.f32 v36, v51  }
0xb0: {  	v13 =	vadd.f32 $9.999999740e-06, v13;
	v62 =	vshrl.u32 v37, $0x1;
	v37 =	vmul.f32 $5.000000000e-01, v37  }
0xb1: {  	v55 =	vsub.s32 $0x5F3759DF, v60;
	v48 =	vsub.s32 $0x5F3759DF, v62;
	v36 =	vsub.f32 $1.500000000e+00, v36  }
0xb2: {  	v61 =	vshrl.u32 v13, $0x1;
	v39 =	vmul.f32 $5.000000000e-01, v13;
	v63 =	vmul.f32 v48, v37  }
0xb3: {  	s8 =	simm.s32 $0xE480;
	v13 =	vmul.f32 v55, v42;
	v36 =	vmul.f32 v36, v51;
	v51 =	vsub.s32 $0x5F3759DF, v61  }
0xb4: {  	[tilespmem:s8+$0x70] =	vst v15;
	v28 =	vsub.f32 v28, v46;
	v53 =	vmul.f32 v48, v63;
	v63 =	vmul.f32 v51, v39  }
0xb5: {  	[tilespmem:s8+$0x40] =	vst v17;
	v15 =	vsub.f32 v44, v50;
	v17 =	vsub.f32 v41, v50;
	v59 =	vmul.f32 v55, v13  }
0xb6: {  	v62 =	vsub.f32 v12, v46;
	v60 =	vsub.f32 $1.500000000e+00, v53;
	v61 =	vmul.f32 v51, v63  }
0xb7: {  	v56 =	vmul.f32 v32, v16;
	v12 =	vsub.f32 v45, v50;
	v63 =	vsub.f32 $1.500000000e+00, v59  }
0xb8: {  	[tilespmem:s8+$0x50] =	vst v18;
	v13 =	vsub.f32 v43, v50;
	v48 =	vmul.f32 v48, v60;
	v50 =	vsub.f32 $1.500000000e+00, v61  }
0xb9: {  	[tilespmem:s8+$0xFFFFFFC0] =	vst v22;
	v22 =	vsub.f32 v27, v46;
	v21 =	vsub.f32 v21, v49;
	v44 =	vmul.f32 v55, v63  }
0xba: {  	[tilespmem:s8+$0x60] =	vst v31;
	v19 =	vsub.f32 v19, v49;
	v57 =	vmul.f32 v48, v37;
	v32 =	vmul.f32 v51, v50  }
0xbb: {  	[tilespmem:s8+$0xFFFFFF80] =	vst v33;
	v11 =	vsub.f32 v11, v49;
	v62 =	vmul.f32 v36, v62;
	v58 =	vmul.f32 v44, v42  }
0xbc: {  	[tilespmem:s8+$0xFFFFFF90] =	vst v47;
	v16 =	vsub.f32 v38, v52;
	v38 =	vmul.f32 v57, v48;
	v59 =	vmul.f32 v32, v39  }
0xbd: {  	s13 =	simm.s32 $0xE580;
	[tilespmem:s8+$0xFFFFFFB0] =	vst v56;
	v14 =	vsub.f32 v14, v49;
	v33 =	vsub.f32 v34, v52;
	v34 =	vmul.f32 v58, v44  }
0xbe: {  	[tilespmem:s13+$0x70] =	vst v62;
	v62 =	vmul.f32 v30, v23;
	v60 =	vsub.f32 $1.500000000e+00, v38;
	v61 =	vmul.f32 v59, v32  }
0xbf: {  	v18 =	vsub.f32 v35, v52;
	[tilespmem:s8+$0xFFFFFFA0] =	vst v54;
	v63 =	vmul.f32 v30, v25;
	v34 =	vsub.f32 $1.500000000e+00, v34  }
0xc0: {  	v25 =	vmul.f32 v30, v26;
	[tilespmem:s8+$0xFFFFFFD0] =	vst v62;
	v23 =	vmul.f32 v60, v48;
	v27 =	vsub.f32 $1.500000000e+00, v61  }
0xc1: {  	s14 =	sshll.u32 s1, $0xB;
	s15 =	simm.s32 $0x4;
	s16 =	simm.s32 $0x6680;
	v31 =	vsub.f32 v40, v52;
	v26 =	vmul.f32 v10, v24;
	[tilespmem:s8+$0xFFFFFFE0] =	vst v63;
	v24 =	vmul.f32 v34, v44  }
.LBB2_3:
0xc2: {  	v30 =	vld [tilespmem:s16+$0x40];
	v34 =	vmul.f32 v23, v37;
	v27 =	vmul.f32 v27, v32;
	[tilespmem:s8+$0xFFFFFFF0] =	vst v25  }
0xc3: {  	v35 =	vmul.f32 v10, v9;
	v9 =	vmov v33;
	v32 =	vld [tilespmem:s16+$0x50];
	v25 =	vmul.f32 v24, v42;
	[tilespmem:s8+$0x0] =	vst v26  }
0xc4: {  	v26 =	vld [tilespmem:s16+$0x60];
	v33 =	vmul.f32 v34, v23;
	v34 =	vmul.f32 v27, v39;
	[tilespmem:s8+$0x10] =	vst v20  }
0xc5: {  	v10 =	vmul.f32 v10, v8;
	v8 =	vmov v31;
	v37 =	vld [tilespmem:s16+$0x70];
	v20 =	vmul.f32 v25, v24;
	[tilespmem:s8+$0x20] =	vst v35  }
0xc6: {  	s15 =	sadd.s32 $0x4, s15;
	v29 =	vmul.f32 v36, v29;
	v31 =	vld [tilespmem:s16+$0xFFFFFF90];
	v25 =	vsub.f32 $1.500000000e+00, v33;
	v33 =	vmul.f32 v34, v27  }
0xc7: {  	v28 =	vmul.f32 v36, v28;
	p1 =	slt.u32 s15, $0x7C;
	v35 =	vmul.f32 v36, v22;
	v34 =	vld [tilespmem:s16+$0xFFFFFFA0];
	v20 =	vsub.f32 $1.500000000e+00, v20;
	[tilespmem:s8+$0x30] =	vst v10;
	s8 =	smov.u32 s13  }
0xc8: {  	v38 =	vld [tilespmem:s16+$0xFFFFFFB0];
	v25 =	vmul.f32 v25, v23;
	v10 =	vsub.f32 $1.500000000e+00, v33;
	[tilespmem:s13+$0x40] =	vst v29  }
0xc9: {  	v23 =	vadd.f32 v30, v4;
	v22 =	vadd.f32 v32, v5;
	v29 =	vld [tilespmem:s16+$0xFFFFFFC0];
	v20 =	vmul.f32 v20, v24;
	[tilespmem:s13+$0x50] =	vst v28  }
0xca: {  	v24 =	vadd.f32 v26, v6;
	v30 =	vld [tilespmem:s16+$0xFFFFFFD0];
	v26 =	vadd.f32 v37, v7;
	v10 =	vmul.f32 v10, v27;
	[tilespmem:s13+$0x60] =	vst v35  }
0xcb: {  	v21 =	vmul.f32 v25, v21;
	v36 =	vadd.f32 v31, v5;
	v27 =	vld [tilespmem:s16+$0xFFFFFFE0];
	v31 =	vmul.f32 v23, v23  }
0xcc: {  	v33 =	vmul.f32 v22, v22;
	v35 =	vadd.f32 v22, v23;
	v32 =	vld [tilespmem:s16+$0xFFFFFFF0];
	v39 =	vadd.f32 v26, v24  }
0xcd: {  	v37 =	vadd.f32 v34, v6;
	v34 =	vmul.f32 v24, v24;
	v41 =	vmul.f32 v26, v26;
	v40 =	vld [tilespmem:s16+$0x0];
	[tilespmem:s13+$0xFFFFFF80] =	vst v21  }
0xce: {  	v28 =	vadd.f32 v38, v7;
	v38 =	vmul.f32 v36, v36;
	v21 =	vld [tilespmem:s16+$0x10];
	v39 =	vadd.f32 v39, v35  }
0xcf: {  	v31 =	vadd.f32 v33, v31;
	v42 =	vmul.f32 v37, v37;
	v34 =	vadd.f32 v41, v34;
	v43 =	vld [tilespmem:s16+$0x20]  }
0xd0: {  	v35 =	vadd.f32 v29, v4;
	v41 =	vmul.f32 v28, v28;
	v29 =	vadd.f32 v30, v5;
	v44 =	vld [tilespmem:s16+$0x30]  }
0xd1: {  	v33 =	vadd.f32 v27, v6;
	v30 =	vperm.xlane v39, v0;
	v46 =	vadd.f32 v34, v31;
	v45 =	vld [tilespmem:s16+$0xFFFFFF80]  }
0xd2: {  	v47 =	vmul.f32 v35, v35;
	v34 =	vadd.f32 v32, v7;
	v31 =	vadd.f32 v40, v4  }
0xd3: {  	v39 =	vadd.f32 v39, v30;
	v27 =	vadd.f32 v21, v5;
	v21 =	vperm.xlane v46, v0  }
0xd4: {  	v48 =	vmul.f32 v29, v29;
	v40 =	vadd.f32 v28, v37;
	v30 =	vadd.f32 v43, v6  }
0xd5: {  	v43 =	vperm.xlane v39, v1;
	v32 =	vadd.f32 v44, v7;
	v44 =	vadd.f32 v21, v46  }
0xd6: {  	v46 =	vmul.f32 v34, v34;
	v21 =	vadd.f32 v45, v4;
	v45 =	vmul.f32 v33, v33  }
0xd7: {  	v49 =	vadd.f32 v29, v35;
	v39 =	vadd.f32 v39, v43;
	v43 =	vperm.xlane v44, v1  }
0xd8: {  	v52 =	vadd.f32 v34, v33;
	v50 =	vmul.f32 v21, v21;
	v51 =	vadd.f32 v36, v21  }
0xd9: {  	v53 =	vmul.f32 v31, v31;
	v54 =	vperm.xlane v39, v2;
	v43 =	vadd.f32 v43, v44  }
0xda: {  	v56 =	vadd.f32 v27, v31;
	v55 =	vmul.f32 v30, v30;
	v44 =	vmul.f32 v27, v27  }
0xdb: {  	v57 =	vmul.f32 v32, v32;
	v39 =	vadd.f32 v39, v54;
	v54 =	vperm.xlane v43, v2  }
0xdc: {  	v19 =	vmul.f32 v25, v19;
	v40 =	vadd.f32 v40, v51;
	v51 =	vadd.f32 v32, v30  }
0xdd: {  	v50 =	vadd.f32 v38, v50;
	v38 =	vperm.xlane v39, v3;
	v43 =	vadd.f32 v54, v43  }
0xde: {  	v41 =	vadd.f32 v41, v42;
	v42 =	vadd.f32 v52, v49;
	v54 =	vperm.xlane v40, v0;
	[tilespmem:s13+$0xFFFFFF90] =	vst v19  }
0xdf: {  	v19 =	vadd.f32 v48, v47;
	v38 =	vadd.f32 v39, v38;
	v39 =	vperm.xlane v43, v3  }
0xe0: {  	v45 =	vadd.f32 v46, v45;
	v46 =	vadd.f32 v51, v56;
	v47 =	vperm.xlane v42, v0  }
0xe1: {  	v44 =	vadd.f32 v44, v53;
	v38 =	vmul.f32 $1.562500000e-02, v38;
	v39 =	vadd.f32 v39, v43  }
0xe2: {  	v41 =	vadd.f32 v41, v50;
	v48 =	vadd.f32 v57, v55;
	v43 =	vperm.xlane v46, v0  }
0xe3: {  	v19 =	vadd.f32 v45, v19;
	v45 =	vmul.f32 v38, v38;
	v39 =	vmul.f32 $1.562500000e-02, v39  }
0xe4: {  	v49 =	vperm.xlane v41, v0;
	v40 =	vadd.f32 v40, v54;
	v44 =	vadd.f32 v48, v44  }
0xe5: {  	v42 =	vadd.f32 v42, v47;
	v47 =	vperm.xlane v19, v0;
	v39 =	vsub.f32 v39, v45  }
0xe6: {  	v43 =	vadd.f32 v46, v43;
	v46 =	vperm.xlane v44, v0;
	v45 =	vperm.xlane v40, v1  }
0xe7: {  	v41 =	vadd.f32 v49, v41;
	v48 =	vperm.xlane v42, v1;
	v39 =	vadd.f32 $9.999999740e-06, v39  }
0xe8: {  	v19 =	vadd.f32 v47, v19;
	v47 =	vperm.xlane v43, v1;
	v44 =	vadd.f32 v46, v44  }
0xe9: {  	v40 =	vadd.f32 v40, v45;
	v45 =	vshrl.u32 v39, $0x1;
	v39 =	vmul.f32 $5.000000000e-01, v39  }
0xea: {  	v42 =	vadd.f32 v42, v48;
	v46 =	vperm.xlane v41, v1;
	v45 =	vsub.s32 $0x5F3759DF, v45  }
0xeb: {  	v48 =	vperm.xlane v19, v1;
	v43 =	vadd.f32 v43, v47;
	v47 =	vmul.f32 v45, v39  }
0xec: {  	v41 =	vadd.f32 v46, v41;
	v46 =	vperm.xlane v44, v1;
	v49 =	vperm.xlane v40, v2  }
0xed: {  	v50 =	vperm.xlane v42, v2;
	v19 =	vadd.f32 v48, v19;
	v47 =	vmul.f32 v45, v47  }
0xee: {  	v48 =	vperm.xlane v43, v2;
	v44 =	vadd.f32 v46, v44;
	v40 =	vadd.f32 v40, v49  }
0xef: {  	v42 =	vadd.f32 v42, v50;
	v46 =	vperm.xlane v41, v2;
	v47 =	vsub.f32 $1.500000000e+00, v47  }
0xf0: {  	v49 =	vperm.xlane v19, v2;
	v43 =	vadd.f32 v43, v48;
	v48 =	vperm.xlane v44, v2  }
0xf1: {  	v41 =	vadd.f32 v46, v41;
	v50 =	vperm.xlane v40, v3;
	v45 =	vmul.f32 v45, v47  }
0xf2: {  	v46 =	vperm.xlane v42, v3;
	v19 =	vadd.f32 v49, v19;
	v47 =	vperm.xlane v43, v3  }
0xf3: {  	v44 =	vadd.f32 v48, v44;
	v40 =	vadd.f32 v40, v50;
	v48 =	vmul.f32 v45, v39  }
0xf4: {  	v49 =	vperm.xlane v41, v3;
	v42 =	vadd.f32 v42, v46;
	v46 =	vperm.xlane v19, v3  }
0xf5: {  	v43 =	vadd.f32 v43, v47;
	v47 =	vperm.xlane v44, v3;
	v48 =	vmul.f32 v48, v45  }
0xf6: {  	v41 =	vadd.f32 v49, v41;
	v49 =	vmul.f32 $1.562500000e-02, v42;
	v40 =	vmul.f32 $1.562500000e-02, v40  }
0xf7: {  	v19 =	vadd.f32 v46, v19;
	v43 =	vmul.f32 $1.562500000e-02, v43;
	v42 =	vsub.f32 $1.500000000e+00, v48  }
0xf8: {  	v41 =	vmul.f32 $1.562500000e-02, v41;
	v46 =	vmul.f32 v40, v40;
	v44 =	vadd.f32 v47, v44  }
0xf9: {  	v21 =	vsub.f32 v21, v40;
	v47 =	vmul.f32 $1.562500000e-02, v19;
	v45 =	vmul.f32 v42, v45  }
0xfa: {  	v41 =	vsub.f32 v41, v46;
	v44 =	vmul.f32 $1.562500000e-02, v44;
	v42 =	vmul.f32 v49, v49  }
0xfb: {  	v19 =	vsub.f32 v36, v40;
	v36 =	vmul.f32 v43, v43;
	v39 =	vmul.f32 v45, v39  }
0xfc: {  	v46 =	vmul.f32 v25, v11;
	v41 =	vadd.f32 $9.999999740e-06, v41;
	v42 =	vsub.f32 v47, v42  }
0xfd: {  	v11 =	vsub.f32 v37, v40;
	v36 =	vsub.f32 v44, v36;
	v39 =	vmul.f32 v39, v45  }
0xfe: {  	v44 =	vshrl.u32 v41, $0x1;
	v37 =	vmul.f32 $5.000000000e-01, v41;
	v41 =	vadd.f32 $9.999999740e-06, v42;
	[tilespmem:s13+$0xFFFFFFA0] =	vst v46  }
0xff: {  	v44 =	vsub.s32 $0x5F3759DF, v44;
	v46 =	vadd.f32 $9.999999740e-06, v36;
	v36 =	vsub.f32 $1.500000000e+00, v39  }
0x100: {  	v47 =	vmul.f32 v44, v37;
	v39 =	vshrl.u32 v41, $0x1;
	v42 =	vmul.f32 $5.000000000e-01, v41  }
0x101: {  	v26 =	vsub.f32 v26, v38;
	v41 =	vshrl.u32 v46, $0x1;
	v36 =	vmul.f32 v36, v45  }
0x102: {  	v45 =	vsub.s32 $0x5F3759DF, v39;
	v41 =	vsub.s32 $0x5F3759DF, v41;
	v39 =	vmul.f32 $5.000000000e-01, v46  }
0x103: {  	v28 =	vsub.f32 v28, v40;
	v40 =	vmul.f32 v45, v42;
	v26 =	vmul.f32 v36, v26  }
0x104: {  	v35 =	vsub.f32 v35, v49;
	s13 =	sadd.s32 $0x100, s13;
	v46 =	vmul.f32 v44, v47;
	v47 =	vmul.f32 v41, v39  }
0x105: {  	v50 =	vsub.f32 v33, v49;
	v48 =	vsub.f32 v29, v49;
	v40 =	vmul.f32 v45, v40;
	[tilespmem:s13+$0x70] =	vst v26  }
0x106: {  	v34 =	vsub.f32 v34, v49;
	v26 =	vsub.f32 $1.500000000e+00, v46;
	v29 =	vmul.f32 v41, v47  }
0x107: {  	v25 =	vmul.f32 v25, v14;
	v14 =	vmovc v28;
	v33 =	vsub.f32 $1.500000000e+00, v40;
	v40 =	vsub.f32 v31, v43  }
0x108: {  	v26 =	vmul.f32 v44, v26;
	v28 =	vsub.f32 $1.500000000e+00, v29;
	v44 =	vsub.f32 v27, v43  }
0x109: {  	v31 =	vsub.f32 v32, v43;
	v45 =	vmul.f32 v45, v33;
	v33 =	vsub.f32 v30, v43;
	[tilespmem:s8+$0xFFFFFFB0] =	vst v25  }
0x10a: {  	v29 =	vsub.f32 v23, v38;
	v25 =	vmul.f32 v26, v37;
	v32 =	vmul.f32 v41, v28  }
0x10b: {  	v28 =	vsub.f32 v22, v38;
	v22 =	vsub.f32 v24, v38;
	v23 =	vmul.f32 v45, v42  }
0x10c: {  	v24 =	vmul.f32 v25, v26;
	v25 =	vmul.f32 v32, v39  }
.Ltmp0:
0x10d: {  	v27 =	vmul.f32 v20, v12;
	v12 =	vmov v35;
	v23 =	vmul.f32 v23, v45;
	(pc) =	sbr.rel @p1 .LBB2_3-.Ltmp0, $4  }
0x10e: {  	v35 =	vmul.f32 v20, v13;
	v13 =	vmovc v48;
	v24 =	vsub.f32 $1.500000000e+00, v24;
	v30 =	vmul.f32 v25, v32  }
0x10f: {  	v41 =	vmul.f32 v20, v15;
	v15 =	vmovc v50;
	v25 =	vmul.f32 v20, v17;
	v38 =	vsub.f32 $1.500000000e+00, v23;
	[tilespmem:s8+$0xFFFFFFC0] =	vst v27  }
0x110: {  	v17 =	vmovc v34;
	v23 =	vmul.f32 v24, v26;
	v27 =	vsub.f32 $1.500000000e+00, v30;
	v26 =	vmul.f32 v10, v18;
	[tilespmem:s8+$0xFFFFFFD0] =	vst v35  }
0x111: {  	s16 =	sadd.s32 $0x100, s16;
	v20 =	vmul.f32 v10, v16;
	v16 =	vmovc v44;
	v18 =	vmov v40;
	v24 =	vmul.f32 v38, v45;
	[tilespmem:s8+$0xFFFFFFE0] =	vst v41  }
0x112: {  	v4 =	vmul.f32 v23, v37  }
0x113: {  	v7 =	vmul.f32 v27, v32;
	v8 =	vmul.f32 v10, v8  }
0x114: {  	[tilespmem:s8+$0xFFFFFFF0] =	vst v25;
	v5 =	vmul.f32 v24, v42;
	v4 =	vmul.f32 v4, v23  }
0x115: {  	v6 =	vmul.f32 v10, v9;
	[tilespmem:s8+$0x0] =	vst v26  }
0x116: {  	[tilespmem:s8+$0x30] =	vst v8;
	v8 =	vmul.f32 v7, v39;
	v5 =	vmul.f32 v5, v24;
	v4 =	vsub.f32 $1.500000000e+00, v4  }
0x117: {  	v9 =	vmul.f32 v36, v28;
	[tilespmem:s8+$0x20] =	vst v6;
	v6 =	vmul.f32 v36, v29  }
0x118: {  	[tilespmem:s8+$0x10] =	vst v20;
	v8 =	vmul.f32 v8, v7;
	v5 =	vsub.f32 $1.500000000e+00, v5;
	v4 =	vmul.f32 v4, v23  }
0x119: {  	v10 =	vmul.f32 v36, v22;
	[tilespmem:s13+$0x50] =	vst v9  }
0x11a: {  	[tilespmem:s13+$0x40] =	vst v6;
	v8 =	vsub.f32 $1.500000000e+00, v8;
	v5 =	vmul.f32 v5, v24;
	v6 =	vmul.f32 v4, v21  }
0x11b: {  	[tilespmem:s13+$0x60] =	vst v10;
	v9 =	vmul.f32 v4, v19  }
0x11c: {  	v7 =	vmul.f32 v8, v7;
	v8 =	vmul.f32 v5, v15;
	[tilespmem:s13+$0xFFFFFF80] =	vst v6  }
0x11d: {  	v6 =	vmul.f32 v4, v11;
	[tilespmem:s13+$0xFFFFFF90] =	vst v9  }
0x11e: {  	v4 =	vmul.f32 v4, v14;
	[tilespmem:s13+$0xFFFFFFE0] =	vst v8  }
0x11f: {  	[tilespmem:s13+$0xFFFFFFA0] =	vst v6;
	v6 =	vmul.f32 v5, v12  }
0x120: {  	[tilespmem:s13+$0xFFFFFFB0] =	vst v4;
	v4 =	vmul.f32 v5, v13  }
0x121: {  	v5 =	vmul.f32 v5, v17;
	[tilespmem:s13+$0xFFFFFFC0] =	vst v6  }
0x122: {  	[tilespmem:s13+$0xFFFFFFD0] =	vst v4;
	v4 =	vmul.f32 v7, v18  }
0x123: {  	v6 =	vmul.f32 v7, v16;
	[tilespmem:s13+$0xFFFFFFF0] =	vst v5  }
0x124: {  	v5 =	vmul.f32 v7, v33;
	[tilespmem:s13+$0x0] =	vst v4  }
0x125: {  	p1 =	seq.s32 s1, $0x31;
	[tilespmem:s13+$0x10] =	vst v6;
	v4 =	vmul.f32 v7, v31  }
0x126: {  	s12 =	sshll.u32 s12, $0x3;
	s8 =	sshrl.u32 @!p1 s14, $0x2;
	[tilespmem:s13+$0x20] =	vst v5  }
0x127: {  	s15 =	simm.s32 @!p1 $0x6400;
	s14 =	simm.s32 @!p1 $0x80;
	[tilespmem:s13+$0x30] =	vst v4;
	s13 =	sadd.s32 @!p1 $0x200, s8  }
0x128: {  	[tilespmem:s15], [sflag:$0x1] =	stream.indirect.gather @!p1 [hbm4b:s5+s14], $0x40, s13, s14, $0xb8;
	[tilespmem:$0x19600] =	vst v63  }
0x129: {  	s12 =	sadd.s32 s2, s12  }
0x12a: {  	[hbm4b:s12+s3] =	stream.linear.scatter [tilespmem:s19], [sflag:$0x5], $0x2000, $0x38;
	[tilespmem:$0x19600] =	vst v63  }
0x12b: {  	_ =	swait.ge [sflag:s20], $0x2000  }
0x12c: {  	[sflag:s20] =	ssyncset.done $0x0  }
0x12d: {  	s15 =	sor.u32 $0x80, s0;
	s13 =	simm.s32 @!p0 $0x6;
	[sflag:s20] =	ssyncadd.s32 $0xFFFFE000  }
0x12e: {  	s12 =	sadd.s32 s4, s15;
	_ =	swait.ge @!p0 [sflag:s13], $0x2000  }
0x12f: {  	s16 =	sshrl.u32 s12, $0x6;
	[sflag:s13] =	ssyncset.done @!p0 $0x0  }
0x130: {  	s14 =	sand.u32 $0x1FFFFC0, s16;
	[sflag:s13] =	ssyncadd.s32 @!p0 $0xFFFFE000  }
0x131: {  	v4 =	vld [tilespmem:s14+$0x16400]  }
0x132: {  	v5 =	vld [tilespmem:s14+$0x16410]  }
0x133: {  	v6 =	vld [tilespmem:s14+$0x16420]  }
0x134: {  	s15 =	simm.s32 $0x8480;
	v7 =	vld [tilespmem:s14+$0x16430]  }
0x135: {  	v8 =	vld [tilespmem:s15+$0x40]  }
0x136: {  	v9 =	vld [tilespmem:s15+$0x50]  }
0x137: {  	v11 =	vld [tilespmem:s15+$0x60]  }
0x138: {  	v13 =	vld [tilespmem:s15+$0x70]  }
0x139: {  	v14 =	vld [tilespmem:s15+$0xFFFFFF90]  }
0x13a: {  	v15 =	vld [tilespmem:s15+$0xFFFFFFA0];
	_ =	sdelay $0x1  }
0x13b: {  	v16 =	vld [tilespmem:s15+$0xFFFFFFB0]  }
0x13c: {  	v17 =	vld [tilespmem:s15+$0xFFFFFFC0];
	v12 =	vadd.f32 v8, v4;
	v10 =	vadd.f32 v9, v5  }
0x13d: {  	v18 =	vld [tilespmem:s15+$0xFFFFFFD0];
	v11 =	vadd.f32 v11, v6;
	v8 =	vadd.f32 v13, v7  }
0x13e: {  	v25 =	vld [tilespmem:s15+$0x0];
	v9 =	vadd.f32 v14, v5;
	v13 =	vadd.f32 v15, v6;
	v20 =	vmul.f32 v12, v12  }
0x13f: {  	v19 =	vld [tilespmem:s15+$0xFFFFFFE0];
	v21 =	vmul.f32 v10, v10;
	v23 =	vadd.f32 v10, v12;
	v24 =	vadd.f32 v8, v11  }
0x140: {  	v22 =	vld [tilespmem:s15+$0xFFFFFFF0];
	v14 =	vadd.f32 v16, v7;
	v15 =	vmul.f32 v11, v11;
	v26 =	vmul.f32 v8, v8  }
0x141: {  	v16 =	vld [tilespmem:s15+$0x10];
	v23 =	vadd.f32 v24, v23;
	v24 =	vadd.f32 v21, v20  }
0x142: {  	v31 =	vld [tilespmem:s15+$0xFFFFFF80];
	v27 =	vmul.f32 v9, v9;
	v15 =	vadd.f32 v26, v15;
	v21 =	vadd.f32 v17, v4  }
0x143: {  	v29 =	vmul.f32 v14, v14;
	v20 =	vadd.f32 v18, v5;
	v18 =	vadd.f32 v25, v4  }
0x144: {  	v28 =	vld [tilespmem:s15+$0x20];
	v26 =	vmul.f32 v13, v13;
	v25 =	vadd.f32 v14, v13;
	v48 =	vadd.f32 v15, v24  }
0x145: {  	v17 =	vperm.xlane v23, v0;
	v24 =	vadd.f32 v19, v6;
	v15 =	vadd.f32 v22, v7  }
0x146: {  	v49 =	vmul.f32 v21, v21;
	v19 =	vadd.f32 v16, v5;
	v34 =	vmul.f32 v20, v20  }
0x147: {  	v30 =	vld [tilespmem:s15+$0x30];
	v16 =	vadd.f32 v31, v4;
	v35 =	vadd.f32 v20, v21;
	v38 =	vmul.f32 v18, v18  }
0x148: {  	v26 =	vadd.f32 v29, v26;
	v23 =	vadd.f32 v23, v17;
	v22 =	vperm.xlane v48, v0  }
0x149: {  	v17 =	vadd.f32 v28, v6;
	v31 =	vmul.f32 v15, v15;
	v51 =	vadd.f32 v9, v16  }
0x14a: {  	v50 =	vmul.f32 v16, v16;
	v53 =	vadd.f32 v15, v24;
	v54 =	vadd.f32 v19, v18  }
0x14b: {  	v40 =	vmul.f32 v19, v19;
	v58 =	vadd.f32 v34, v49;
	v32 =	vadd.f32 v22, v48  }
0x14c: {  	v28 =	vperm.xlane v23, v1;
	v22 =	vadd.f32 v30, v7;
	v25 =	vadd.f32 v25, v51  }
0x14d: {  	v30 =	vmul.f32 v24, v24;
	v36 =	vadd.f32 v27, v50;
	v29 =	vadd.f32 v53, v35  }
0x14e: {  	v41 =	vmul.f32 v17, v17;
	v61 =	vadd.f32 v40, v38;
	v23 =	vadd.f32 v23, v28  }
0x14f: {  	v28 =	vperm.xlane v32, v1;
	v43 =	vmul.f32 v22, v22;
	v56 =	vadd.f32 v22, v17  }
0x150: {  	v57 =	vperm.xlane v25, v0;
	v30 =	vadd.f32 v31, v30;
	v26 =	vadd.f32 v26, v36  }
0x151: {  	v60 =	vperm.xlane v29, v0;
	v28 =	vadd.f32 v28, v32;
	v31 =	vadd.f32 v56, v54  }
0x152: {  	v52 =	vperm.xlane v23, v2;
	v62 =	vadd.f32 v43, v41;
	v30 =	vadd.f32 v30, v58  }
0x153: {  	v25 =	vadd.f32 v25, v57;
	v36 =	vperm.xlane v26, v0;
	v29 =	vadd.f32 v29, v60  }
0x154: {  	v23 =	vadd.f32 v23, v52;
	v55 =	vperm.xlane v28, v2;
	v33 =	vadd.f32 v62, v61  }
0x155: {  	v37 =	vperm.xlane v30, v0;
	v38 =	vperm.xlane v25, v1;
	v26 =	vadd.f32 v36, v26  }
0x156: {  	v39 =	vperm.xlane v29, v1;
	v27 =	vperm.xlane v23, v3;
	v28 =	vadd.f32 v55, v28  }
0x157: {  	v30 =	vadd.f32 v37, v30;
	v25 =	vadd.f32 v25, v38;
	v42 =	vperm.xlane v26, v1  }
0x158: {  	v29 =	vadd.f32 v29, v39;
	v23 =	vadd.f32 v23, v27;
	v59 =	vperm.xlane v28, v3  }
0x159: {  	v43 =	vperm.xlane v30, v1;
	v45 =	vperm.xlane v25, v2;
	v26 =	vadd.f32 v42, v26  }
0x15a: {  	v27 =	vmul.f32 $1.562500000e-02, v23;
	v23 =	vadd.f32 v59, v28;
	v28 =	vperm.xlane v31, v0  }
0x15b: {  	v47 =	vperm.xlane v29, v2;
	v30 =	vadd.f32 v43, v30;
	v25 =	vadd.f32 v25, v45  }
0x15c: {  	v48 =	vperm.xlane v26, v2;
	v28 =	vadd.f32 v31, v28;
	v31 =	vperm.xlane v33, v0  }
0x15d: {  	v29 =	vadd.f32 v29, v47;
	v23 =	vmul.f32 $1.562500000e-02, v23;
	v63 =	vmul.f32 v27, v27  }
0x15e: {  	v50 =	vperm.xlane v30, v2;
	v40 =	vperm.xlane v28, v1;
	v31 =	vadd.f32 v31, v33  }
0x15f: {  	v51 =	vperm.xlane v25, v3;
	v26 =	vadd.f32 v48, v26;
	v53 =	vperm.xlane v29, v3  }
0x160: {  	v23 =	vsub.f32 v23, v63;
	v28 =	vadd.f32 v28, v40;
	v46 =	vperm.xlane v31, v1  }
0x161: {  	v30 =	vadd.f32 v50, v30;
	v25 =	vadd.f32 v25, v51;
	v54 =	vperm.xlane v26, v3  }
0x162: {  	v29 =	vadd.f32 v29, v53;
	v31 =	vadd.f32 v46, v31;
	v49 =	vperm.xlane v28, v2  }
0x163: {  	v23 =	vadd.f32 $9.999999740e-06, v23;
	v56 =	vperm.xlane v30, v3;
	v25 =	vmul.f32 $1.562500000e-02, v25  }
0x164: {  	v26 =	vadd.f32 v54, v26;
	v28 =	vadd.f32 v28, v49;
	v52 =	vperm.xlane v31, v2  }
0x165: {  	v29 =	vmul.f32 $1.562500000e-02, v29;
	v41 =	vshrl.u32 v23, $0x1;
	v23 =	vmul.f32 $5.000000000e-01, v23  }
0x166: {  	v30 =	vadd.f32 v56, v30;
	v55 =	vperm.xlane v28, v3;
	v31 =	vadd.f32 v52, v31  }
0x167: {  	v26 =	vmul.f32 $1.562500000e-02, v26;
	v58 =	vmul.f32 v25, v25;
	v32 =	vsub.s32 $0x5F3759DF, v41  }
0x168: {  	v44 =	vmul.f32 v32, v23;
	v28 =	vadd.f32 v28, v55;
	v57 =	vperm.xlane v31, v3  }
0x169: {  	v59 =	vmul.f32 v29, v29;
	v30 =	vmul.f32 $1.562500000e-02, v30;
	v26 =	vsub.f32 v26, v58  }
0x16a: {  	v34 =	vmul.f32 v32, v44;
	v28 =	vmul.f32 $1.562500000e-02, v28;
	v31 =	vadd.f32 v57, v31  }
0x16b: {  	v26 =	vadd.f32 $9.999999740e-06, v26;
	v30 =	vsub.f32 v30, v59  }
0x16c: {  	v34 =	vsub.f32 $1.500000000e+00, v34;
	v31 =	vmul.f32 $1.562500000e-02, v31;
	v60 =	vmul.f32 v28, v28  }
0x16d: {  	v62 =	vshrl.u32 v26, $0x1;
	v63 =	vmul.f32 $5.000000000e-01, v26;
	v26 =	vadd.f32 $9.999999740e-06, v30  }
0x16e: {  	v32 =	vmul.f32 v32, v34;
	v31 =	vsub.f32 v31, v60  }
0x16f: {  	v43 =	vsub.s32 $0x5F3759DF, v62;
	v44 =	vshrl.u32 v26, $0x1;
	v45 =	vmul.f32 $5.000000000e-01, v26  }
0x170: {  	v36 =	vsub.s32 $0x5F3759DF, v44;
	v61 =	vmul.f32 v32, v23;
	v31 =	vadd.f32 $9.999999740e-06, v31  }
0x171: {  	s16 =	simm.s32 $0x8580;
	v12 =	vsub.f32 v12, v27;
	v34 =	vmul.f32 v43, v63;
	v46 =	vmul.f32 v36, v45  }
0x172: {  	v55 =	vld [tilespmem:s16+$0x60];
	v30 =	vmul.f32 v61, v32;
	v26 =	vshrl.u32 v31, $0x1;
	v31 =	vmul.f32 $5.000000000e-01, v31  }
0x173: {  	v10 =	vsub.f32 v10, v27;
	v34 =	vmul.f32 v43, v34;
	v26 =	vsub.s32 $0x5F3759DF, v26  }
0x174: {  	v48 =	vmul.f32 v36, v46;
	v30 =	vsub.f32 $1.500000000e+00, v30;
	v47 =	vmul.f32 v26, v31  }
0x175: {  	v11 =	vsub.f32 v11, v27;
	v34 =	vsub.f32 $1.500000000e+00, v34  }
0x176: {  	v30 =	vmul.f32 v30, v32;
	v32 =	vsub.f32 $1.500000000e+00, v48;
	v49 =	vmul.f32 v26, v47  }
0x177: {  	v53 =	vsub.f32 v8, v27;
	v27 =	vadd.f32 v55, v6;
	v55 =	vld [tilespmem:s16+$0x10];
	v33 =	vmul.f32 v43, v34  }
0x178: {  	v51 =	vsub.f32 v16, v25;
	v32 =	vmul.f32 v36, v32;
	v50 =	vsub.f32 $1.500000000e+00, v49  }
0x179: {  	v39 =	vsub.f32 v9, v25;
	v16 =	vmul.f32 v33, v63;
	v23 =	vmul.f32 v30, v23  }
0x17a: {  	v13 =	vsub.f32 v13, v25;
	v9 =	vmul.f32 v32, v45;
	v34 =	vmul.f32 v26, v50  }
0x17b: {  	v21 =	vsub.f32 v21, v29;
	v23 =	vmul.f32 v23, v30;
	v26 =	vmul.f32 v16, v33  }
0x17c: {  	v38 =	vadd.f32 v55, v5;
	v8 =	vmul.f32 v9, v32;
	v52 =	vmul.f32 v34, v31  }
0x17d: {  	v23 =	vsub.f32 $1.500000000e+00, v23;
	v9 =	vsub.f32 $1.500000000e+00, v26  }
0x17e: {  	v16 =	vsub.f32 v14, v25;
	v8 =	vsub.f32 $1.500000000e+00, v8;
	v14 =	vmul.f32 v52, v34  }
0x17f: {  	v46 =	vld [tilespmem:s16+$0xFFFFFFE0];
	v25 =	vsub.f32 v24, v29;
	v24 =	vsub.f32 v18, v28;
	v33 =	vmul.f32 v9, v33  }
0x180: {  	v30 =	vmul.f32 v23, v30;
	v18 =	vld [tilespmem:s16+$0x50];
	v26 =	vsub.f32 v15, v29;
	v9 =	vsub.f32 $1.500000000e+00, v14  }
0x181: {  	v54 =	vmul.f32 v8, v32;
	v8 =	vsub.f32 v22, v28;
	v22 =	vld [tilespmem:s16+$0x70];
	v15 =	vmul.f32 v33, v63  }
0x182: {  	v23 =	vsub.f32 v20, v29;
	v20 =	vsub.f32 v19, v28;
	v63 =	vld [tilespmem:s16+$0xFFFFFFF0];
	v19 =	vmul.f32 v9, v34  }
0x183: {  	v14 =	vld [tilespmem:s16+$0x40];
	v9 =	vsub.f32 v17, v28;
	v17 =	vmul.f32 v54, v45;
	v28 =	vmul.f32 v15, v33  }
0x184: {  	v43 =	vadd.f32 v46, v6;
	v15 =	vmul.f32 v30, v53;
	v45 =	vmul.f32 v27, v27  }
0x185: {  	v53 =	vld [tilespmem:s16+$0x0];
	v29 =	vmul.f32 v19, v31;
	v31 =	vmul.f32 v17, v54;
	v57 =	vsub.f32 $1.500000000e+00, v28  }
0x186: {  	v56 =	vld [tilespmem:s16+$0xFFFFFF90];
	v17 =	vmul.f32 v30, v12;
	v28 =	vadd.f32 v18, v5;
	v18 =	vmul.f32 v30, v10  }
0x187: {  	v12 =	vadd.f32 v22, v7;
	v22 =	vld [tilespmem:s16+$0xFFFFFFC0];
	v41 =	vadd.f32 v63, v7;
	v58 =	vmul.f32 v29, v19  }
0x188: {  	v59 =	vld [tilespmem:s16+$0xFFFFFFA0];
	v29 =	vadd.f32 v14, v4;
	v10 =	vsub.f32 $1.500000000e+00, v31;
	v31 =	vmul.f32 v30, v11  }
0x189: {  	v14 =	vld [tilespmem:s16+$0xFFFFFFB0];
	v61 =	vmul.f32 v28, v28;
	v44 =	vadd.f32 v12, v27;
	v47 =	vmul.f32 v12, v12  }
0x18a: {  	v35 =	vadd.f32 v53, v4;
	v11 =	vmul.f32 v29, v29;
	v62 =	vadd.f32 v28, v29  }
0x18b: {  	v60 =	vld [tilespmem:s16+$0xFFFFFFD0];
	v37 =	vsub.f32 $1.500000000e+00, v58;
	v30 =	vmul.f32 v10, v54;
	v54 =	vadd.f32 v47, v45  }
0x18c: {  	v32 =	vmul.f32 v57, v33;
	v45 =	vadd.f32 v22, v4;
	v52 =	vadd.f32 v44, v62  }
0x18d: {  	v10 =	vmul.f32 v37, v19;
	v42 =	vadd.f32 v61, v11;
	v19 =	vadd.f32 v56, v5  }
0x18e: {  	v33 =	vmul.f32 v32, v51;
	v11 =	vadd.f32 v59, v6;
	v56 =	vld [tilespmem:s16+$0x20];
	v14 =	vadd.f32 v14, v7  }
0x18f: {  	v46 =	vmul.f32 v45, v45;
	v57 =	vperm.xlane v52, v0;
	v58 =	vadd.f32 v54, v42  }
0x190: {  	v49 =	vld [tilespmem:s16+$0xFFFFFF80];
	v48 =	vmul.f32 v11, v11;
	v42 =	vadd.f32 v60, v5;
	v50 =	vmul.f32 v14, v14  }
0x191: {  	v22 =	vld [tilespmem:s16+$0x30];
	v51 =	vadd.f32 v14, v11;
	v40 =	vadd.f32 v52, v57;
	v59 =	vperm.xlane v58, v0  }
0x192: {  	v52 =	vmul.f32 v42, v42;
	v54 =	vadd.f32 v42, v45;
	v57 =	vadd.f32 v41, v43  }
0x193: {  	v34 =	vadd.f32 v56, v6;
	v60 =	vperm.xlane v40, v1;
	v44 =	vadd.f32 v59, v58  }
0x194: {  	v47 =	vmul.f32 v19, v19;
	v48 =	vadd.f32 v50, v48;
	v50 =	vadd.f32 v57, v54  }
0x195: {  	v52 =	vadd.f32 v52, v46;
	v61 =	vadd.f32 v40, v60;
	v62 =	vperm.xlane v44, v1  }
0x196: {  	v58 =	vmul.f32 v38, v38;
	v40 =	vadd.f32 v22, v7;
	v22 =	vadd.f32 v49, v4  }
0x197: {  	v49 =	vmul.f32 v43, v43;
	v53 =	vperm.xlane v61, v2;
	v37 =	vadd.f32 v62, v44  }
0x198: {  	v44 =	vmul.f32 v41, v41;
	v55 =	vadd.f32 v19, v22;
	v56 =	vmul.f32 v22, v22  }
0x199: {  	v57 =	vmul.f32 v40, v40;
	v62 =	vadd.f32 v40, v34;
	v36 =	vadd.f32 v61, v53  }
0x19a: {  	v63 =	vperm.xlane v37, v2;
	v51 =	vadd.f32 v51, v55;
	v55 =	vmul.f32 v35, v35  }
0x19b: {  	v56 =	vadd.f32 v47, v56;
	v61 =	vadd.f32 v38, v35;
	v47 =	vmul.f32 v32, v39  }
0x19c: {  	v39 =	vadd.f32 v44, v49;
	v37 =	vadd.f32 v63, v37;
	v60 =	vperm.xlane v36, v3  }
0x19d: {  	v53 =	vmul.f32 v34, v34;
	v49 =	vadd.f32 v62, v61;
	v55 =	vadd.f32 v58, v55  }
0x19e: {  	v61 =	vperm.xlane v50, v0;
	v39 =	vadd.f32 v39, v52;
	v36 =	vadd.f32 v36, v60  }
0x19f: {  	v57 =	vadd.f32 v57, v53;
	v63 =	vperm.xlane v37, v3;
	v60 =	vperm.xlane v51, v0  }
0x1a0: {  	v50 =	vadd.f32 v50, v61;
	v61 =	vperm.xlane v39, v0;
	v46 =	vmul.f32 $1.562500000e-02, v36  }
0x1a1: {  	v62 =	vadd.f32 v63, v37;
	v37 =	vadd.f32 v48, v56;
	v63 =	vperm.xlane v49, v0  }
0x1a2: {  	v51 =	vadd.f32 v51, v60;
	v48 =	vadd.f32 v57, v55;
	v57 =	vperm.xlane v50, v1  }
0x1a3: {  	v36 =	vmul.f32 $1.562500000e-02, v62;
	v59 =	vmul.f32 v46, v46  }
0x1a4: {  	v39 =	vadd.f32 v61, v39;
	v60 =	vperm.xlane v37, v0;
	v62 =	vperm.xlane v51, v1  }
0x1a5: {  	v44 =	vadd.f32 v49, v63;
	v63 =	vperm.xlane v48, v0;
	v36 =	vsub.f32 v36, v59  }
0x1a6: {  	v50 =	vadd.f32 v50, v57;
	v53 =	vperm.xlane v39, v1;
	v37 =	vadd.f32 v60, v37  }
0x1a7: {  	v48 =	vadd.f32 v63, v48;
	v36 =	vadd.f32 $9.999999740e-06, v36  }
0x1a8: {  	v58 =	vperm.xlane v44, v1;
	v49 =	vadd.f32 v51, v62;
	v39 =	vadd.f32 v53, v39  }
0x1a9: {  	v60 =	vperm.xlane v37, v1;
	v59 =	vshrl.u32 v36, $0x1;
	v36 =	vmul.f32 $5.000000000e-01, v36  }
0x1aa: {  	v44 =	vadd.f32 v44, v58;
	v62 =	vperm.xlane v49, v2;
	v51 =	vsub.s32 $0x5F3759DF, v59  }
0x1ab: {  	v63 =	vperm.xlane v48, v1;
	v37 =	vadd.f32 v60, v37;
	v61 =	vmul.f32 v51, v36  }
0x1ac: {  	v60 =	vperm.xlane v50, v2;
	v49 =	vadd.f32 v49, v62;
	v62 =	vperm.xlane v44, v2  }
0x1ad: {  	v48 =	vadd.f32 v63, v48;
	v63 =	vperm.xlane v37, v2;
	v61 =	vmul.f32 v51, v61  }
0x1ae: {  	v50 =	vadd.f32 v50, v60;
	v60 =	vperm.xlane v39, v2;
	v44 =	vadd.f32 v44, v62  }
0x1af: {  	v62 =	vperm.xlane v49, v3;
	v37 =	vadd.f32 v63, v37;
	v53 =	vsub.f32 $1.500000000e+00, v61  }
0x1b0: {  	v63 =	vperm.xlane v50, v3;
	v39 =	vadd.f32 v60, v39;
	v57 =	vperm.xlane v44, v3  }
0x1b1: {  	v49 =	vadd.f32 v49, v62;
	v61 =	vperm.xlane v48, v2;
	v51 =	vmul.f32 v51, v53  }
0x1b2: {  	v59 =	vperm.xlane v37, v3;
	v50 =	vadd.f32 v50, v63;
	v60 =	vperm.xlane v39, v3  }
0x1b3: {  	v49 =	vmul.f32 $1.562500000e-02, v49;
	v58 =	vmul.f32 v51, v36  }
0x1b4: {  	v48 =	vadd.f32 v61, v48;
	v37 =	vadd.f32 v59, v37;
	v50 =	vmul.f32 $1.562500000e-02, v50  }
0x1b5: {  	v39 =	vadd.f32 v60, v39;
	v63 =	vmul.f32 v49, v49;
	v54 =	vmul.f32 v58, v51  }
0x1b6: {  	v44 =	vadd.f32 v44, v57;
	v61 =	vperm.xlane v48, v3;
	v37 =	vmul.f32 $1.562500000e-02, v37  }
0x1b7: {  	v39 =	vmul.f32 $1.562500000e-02, v39;
	v57 =	vmul.f32 v50, v50;
	v62 =	vsub.f32 $1.500000000e+00, v54  }
0x1b8: {  	v52 =	vmul.f32 $1.562500000e-02, v44;
	v48 =	vadd.f32 v61, v48;
	v37 =	vsub.f32 v37, v63  }
0x1b9: {  	v21 =	vmul.f32 v30, v21;
	v39 =	vsub.f32 v39, v57;
	v51 =	vmul.f32 v62, v51  }
0x1ba: {  	v58 =	vmul.f32 v52, v52;
	v48 =	vmul.f32 $1.562500000e-02, v48;
	v37 =	vadd.f32 $9.999999740e-06, v37  }
0x1bb: {  	v56 =	vsub.f32 v12, v46;
	v39 =	vadd.f32 $9.999999740e-06, v39;
	v36 =	vmul.f32 v51, v36  }
0x1bc: {  	v54 =	vmul.f32 v32, v13;
	v13 =	vsub.f32 v48, v58;
	v59 =	vshrl.u32 v37, $0x1  }
0x1bd: {  	v37 =	vmul.f32 $5.000000000e-01, v37;
	v61 =	vshrl.u32 v39, $0x1;
	v36 =	vmul.f32 v36, v51  }
0x1be: {  	v44 =	vmul.f32 $5.000000000e-01, v39;
	v48 =	vsub.s32 $0x5F3759DF, v59;
	v13 =	vadd.f32 $9.999999740e-06, v13  }
0x1bf: {  	v55 =	vsub.s32 $0x5F3759DF, v61;
	v60 =	vmul.f32 v48, v37;
	v36 =	vsub.f32 $1.500000000e+00, v36  }
0x1c0: {  	v62 =	vshrl.u32 v13, $0x1;
	v39 =	vmul.f32 $5.000000000e-01, v13;
	v13 =	vmul.f32 v55, v44  }
0x1c1: {  	v53 =	vmul.f32 v48, v60;
	v36 =	vmul.f32 v36, v51;
	v51 =	vsub.s32 $0x5F3759DF, v62  }
0x1c2: {  	v29 =	vsub.f32 v29, v46;
	v60 =	vmul.f32 v55, v13;
	v63 =	vmul.f32 v51, v39  }
0x1c3: {  	s14 =	simm.s32 $0x10480;
	v20 =	vmul.f32 v10, v20;
	v28 =	vsub.f32 v28, v46;
	v61 =	vsub.f32 $1.500000000e+00, v53  }
0x1c4: {  	[tilespmem:s14+$0x70] =	vst v15;
	v12 =	vsub.f32 v45, v50;
	v45 =	vsub.f32 $1.500000000e+00, v60;
	v62 =	vmul.f32 v51, v63  }
0x1c5: {  	[tilespmem:s14+$0x40] =	vst v17;
	v15 =	vsub.f32 v43, v50;
	v17 =	vsub.f32 v41, v50;
	v48 =	vmul.f32 v48, v61  }
0x1c6: {  	[tilespmem:s14+$0x50] =	vst v18;
	v13 =	vsub.f32 v42, v50;
	v43 =	vmul.f32 v55, v45;
	v50 =	vsub.f32 $1.500000000e+00, v62  }
0x1c7: {  	[tilespmem:s14+$0xFFFFFFC0] =	vst v21;
	v21 =	vsub.f32 v27, v46;
	v57 =	vmul.f32 v48, v37;
	v63 =	vmul.f32 v36, v56  }
0x1c8: {  	[tilespmem:s14+$0x60] =	vst v31;
	v22 =	vsub.f32 v22, v49;
	v56 =	vmul.f32 v32, v16;
	v32 =	vmul.f32 v51, v50  }
0x1c9: {  	[tilespmem:s14+$0xFFFFFF80] =	vst v33;
	v19 =	vsub.f32 v19, v49;
	v11 =	vsub.f32 v11, v49;
	v58 =	vmul.f32 v43, v44  }
0x1ca: {  	[tilespmem:s14+$0xFFFFFF90] =	vst v47;
	v16 =	vsub.f32 v38, v52;
	v38 =	vmul.f32 v57, v48;
	v59 =	vmul.f32 v32, v39  }
0x1cb: {  	s13 =	simm.s32 $0x10580;
	v14 =	vsub.f32 v14, v49;
	v33 =	vsub.f32 v34, v52;
	[tilespmem:s14+$0xFFFFFFA0] =	vst v54;
	v34 =	vmul.f32 v58, v43  }
0x1cc: {  	[tilespmem:s13+$0x70] =	vst v63;
	v62 =	vmul.f32 v30, v23;
	v60 =	vsub.f32 $1.500000000e+00, v38;
	v61 =	vmul.f32 v59, v32  }
0x1cd: {  	v18 =	vsub.f32 v35, v52;
	[tilespmem:s14+$0xFFFFFFB0] =	vst v56;
	v63 =	vmul.f32 v30, v25;
	v34 =	vsub.f32 $1.500000000e+00, v34  }
0x1ce: {  	v25 =	vmul.f32 v30, v26;
	[tilespmem:s14+$0xFFFFFFD0] =	vst v62;
	v23 =	vmul.f32 v60, v48;
	v27 =	vsub.f32 $1.500000000e+00, v61  }
0x1cf: {  	s15 =	simm.s32 $0x4;
	s16 =	simm.s32 $0x8680;
	v31 =	vsub.f32 v40, v52;
	v26 =	vmul.f32 v10, v24;
	[tilespmem:s14+$0xFFFFFFE0] =	vst v63;
	v24 =	vmul.f32 v34, v43  }
.LBB2_5:
0x1d0: {  	v30 =	vld [tilespmem:s16+$0x40];
	v34 =	vmul.f32 v23, v37;
	v27 =	vmul.f32 v27, v32;
	[tilespmem:s14+$0xFFFFFFF0] =	vst v25  }
0x1d1: {  	v35 =	vmul.f32 v10, v9;
	v9 =	vmov v33;
	v32 =	vld [tilespmem:s16+$0x50];
	v25 =	vmul.f32 v24, v44;
	[tilespmem:s14+$0x0] =	vst v26  }
0x1d2: {  	v26 =	vld [tilespmem:s16+$0x60];
	v33 =	vmul.f32 v34, v23;
	v34 =	vmul.f32 v27, v39;
	[tilespmem:s14+$0x10] =	vst v20  }
0x1d3: {  	v10 =	vmul.f32 v10, v8;
	v8 =	vmov v31;
	v37 =	vld [tilespmem:s16+$0x70];
	v20 =	vmul.f32 v25, v24;
	[tilespmem:s14+$0x20] =	vst v35  }
0x1d4: {  	s15 =	sadd.s32 $0x4, s15;
	v29 =	vmul.f32 v36, v29;
	v31 =	vld [tilespmem:s16+$0xFFFFFF90];
	v25 =	vsub.f32 $1.500000000e+00, v33;
	v33 =	vmul.f32 v34, v27  }
0x1d5: {  	v28 =	vmul.f32 v36, v28;
	p2 =	slt.u32 s15, $0x7C;
	v35 =	vmul.f32 v36, v21;
	v34 =	vld [tilespmem:s16+$0xFFFFFFA0];
	v20 =	vsub.f32 $1.500000000e+00, v20;
	[tilespmem:s14+$0x30] =	vst v10;
	s14 =	smov.u32 s13  }
0x1d6: {  	v38 =	vld [tilespmem:s16+$0xFFFFFFB0];
	v25 =	vmul.f32 v25, v23;
	v10 =	vsub.f32 $1.500000000e+00, v33;
	[tilespmem:s13+$0x40] =	vst v29  }
0x1d7: {  	v23 =	vadd.f32 v30, v4;
	v21 =	vadd.f32 v32, v5;
	v29 =	vld [tilespmem:s16+$0xFFFFFFC0];
	v20 =	vmul.f32 v20, v24;
	[tilespmem:s13+$0x50] =	vst v28  }
0x1d8: {  	v24 =	vadd.f32 v26, v6;
	v30 =	vld [tilespmem:s16+$0xFFFFFFD0];
	v26 =	vadd.f32 v37, v7;
	v10 =	vmul.f32 v10, v27;
	[tilespmem:s13+$0x60] =	vst v35  }
0x1d9: {  	v22 =	vmul.f32 v25, v22;
	v36 =	vadd.f32 v31, v5;
	v27 =	vld [tilespmem:s16+$0xFFFFFFE0];
	v31 =	vmul.f32 v23, v23  }
0x1da: {  	v33 =	vmul.f32 v21, v21;
	v35 =	vadd.f32 v21, v23;
	v32 =	vld [tilespmem:s16+$0xFFFFFFF0];
	v39 =	vadd.f32 v26, v24  }
0x1db: {  	v37 =	vadd.f32 v34, v6;
	v34 =	vmul.f32 v24, v24;
	v41 =	vmul.f32 v26, v26;
	v40 =	vld [tilespmem:s16+$0x0];
	[tilespmem:s13+$0xFFFFFF80] =	vst v22  }
0x1dc: {  	v28 =	vadd.f32 v38, v7;
	v38 =	vmul.f32 v36, v36;
	v22 =	vld [tilespmem:s16+$0x10];
	v39 =	vadd.f32 v39, v35  }
0x1dd: {  	v31 =	vadd.f32 v33, v31;
	v42 =	vmul.f32 v37, v37;
	v34 =	vadd.f32 v41, v34;
	v43 =	vld [tilespmem:s16+$0x20]  }
0x1de: {  	v35 =	vadd.f32 v29, v4;
	v41 =	vmul.f32 v28, v28;
	v29 =	vadd.f32 v30, v5;
	v44 =	vld [tilespmem:s16+$0x30]  }
0x1df: {  	v33 =	vadd.f32 v27, v6;
	v30 =	vperm.xlane v39, v0;
	v46 =	vadd.f32 v34, v31;
	v45 =	vld [tilespmem:s16+$0xFFFFFF80]  }
0x1e0: {  	v47 =	vmul.f32 v35, v35;
	v34 =	vadd.f32 v32, v7;
	v31 =	vadd.f32 v40, v4  }
0x1e1: {  	v39 =	vadd.f32 v39, v30;
	v27 =	vadd.f32 v22, v5;
	v22 =	vperm.xlane v46, v0  }
0x1e2: {  	v48 =	vmul.f32 v29, v29;
	v40 =	vadd.f32 v28, v37;
	v30 =	vadd.f32 v43, v6  }
0x1e3: {  	v43 =	vperm.xlane v39, v1;
	v32 =	vadd.f32 v44, v7;
	v44 =	vadd.f32 v22, v46  }
0x1e4: {  	v46 =	vmul.f32 v34, v34;
	v22 =	vadd.f32 v45, v4;
	v45 =	vmul.f32 v33, v33  }
0x1e5: {  	v49 =	vadd.f32 v29, v35;
	v39 =	vadd.f32 v39, v43;
	v43 =	vperm.xlane v44, v1  }
0x1e6: {  	v52 =	vadd.f32 v34, v33;
	v50 =	vmul.f32 v22, v22;
	v51 =	vadd.f32 v36, v22  }
0x1e7: {  	v53 =	vmul.f32 v31, v31;
	v54 =	vperm.xlane v39, v2;
	v43 =	vadd.f32 v43, v44  }
0x1e8: {  	v56 =	vadd.f32 v27, v31;
	v55 =	vmul.f32 v30, v30;
	v44 =	vmul.f32 v27, v27  }
0x1e9: {  	v57 =	vmul.f32 v32, v32;
	v39 =	vadd.f32 v39, v54;
	v54 =	vperm.xlane v43, v2  }
0x1ea: {  	v19 =	vmul.f32 v25, v19;
	v40 =	vadd.f32 v40, v51;
	v51 =	vadd.f32 v32, v30  }
0x1eb: {  	v50 =	vadd.f32 v38, v50;
	v38 =	vperm.xlane v39, v3;
	v43 =	vadd.f32 v54, v43  }
0x1ec: {  	v41 =	vadd.f32 v41, v42;
	v42 =	vadd.f32 v52, v49;
	v54 =	vperm.xlane v40, v0;
	[tilespmem:s13+$0xFFFFFF90] =	vst v19  }
0x1ed: {  	v19 =	vadd.f32 v48, v47;
	v38 =	vadd.f32 v39, v38;
	v39 =	vperm.xlane v43, v3  }
0x1ee: {  	v45 =	vadd.f32 v46, v45;
	v46 =	vadd.f32 v51, v56;
	v47 =	vperm.xlane v42, v0  }
0x1ef: {  	v44 =	vadd.f32 v44, v53;
	v38 =	vmul.f32 $1.562500000e-02, v38;
	v39 =	vadd.f32 v39, v43  }
0x1f0: {  	v41 =	vadd.f32 v41, v50;
	v48 =	vadd.f32 v57, v55;
	v43 =	vperm.xlane v46, v0  }
0x1f1: {  	v19 =	vadd.f32 v45, v19;
	v45 =	vmul.f32 v38, v38;
	v39 =	vmul.f32 $1.562500000e-02, v39  }
0x1f2: {  	v49 =	vperm.xlane v41, v0;
	v40 =	vadd.f32 v40, v54;
	v44 =	vadd.f32 v48, v44  }
0x1f3: {  	v42 =	vadd.f32 v42, v47;
	v47 =	vperm.xlane v19, v0;
	v39 =	vsub.f32 v39, v45  }
0x1f4: {  	v43 =	vadd.f32 v46, v43;
	v46 =	vperm.xlane v44, v0;
	v45 =	vperm.xlane v40, v1  }
0x1f5: {  	v41 =	vadd.f32 v49, v41;
	v48 =	vperm.xlane v42, v1;
	v39 =	vadd.f32 $9.999999740e-06, v39  }
0x1f6: {  	v19 =	vadd.f32 v47, v19;
	v47 =	vperm.xlane v43, v1;
	v44 =	vadd.f32 v46, v44  }
0x1f7: {  	v40 =	vadd.f32 v40, v45;
	v45 =	vshrl.u32 v39, $0x1;
	v39 =	vmul.f32 $5.000000000e-01, v39  }
0x1f8: {  	v42 =	vadd.f32 v42, v48;
	v46 =	vperm.xlane v41, v1;
	v45 =	vsub.s32 $0x5F3759DF, v45  }
0x1f9: {  	v48 =	vperm.xlane v19, v1;
	v43 =	vadd.f32 v43, v47;
	v47 =	vmul.f32 v45, v39  }
0x1fa: {  	v41 =	vadd.f32 v46, v41;
	v46 =	vperm.xlane v44, v1;
	v49 =	vperm.xlane v40, v2  }
0x1fb: {  	v50 =	vperm.xlane v42, v2;
	v19 =	vadd.f32 v48, v19;
	v47 =	vmul.f32 v45, v47  }
0x1fc: {  	v48 =	vperm.xlane v43, v2;
	v44 =	vadd.f32 v46, v44;
	v40 =	vadd.f32 v40, v49  }
0x1fd: {  	v42 =	vadd.f32 v42, v50;
	v46 =	vperm.xlane v41, v2;
	v47 =	vsub.f32 $1.500000000e+00, v47  }
0x1fe: {  	v49 =	vperm.xlane v19, v2;
	v43 =	vadd.f32 v43, v48;
	v48 =	vperm.xlane v44, v2  }
0x1ff: {  	v41 =	vadd.f32 v46, v41;
	v50 =	vperm.xlane v40, v3;
	v45 =	vmul.f32 v45, v47  }
0x200: {  	v46 =	vperm.xlane v42, v3;
	v19 =	vadd.f32 v49, v19;
	v47 =	vperm.xlane v43, v3  }
0x201: {  	v44 =	vadd.f32 v48, v44;
	v40 =	vadd.f32 v40, v50;
	v48 =	vmul.f32 v45, v39  }
0x202: {  	v49 =	vperm.xlane v41, v3;
	v42 =	vadd.f32 v42, v46;
	v46 =	vperm.xlane v19, v3  }
0x203: {  	v43 =	vadd.f32 v43, v47;
	v47 =	vperm.xlane v44, v3;
	v48 =	vmul.f32 v48, v45  }
0x204: {  	v41 =	vadd.f32 v49, v41;
	v42 =	vmul.f32 $1.562500000e-02, v42;
	v40 =	vmul.f32 $1.562500000e-02, v40  }
0x205: {  	v19 =	vadd.f32 v46, v19;
	v43 =	vmul.f32 $1.562500000e-02, v43;
	v46 =	vsub.f32 $1.500000000e+00, v48  }
0x206: {  	v41 =	vmul.f32 $1.562500000e-02, v41;
	v44 =	vadd.f32 v47, v44;
	v48 =	vmul.f32 v40, v40  }
0x207: {  	v22 =	vsub.f32 v22, v40;
	v47 =	vmul.f32 $1.562500000e-02, v19;
	v45 =	vmul.f32 v46, v45  }
0x208: {  	v44 =	vmul.f32 $1.562500000e-02, v44;
	v41 =	vsub.f32 v41, v48;
	v46 =	vmul.f32 v42, v42  }
0x209: {  	v19 =	vsub.f32 v36, v40;
	v36 =	vmul.f32 v43, v43;
	v39 =	vmul.f32 v45, v39  }
0x20a: {  	v41 =	vadd.f32 $9.999999740e-06, v41;
	v46 =	vsub.f32 v47, v46;
	v47 =	vmul.f32 v25, v11  }
0x20b: {  	v36 =	vsub.f32 v44, v36;
	v11 =	vsub.f32 v37, v40;
	v39 =	vmul.f32 v39, v45  }
0x20c: {  	v44 =	vshrl.u32 v41, $0x1;
	v37 =	vmul.f32 $5.000000000e-01, v41;
	v41 =	vadd.f32 $9.999999740e-06, v46;
	[tilespmem:s13+$0xFFFFFFA0] =	vst v47  }
0x20d: {  	v46 =	vsub.s32 $0x5F3759DF, v44;
	v47 =	vadd.f32 $9.999999740e-06, v36;
	v36 =	vsub.f32 $1.500000000e+00, v39  }
0x20e: {  	v48 =	vmul.f32 v46, v37;
	v39 =	vshrl.u32 v41, $0x1;
	v44 =	vmul.f32 $5.000000000e-01, v41  }
0x20f: {  	v26 =	vsub.f32 v26, v38;
	v41 =	vshrl.u32 v47, $0x1;
	v36 =	vmul.f32 v36, v45  }
0x210: {  	v45 =	vsub.s32 $0x5F3759DF, v39;
	v41 =	vsub.s32 $0x5F3759DF, v41;
	v39 =	vmul.f32 $5.000000000e-01, v47  }
0x211: {  	v28 =	vsub.f32 v28, v40;
	v40 =	vmul.f32 v45, v44;
	v26 =	vmul.f32 v36, v26  }
0x212: {  	v35 =	vsub.f32 v35, v42;
	s13 =	sadd.s32 $0x100, s13;
	v47 =	vmul.f32 v46, v48;
	v48 =	vmul.f32 v41, v39  }
0x213: {  	v49 =	vsub.f32 v29, v42;
	v50 =	vsub.f32 v33, v42;
	v40 =	vmul.f32 v45, v40;
	[tilespmem:s13+$0x70] =	vst v26  }
0x214: {  	v34 =	vsub.f32 v34, v42;
	v26 =	vsub.f32 $1.500000000e+00, v47;
	v29 =	vmul.f32 v41, v48  }
0x215: {  	v25 =	vmul.f32 v25, v14;
	v14 =	vmovc v28;
	v33 =	vsub.f32 $1.500000000e+00, v40;
	v40 =	vsub.f32 v31, v43  }
0x216: {  	v42 =	vsub.f32 v27, v43;
	v26 =	vmul.f32 v46, v26;
	v28 =	vsub.f32 $1.500000000e+00, v29  }
0x217: {  	v31 =	vsub.f32 v32, v43;
	v45 =	vmul.f32 v45, v33;
	v33 =	vsub.f32 v30, v43;
	[tilespmem:s14+$0xFFFFFFB0] =	vst v25  }
0x218: {  	v29 =	vsub.f32 v23, v38;
	v25 =	vmul.f32 v26, v37;
	v32 =	vmul.f32 v41, v28  }
0x219: {  	v28 =	vsub.f32 v21, v38;
	v21 =	vsub.f32 v24, v38;
	v23 =	vmul.f32 v45, v44  }
0x21a: {  	v24 =	vmul.f32 v25, v26;
	v25 =	vmul.f32 v32, v39  }
.Ltmp1:
0x21b: {  	v27 =	vmul.f32 v20, v12;
	v12 =	vmov v35;
	v23 =	vmul.f32 v23, v45;
	(pc) =	sbr.rel @p2 .LBB2_5-.Ltmp1, $4  }
0x21c: {  	v35 =	vmul.f32 v20, v13;
	v13 =	vmovc v49;
	v24 =	vsub.f32 $1.500000000e+00, v24;
	v30 =	vmul.f32 v25, v32  }
0x21d: {  	v41 =	vmul.f32 v20, v15;
	v15 =	vmovc v50;
	v25 =	vmul.f32 v20, v17;
	v38 =	vsub.f32 $1.500000000e+00, v23;
	[tilespmem:s14+$0xFFFFFFC0] =	vst v27  }
0x21e: {  	v17 =	vmovc v34;
	v23 =	vmul.f32 v24, v26;
	v27 =	vsub.f32 $1.500000000e+00, v30;
	v26 =	vmul.f32 v10, v18;
	[tilespmem:s14+$0xFFFFFFD0] =	vst v35  }
0x21f: {  	s16 =	sadd.s32 $0x100, s16;
	v20 =	vmul.f32 v10, v16;
	v16 =	vmovc v42;
	v18 =	vmov v40;
	v24 =	vmul.f32 v38, v45;
	[tilespmem:s14+$0xFFFFFFE0] =	vst v41  }
0x220: {  	v4 =	vmul.f32 v23, v37  }
0x221: {  	v7 =	vmul.f32 v27, v32;
	v8 =	vmul.f32 v10, v8  }
0x222: {  	[tilespmem:s14+$0xFFFFFFF0] =	vst v25;
	v5 =	vmul.f32 v24, v44;
	v4 =	vmul.f32 v4, v23  }
0x223: {  	v6 =	vmul.f32 v10, v9;
	[tilespmem:s14+$0x0] =	vst v26  }
0x224: {  	[tilespmem:s14+$0x30] =	vst v8;
	v8 =	vmul.f32 v7, v39;
	v5 =	vmul.f32 v5, v24;
	v4 =	vsub.f32 $1.500000000e+00, v4  }
0x225: {  	v9 =	vmul.f32 v36, v28;
	[tilespmem:s14+$0x20] =	vst v6;
	v6 =	vmul.f32 v36, v29  }
0x226: {  	[tilespmem:s14+$0x10] =	vst v20;
	v8 =	vmul.f32 v8, v7;
	v5 =	vsub.f32 $1.500000000e+00, v5;
	v4 =	vmul.f32 v4, v23  }
0x227: {  	v10 =	vmul.f32 v36, v21;
	[tilespmem:s13+$0x50] =	vst v9  }
0x228: {  	[tilespmem:s13+$0x40] =	vst v6;
	v8 =	vsub.f32 $1.500000000e+00, v8;
	v5 =	vmul.f32 v5, v24;
	v6 =	vmul.f32 v4, v22  }
0x229: {  	[tilespmem:s13+$0x60] =	vst v10;
	v9 =	vmul.f32 v4, v19  }
0x22a: {  	v7 =	vmul.f32 v8, v7;
	v8 =	vmul.f32 v5, v15;
	[tilespmem:s13+$0xFFFFFF80] =	vst v6  }
0x22b: {  	v6 =	vmul.f32 v4, v11;
	[tilespmem:s13+$0xFFFFFF90] =	vst v9  }
0x22c: {  	v4 =	vmul.f32 v4, v14;
	[tilespmem:s13+$0xFFFFFFE0] =	vst v8  }
0x22d: {  	[tilespmem:s13+$0xFFFFFFA0] =	vst v6;
	v6 =	vmul.f32 v5, v12  }
0x22e: {  	[tilespmem:s13+$0xFFFFFFB0] =	vst v4;
	v4 =	vmul.f32 v5, v13  }
0x22f: {  	v5 =	vmul.f32 v5, v17;
	[tilespmem:s13+$0xFFFFFFC0] =	vst v6  }
0x230: {  	[tilespmem:s13+$0xFFFFFFD0] =	vst v4;
	v4 =	vmul.f32 v7, v18  }
0x231: {  	v6 =	vmul.f32 v7, v16;
	[tilespmem:s13+$0xFFFFFFF0] =	vst v5  }
0x232: {  	v5 =	vmul.f32 v7, v33;
	[tilespmem:s13+$0x0] =	vst v4  }
0x233: {  	[tilespmem:s13+$0x10] =	vst v6;
	v4 =	vmul.f32 v7, v31  }
0x234: {  	s15 =	simm.s32 @!p1 $0x8400;
	s12 =	sshll.u32 s12, $0x3;
	[tilespmem:s13+$0x20] =	vst v5  }
0x235: {  	s12 =	sand.u32 $0x1FFFF400, s12;
	s14 =	simm.s32 @!p1 $0x80;
	[tilespmem:s13+$0x30] =	vst v4;
	s13 =	sadd.s32 @!p1 $0x280, s8  }
0x236: {  	[tilespmem:s15], [sflag:$0x2] =	stream.indirect.gather @!p1 [hbm4b:s5+s14], $0x40, s13, s14, $0xb8;
	[tilespmem:$0x19600] =	vst v63  }
0x237: {  	s12 =	sadd.s32 s2, s12  }
0x238: {  	[hbm4b:s12+s3] =	stream.linear.scatter [tilespmem:s21], [sflag:$0x6], $0x2000, $0x38;
	[tilespmem:$0x19600] =	vst v63  }
0x239: {  	_ =	swait.ge [sflag:s22], $0x2000  }
0x23a: {  	[sflag:s22] =	ssyncset.done $0x0  }
0x23b: {  	s15 =	sor.u32 $0x100, s0;
	s13 =	simm.s32 @!p0 $0x7;
	[sflag:s22] =	ssyncadd.s32 $0xFFFFE000  }
0x23c: {  	s12 =	sadd.s32 s4, s15;
	_ =	swait.ge @!p0 [sflag:s13], $0x2000  }
0x23d: {  	s16 =	sshrl.u32 s12, $0x6;
	[sflag:s13] =	ssyncset.done @!p0 $0x0  }
0x23e: {  	s14 =	sand.u32 $0x1FFFFC0, s16;
	[sflag:s13] =	ssyncadd.s32 @!p0 $0xFFFFE000  }
0x23f: {  	v4 =	vld [tilespmem:s14+$0x16400]  }
0x240: {  	v5 =	vld [tilespmem:s14+$0x16410]  }
0x241: {  	v6 =	vld [tilespmem:s14+$0x16420]  }
0x242: {  	s15 =	simm.s32 $0xA480;
	v7 =	vld [tilespmem:s14+$0x16430]  }
0x243: {  	v8 =	vld [tilespmem:s15+$0x40]  }
0x244: {  	v9 =	vld [tilespmem:s15+$0x50]  }
0x245: {  	v11 =	vld [tilespmem:s15+$0x60]  }
0x246: {  	v13 =	vld [tilespmem:s15+$0x70]  }
0x247: {  	v14 =	vld [tilespmem:s15+$0xFFFFFF90]  }
0x248: {  	v15 =	vld [tilespmem:s15+$0xFFFFFFA0];
	_ =	sdelay $0x1  }
0x249: {  	v16 =	vld [tilespmem:s15+$0xFFFFFFB0]  }
0x24a: {  	v17 =	vld [tilespmem:s15+$0xFFFFFFC0];
	v12 =	vadd.f32 v8, v4;
	v10 =	vadd.f32 v9, v5  }
0x24b: {  	v18 =	vld [tilespmem:s15+$0xFFFFFFD0];
	v11 =	vadd.f32 v11, v6;
	v8 =	vadd.f32 v13, v7  }
0x24c: {  	v25 =	vld [tilespmem:s15+$0x0];
	v9 =	vadd.f32 v14, v5;
	v13 =	vadd.f32 v15, v6;
	v20 =	vmul.f32 v12, v12  }
0x24d: {  	v19 =	vld [tilespmem:s15+$0xFFFFFFE0];
	v21 =	vmul.f32 v10, v10;
	v23 =	vadd.f32 v10, v12;
	v24 =	vadd.f32 v8, v11  }
0x24e: {  	v22 =	vld [tilespmem:s15+$0xFFFFFFF0];
	v14 =	vadd.f32 v16, v7;
	v15 =	vmul.f32 v11, v11;
	v26 =	vmul.f32 v8, v8  }
0x24f: {  	v16 =	vld [tilespmem:s15+$0x10];
	v23 =	vadd.f32 v24, v23;
	v24 =	vadd.f32 v21, v20  }
0x250: {  	v31 =	vld [tilespmem:s15+$0xFFFFFF80];
	v27 =	vmul.f32 v9, v9;
	v15 =	vadd.f32 v26, v15;
	v21 =	vadd.f32 v17, v4  }
0x251: {  	v29 =	vmul.f32 v14, v14;
	v20 =	vadd.f32 v18, v5;
	v18 =	vadd.f32 v25, v4  }
0x252: {  	v28 =	vld [tilespmem:s15+$0x20];
	v26 =	vmul.f32 v13, v13;
	v25 =	vadd.f32 v14, v13;
	v49 =	vadd.f32 v15, v24  }
0x253: {  	v17 =	vperm.xlane v23, v0;
	v24 =	vadd.f32 v19, v6;
	v15 =	vadd.f32 v22, v7  }
0x254: {  	v50 =	vmul.f32 v21, v21;
	v19 =	vadd.f32 v16, v5;
	v34 =	vmul.f32 v20, v20  }
0x255: {  	v30 =	vld [tilespmem:s15+$0x30];
	v16 =	vadd.f32 v31, v4;
	v35 =	vadd.f32 v20, v21;
	v38 =	vmul.f32 v18, v18  }
0x256: {  	v26 =	vadd.f32 v29, v26;
	v23 =	vadd.f32 v23, v17;
	v22 =	vperm.xlane v49, v0  }
0x257: {  	v17 =	vadd.f32 v28, v6;
	v31 =	vmul.f32 v15, v15;
	v52 =	vadd.f32 v9, v16  }
0x258: {  	v51 =	vmul.f32 v16, v16;
	v54 =	vadd.f32 v15, v24;
	v42 =	vadd.f32 v19, v18  }
0x259: {  	v40 =	vmul.f32 v19, v19;
	v58 =	vadd.f32 v34, v50;
	v32 =	vadd.f32 v22, v49  }
0x25a: {  	v28 =	vperm.xlane v23, v1;
	v22 =	vadd.f32 v30, v7;
	v25 =	vadd.f32 v25, v52  }
0x25b: {  	v30 =	vmul.f32 v24, v24;
	v36 =	vadd.f32 v27, v51;
	v29 =	vadd.f32 v54, v35  }
0x25c: {  	v41 =	vmul.f32 v17, v17;
	v61 =	vadd.f32 v40, v38;
	v23 =	vadd.f32 v23, v28  }
0x25d: {  	v28 =	vperm.xlane v32, v1;
	v43 =	vmul.f32 v22, v22;
	v56 =	vadd.f32 v22, v17  }
0x25e: {  	v57 =	vperm.xlane v25, v0;
	v30 =	vadd.f32 v31, v30;
	v26 =	vadd.f32 v26, v36  }
0x25f: {  	v60 =	vperm.xlane v29, v0;
	v28 =	vadd.f32 v28, v32;
	v31 =	vadd.f32 v56, v42  }
0x260: {  	v53 =	vperm.xlane v23, v2;
	v62 =	vadd.f32 v43, v41;
	v30 =	vadd.f32 v30, v58  }
0x261: {  	v25 =	vadd.f32 v25, v57;
	v36 =	vperm.xlane v26, v0;
	v29 =	vadd.f32 v29, v60  }
0x262: {  	v23 =	vadd.f32 v23, v53;
	v55 =	vperm.xlane v28, v2;
	v33 =	vadd.f32 v62, v61  }
0x263: {  	v37 =	vperm.xlane v30, v0;
	v38 =	vperm.xlane v25, v1;
	v26 =	vadd.f32 v36, v26  }
0x264: {  	v39 =	vperm.xlane v29, v1;
	v27 =	vperm.xlane v23, v3;
	v28 =	vadd.f32 v55, v28  }
0x265: {  	v30 =	vadd.f32 v37, v30;
	v25 =	vadd.f32 v25, v38;
	v42 =	vperm.xlane v26, v1  }
0x266: {  	v29 =	vadd.f32 v29, v39;
	v23 =	vadd.f32 v23, v27;
	v59 =	vperm.xlane v28, v3  }
0x267: {  	v43 =	vperm.xlane v30, v1;
	v45 =	vperm.xlane v25, v2;
	v26 =	vadd.f32 v42, v26  }
0x268: {  	v27 =	vmul.f32 $1.562500000e-02, v23;
	v23 =	vadd.f32 v59, v28;
	v28 =	vperm.xlane v31, v0  }
0x269: {  	v47 =	vperm.xlane v29, v2;
	v30 =	vadd.f32 v43, v30;
	v25 =	vadd.f32 v25, v45  }
0x26a: {  	v48 =	vperm.xlane v26, v2;
	v28 =	vadd.f32 v31, v28;
	v31 =	vperm.xlane v33, v0  }
0x26b: {  	v29 =	vadd.f32 v29, v47;
	v23 =	vmul.f32 $1.562500000e-02, v23;
	v63 =	vmul.f32 v27, v27  }
0x26c: {  	v50 =	vperm.xlane v30, v2;
	v40 =	vperm.xlane v28, v1;
	v31 =	vadd.f32 v31, v33  }
0x26d: {  	v51 =	vperm.xlane v25, v3;
	v26 =	vadd.f32 v48, v26;
	v53 =	vperm.xlane v29, v3  }
0x26e: {  	v23 =	vsub.f32 v23, v63;
	v28 =	vadd.f32 v28, v40;
	v46 =	vperm.xlane v31, v1  }
0x26f: {  	v30 =	vadd.f32 v50, v30;
	v25 =	vadd.f32 v25, v51;
	v54 =	vperm.xlane v26, v3  }
0x270: {  	v29 =	vadd.f32 v29, v53;
	v31 =	vadd.f32 v46, v31;
	v49 =	vperm.xlane v28, v2  }
0x271: {  	v23 =	vadd.f32 $9.999999740e-06, v23;
	v56 =	vperm.xlane v30, v3;
	v25 =	vmul.f32 $1.562500000e-02, v25  }
0x272: {  	v26 =	vadd.f32 v54, v26;
	v28 =	vadd.f32 v28, v49;
	v52 =	vperm.xlane v31, v2  }
0x273: {  	v29 =	vmul.f32 $1.562500000e-02, v29;
	v41 =	vshrl.u32 v23, $0x1;
	v23 =	vmul.f32 $5.000000000e-01, v23  }
0x274: {  	v30 =	vadd.f32 v56, v30;
	v55 =	vperm.xlane v28, v3;
	v31 =	vadd.f32 v52, v31  }
0x275: {  	v26 =	vmul.f32 $1.562500000e-02, v26;
	v58 =	vmul.f32 v25, v25;
	v32 =	vsub.s32 $0x5F3759DF, v41  }
0x276: {  	v44 =	vmul.f32 v32, v23;
	v28 =	vadd.f32 v28, v55;
	v57 =	vperm.xlane v31, v3  }
0x277: {  	v59 =	vmul.f32 v29, v29;
	v30 =	vmul.f32 $1.562500000e-02, v30;
	v26 =	vsub.f32 v26, v58  }
0x278: {  	v34 =	vmul.f32 v32, v44;
	v28 =	vmul.f32 $1.562500000e-02, v28;
	v31 =	vadd.f32 v57, v31  }
0x279: {  	v26 =	vadd.f32 $9.999999740e-06, v26;
	v30 =	vsub.f32 v30, v59  }
0x27a: {  	v34 =	vsub.f32 $1.500000000e+00, v34;
	v31 =	vmul.f32 $1.562500000e-02, v31;
	v60 =	vmul.f32 v28, v28  }
0x27b: {  	v62 =	vshrl.u32 v26, $0x1;
	v63 =	vmul.f32 $5.000000000e-01, v26;
	v26 =	vadd.f32 $9.999999740e-06, v30  }
0x27c: {  	v32 =	vmul.f32 v32, v34;
	v31 =	vsub.f32 v31, v60  }
0x27d: {  	v42 =	vsub.s32 $0x5F3759DF, v62;
	v43 =	vshrl.u32 v26, $0x1;
	v44 =	vmul.f32 $5.000000000e-01, v26  }
0x27e: {  	v36 =	vsub.s32 $0x5F3759DF, v43;
	v61 =	vmul.f32 v32, v23;
	v31 =	vadd.f32 $9.999999740e-06, v31  }
0x27f: {  	v34 =	vmul.f32 v42, v63;
	v45 =	vmul.f32 v36, v44  }
0x280: {  	v30 =	vmul.f32 v61, v32;
	v26 =	vshrl.u32 v31, $0x1;
	v31 =	vmul.f32 $5.000000000e-01, v31  }
0x281: {  	v12 =	vsub.f32 v12, v27;
	v34 =	vmul.f32 v42, v34;
	v26 =	vsub.s32 $0x5F3759DF, v26  }
0x282: {  	v47 =	vmul.f32 v36, v45;
	v30 =	vsub.f32 $1.500000000e+00, v30;
	v46 =	vmul.f32 v26, v31  }
0x283: {  	s16 =	simm.s32 $0xA580;
	v10 =	vsub.f32 v10, v27;
	v34 =	vsub.f32 $1.500000000e+00, v34  }
0x284: {  	v54 =	vld [tilespmem:s16+$0x60];
	v30 =	vmul.f32 v30, v32;
	v32 =	vsub.f32 $1.500000000e+00, v47;
	v48 =	vmul.f32 v26, v46  }
0x285: {  	v11 =	vsub.f32 v11, v27;
	v50 =	vsub.f32 v16, v25;
	v33 =	vmul.f32 v42, v34  }
0x286: {  	v39 =	vsub.f32 v9, v25;
	v32 =	vmul.f32 v36, v32;
	v49 =	vsub.f32 $1.500000000e+00, v48  }
0x287: {  	v13 =	vsub.f32 v13, v25;
	v16 =	vmul.f32 v33, v63;
	v23 =	vmul.f32 v30, v23  }
0x288: {  	v52 =	vsub.f32 v8, v27;
	v9 =	vmul.f32 v32, v44;
	v34 =	vmul.f32 v26, v49  }
0x289: {  	v27 =	vadd.f32 v54, v6;
	v23 =	vmul.f32 v23, v30;
	v26 =	vmul.f32 v16, v33  }
0x28a: {  	v21 =	vsub.f32 v21, v29;
	v8 =	vmul.f32 v9, v32;
	v51 =	vmul.f32 v34, v31  }
0x28b: {  	v45 =	vmul.f32 v27, v27;
	v23 =	vsub.f32 $1.500000000e+00, v23;
	v9 =	vsub.f32 $1.500000000e+00, v26  }
0x28c: {  	v46 =	vld [tilespmem:s16+$0xFFFFFFE0];
	v16 =	vsub.f32 v14, v25;
	v8 =	vsub.f32 $1.500000000e+00, v8;
	v14 =	vmul.f32 v51, v34  }
0x28d: {  	v25 =	vsub.f32 v24, v29;
	v24 =	vsub.f32 v18, v28;
	v18 =	vld [tilespmem:s16+$0x50];
	v33 =	vmul.f32 v9, v33  }
0x28e: {  	v53 =	vmul.f32 v8, v32;
	v8 =	vsub.f32 v22, v28;
	v22 =	vld [tilespmem:s16+$0x70];
	v9 =	vsub.f32 $1.500000000e+00, v14  }
0x28f: {  	v30 =	vmul.f32 v23, v30;
	v26 =	vsub.f32 v15, v29;
	v14 =	vld [tilespmem:s16+$0x40];
	v15 =	vmul.f32 v33, v63  }
0x290: {  	v23 =	vsub.f32 v20, v29;
	v20 =	vsub.f32 v19, v28;
	v63 =	vld [tilespmem:s16+$0xFFFFFFF0];
	v19 =	vmul.f32 v9, v34  }
0x291: {  	v9 =	vsub.f32 v17, v28;
	v17 =	vmul.f32 v53, v44;
	v28 =	vmul.f32 v15, v33  }
0x292: {  	v43 =	vadd.f32 v46, v6;
	v15 =	vmul.f32 v30, v52;
	v29 =	vmul.f32 v19, v31  }
0x293: {  	v58 =	vld [tilespmem:s16+$0xFFFFFFA0];
	v31 =	vmul.f32 v17, v53;
	v56 =	vsub.f32 $1.500000000e+00, v28;
	v17 =	vmul.f32 v30, v12  }
0x294: {  	v28 =	vadd.f32 v18, v5;
	v18 =	vmul.f32 v30, v10;
	v12 =	vadd.f32 v22, v7;
	v22 =	vld [tilespmem:s16+$0xFFFFFFC0]  }
0x295: {  	v55 =	vld [tilespmem:s16+$0xFFFFFF90];
	v41 =	vadd.f32 v63, v7;
	v57 =	vmul.f32 v29, v19;
	v29 =	vadd.f32 v14, v4  }
0x296: {  	v14 =	vld [tilespmem:s16+$0xFFFFFFB0];
	v10 =	vsub.f32 $1.500000000e+00, v31;
	v31 =	vmul.f32 v30, v11;
	v60 =	vmul.f32 v28, v28  }
0x297: {  	v62 =	vadd.f32 v12, v27;
	v47 =	vmul.f32 v12, v12;
	v32 =	vmul.f32 v56, v33;
	v56 =	vld [tilespmem:s16+$0x20]  }
0x298: {  	v59 =	vld [tilespmem:s16+$0xFFFFFFD0];
	v11 =	vmul.f32 v29, v29;
	v61 =	vadd.f32 v28, v29;
	v37 =	vsub.f32 $1.500000000e+00, v57  }
0x299: {  	v30 =	vmul.f32 v10, v53;
	v53 =	vld [tilespmem:s16+$0x0];
	v54 =	vadd.f32 v47, v45;
	v45 =	vadd.f32 v22, v4  }
0x29a: {  	v33 =	vmul.f32 v32, v50;
	v52 =	vadd.f32 v62, v61;
	v42 =	vadd.f32 v60, v11  }
0x29b: {  	v10 =	vmul.f32 v37, v19;
	v19 =	vadd.f32 v55, v5;
	v11 =	vadd.f32 v58, v6  }
0x29c: {  	v55 =	vld [tilespmem:s16+$0x10];
	v14 =	vadd.f32 v14, v7;
	v46 =	vmul.f32 v45, v45;
	v34 =	vadd.f32 v56, v6  }
0x29d: {  	v57 =	vperm.xlane v52, v0;
	v58 =	vadd.f32 v54, v42;
	v48 =	vmul.f32 v11, v11  }
0x29e: {  	v49 =	vld [tilespmem:s16+$0xFFFFFF80];
	v42 =	vadd.f32 v59, v5;
	v50 =	vmul.f32 v14, v14;
	v35 =	vadd.f32 v53, v4  }
0x29f: {  	v22 =	vld [tilespmem:s16+$0x30];
	v51 =	vadd.f32 v14, v11;
	v40 =	vadd.f32 v52, v57;
	v59 =	vperm.xlane v58, v0  }
0x2a0: {  	v52 =	vmul.f32 v42, v42;
	v54 =	vadd.f32 v42, v45;
	v57 =	vadd.f32 v41, v43  }
0x2a1: {  	v38 =	vadd.f32 v55, v5;
	v60 =	vperm.xlane v40, v1;
	v44 =	vadd.f32 v59, v58  }
0x2a2: {  	v47 =	vmul.f32 v19, v19;
	v48 =	vadd.f32 v50, v48;
	v50 =	vadd.f32 v57, v54  }
0x2a3: {  	v52 =	vadd.f32 v52, v46;
	v61 =	vadd.f32 v40, v60;
	v62 =	vperm.xlane v44, v1  }
0x2a4: {  	v58 =	vmul.f32 v38, v38;
	v40 =	vadd.f32 v22, v7;
	v22 =	vadd.f32 v49, v4  }
0x2a5: {  	v49 =	vmul.f32 v43, v43;
	v53 =	vperm.xlane v61, v2;
	v37 =	vadd.f32 v62, v44  }
0x2a6: {  	v44 =	vmul.f32 v41, v41;
	v55 =	vadd.f32 v19, v22;
	v56 =	vmul.f32 v22, v22  }
0x2a7: {  	v57 =	vmul.f32 v40, v40;
	v62 =	vadd.f32 v40, v34;
	v36 =	vadd.f32 v61, v53  }
0x2a8: {  	v63 =	vperm.xlane v37, v2;
	v51 =	vadd.f32 v51, v55;
	v55 =	vmul.f32 v35, v35  }
0x2a9: {  	v56 =	vadd.f32 v47, v56;
	v61 =	vadd.f32 v38, v35;
	v47 =	vmul.f32 v32, v39  }
0x2aa: {  	v39 =	vadd.f32 v44, v49;
	v37 =	vadd.f32 v63, v37;
	v60 =	vperm.xlane v36, v3  }
0x2ab: {  	v53 =	vmul.f32 v34, v34;
	v49 =	vadd.f32 v62, v61;
	v55 =	vadd.f32 v58, v55  }
0x2ac: {  	v61 =	vperm.xlane v50, v0;
	v39 =	vadd.f32 v39, v52;
	v36 =	vadd.f32 v36, v60  }
0x2ad: {  	v57 =	vadd.f32 v57, v53;
	v63 =	vperm.xlane v37, v3;
	v60 =	vperm.xlane v51, v0  }
0x2ae: {  	v50 =	vadd.f32 v50, v61;
	v61 =	vperm.xlane v39, v0;
	v46 =	vmul.f32 $1.562500000e-02, v36  }
0x2af: {  	v62 =	vadd.f32 v63, v37;
	v37 =	vadd.f32 v48, v56;
	v63 =	vperm.xlane v49, v0  }
0x2b0: {  	v51 =	vadd.f32 v51, v60;
	v48 =	vadd.f32 v57, v55;
	v57 =	vperm.xlane v50, v1  }
0x2b1: {  	v36 =	vmul.f32 $1.562500000e-02, v62;
	v59 =	vmul.f32 v46, v46  }
0x2b2: {  	v39 =	vadd.f32 v61, v39;
	v60 =	vperm.xlane v37, v0;
	v62 =	vperm.xlane v51, v1  }
0x2b3: {  	v44 =	vadd.f32 v49, v63;
	v63 =	vperm.xlane v48, v0;
	v36 =	vsub.f32 v36, v59  }
0x2b4: {  	v50 =	vadd.f32 v50, v57;
	v53 =	vperm.xlane v39, v1;
	v37 =	vadd.f32 v60, v37  }
0x2b5: {  	v48 =	vadd.f32 v63, v48;
	v36 =	vadd.f32 $9.999999740e-06, v36  }
0x2b6: {  	v58 =	vperm.xlane v44, v1;
	v49 =	vadd.f32 v51, v62;
	v39 =	vadd.f32 v53, v39  }
0x2b7: {  	v60 =	vperm.xlane v37, v1;
	v59 =	vshrl.u32 v36, $0x1;
	v36 =	vmul.f32 $5.000000000e-01, v36  }
0x2b8: {  	v44 =	vadd.f32 v44, v58;
	v62 =	vperm.xlane v49, v2;
	v51 =	vsub.s32 $0x5F3759DF, v59  }
0x2b9: {  	v63 =	vperm.xlane v48, v1;
	v37 =	vadd.f32 v60, v37;
	v61 =	vmul.f32 v51, v36  }
0x2ba: {  	v60 =	vperm.xlane v50, v2;
	v49 =	vadd.f32 v49, v62;
	v62 =	vperm.xlane v44, v2  }
0x2bb: {  	v48 =	vadd.f32 v63, v48;
	v63 =	vperm.xlane v37, v2;
	v61 =	vmul.f32 v51, v61  }
0x2bc: {  	v50 =	vadd.f32 v50, v60;
	v60 =	vperm.xlane v39, v2;
	v44 =	vadd.f32 v44, v62  }
0x2bd: {  	v62 =	vperm.xlane v49, v3;
	v37 =	vadd.f32 v63, v37;
	v53 =	vsub.f32 $1.500000000e+00, v61  }
0x2be: {  	v63 =	vperm.xlane v50, v3;
	v39 =	vadd.f32 v60, v39;
	v57 =	vperm.xlane v44, v3  }
0x2bf: {  	v49 =	vadd.f32 v49, v62;
	v61 =	vperm.xlane v48, v2;
	v51 =	vmul.f32 v51, v53  }
0x2c0: {  	v59 =	vperm.xlane v37, v3;
	v50 =	vadd.f32 v50, v63;
	v60 =	vperm.xlane v39, v3  }
0x2c1: {  	v49 =	vmul.f32 $1.562500000e-02, v49;
	v58 =	vmul.f32 v51, v36  }
0x2c2: {  	v48 =	vadd.f32 v61, v48;
	v37 =	vadd.f32 v59, v37;
	v50 =	vmul.f32 $1.562500000e-02, v50  }
0x2c3: {  	v39 =	vadd.f32 v60, v39;
	v63 =	vmul.f32 v49, v49;
	v54 =	vmul.f32 v58, v51  }
0x2c4: {  	v44 =	vadd.f32 v44, v57;
	v61 =	vperm.xlane v48, v3;
	v37 =	vmul.f32 $1.562500000e-02, v37  }
0x2c5: {  	v39 =	vmul.f32 $1.562500000e-02, v39;
	v57 =	vmul.f32 v50, v50;
	v62 =	vsub.f32 $1.500000000e+00, v54  }
0x2c6: {  	v52 =	vmul.f32 $1.562500000e-02, v44;
	v48 =	vadd.f32 v61, v48;
	v37 =	vsub.f32 v37, v63  }
0x2c7: {  	v21 =	vmul.f32 v30, v21;
	v39 =	vsub.f32 v39, v57;
	v51 =	vmul.f32 v62, v51  }
0x2c8: {  	v58 =	vmul.f32 v52, v52;
	v48 =	vmul.f32 $1.562500000e-02, v48;
	v37 =	vadd.f32 $9.999999740e-06, v37  }
0x2c9: {  	v56 =	vsub.f32 v12, v46;
	v39 =	vadd.f32 $9.999999740e-06, v39;
	v36 =	vmul.f32 v51, v36  }
0x2ca: {  	v54 =	vmul.f32 v32, v13;
	v13 =	vsub.f32 v48, v58;
	v59 =	vshrl.u32 v37, $0x1  }
0x2cb: {  	v37 =	vmul.f32 $5.000000000e-01, v37;
	v61 =	vshrl.u32 v39, $0x1;
	v36 =	vmul.f32 v36, v51  }
0x2cc: {  	v44 =	vmul.f32 $5.000000000e-01, v39;
	v48 =	vsub.s32 $0x5F3759DF, v59;
	v13 =	vadd.f32 $9.999999740e-06, v13  }
0x2cd: {  	v55 =	vsub.s32 $0x5F3759DF, v61;
	v60 =	vmul.f32 v48, v37;
	v36 =	vsub.f32 $1.500000000e+00, v36  }
0x2ce: {  	v62 =	vshrl.u32 v13, $0x1;
	v39 =	vmul.f32 $5.000000000e-01, v13;
	v13 =	vmul.f32 v55, v44  }
0x2cf: {  	v53 =	vmul.f32 v48, v60;
	v36 =	vmul.f32 v36, v51;
	v51 =	vsub.s32 $0x5F3759DF, v62  }
0x2d0: {  	v29 =	vsub.f32 v29, v46;
	v60 =	vmul.f32 v55, v13;
	v63 =	vmul.f32 v51, v39  }
0x2d1: {  	s14 =	simm.s32 $0x12480;
	v20 =	vmul.f32 v10, v20;
	v28 =	vsub.f32 v28, v46;
	v61 =	vsub.f32 $1.500000000e+00, v53  }
0x2d2: {  	[tilespmem:s14+$0x70] =	vst v15;
	v12 =	vsub.f32 v45, v50;
	v45 =	vsub.f32 $1.500000000e+00, v60;
	v62 =	vmul.f32 v51, v63  }
0x2d3: {  	[tilespmem:s14+$0x40] =	vst v17;
	v15 =	vsub.f32 v43, v50;
	v17 =	vsub.f32 v41, v50;
	v48 =	vmul.f32 v48, v61  }
0x2d4: {  	[tilespmem:s14+$0x50] =	vst v18;
	v13 =	vsub.f32 v42, v50;
	v43 =	vmul.f32 v55, v45;
	v50 =	vsub.f32 $1.500000000e+00, v62  }
0x2d5: {  	[tilespmem:s14+$0xFFFFFFC0] =	vst v21;
	v21 =	vsub.f32 v27, v46;
	v57 =	vmul.f32 v48, v37;
	v63 =	vmul.f32 v36, v56  }
0x2d6: {  	[tilespmem:s14+$0x60] =	vst v31;
	v22 =	vsub.f32 v22, v49;
	v56 =	vmul.f32 v32, v16;
	v32 =	vmul.f32 v51, v50  }
0x2d7: {  	[tilespmem:s14+$0xFFFFFF80] =	vst v33;
	v19 =	vsub.f32 v19, v49;
	v11 =	vsub.f32 v11, v49;
	v58 =	vmul.f32 v43, v44  }
0x2d8: {  	[tilespmem:s14+$0xFFFFFF90] =	vst v47;
	v16 =	vsub.f32 v38, v52;
	v38 =	vmul.f32 v57, v48;
	v59 =	vmul.f32 v32, v39  }
0x2d9: {  	s13 =	simm.s32 $0x12580;
	v14 =	vsub.f32 v14, v49;
	v33 =	vsub.f32 v34, v52;
	[tilespmem:s14+$0xFFFFFFA0] =	vst v54;
	v34 =	vmul.f32 v58, v43  }
0x2da: {  	[tilespmem:s13+$0x70] =	vst v63;
	v62 =	vmul.f32 v30, v23;
	v60 =	vsub.f32 $1.500000000e+00, v38;
	v61 =	vmul.f32 v59, v32  }
0x2db: {  	v18 =	vsub.f32 v35, v52;
	[tilespmem:s14+$0xFFFFFFB0] =	vst v56;
	v63 =	vmul.f32 v30, v25;
	v34 =	vsub.f32 $1.500000000e+00, v34  }
0x2dc: {  	v25 =	vmul.f32 v30, v26;
	[tilespmem:s14+$0xFFFFFFD0] =	vst v62;
	v23 =	vmul.f32 v60, v48;
	v27 =	vsub.f32 $1.500000000e+00, v61  }
0x2dd: {  	s15 =	simm.s32 $0x4;
	s16 =	simm.s32 $0xA680;
	v31 =	vsub.f32 v40, v52;
	v26 =	vmul.f32 v10, v24;
	[tilespmem:s14+$0xFFFFFFE0] =	vst v63;
	v24 =	vmul.f32 v34, v43  }
.LBB2_7:
0x2de: {  	v30 =	vld [tilespmem:s16+$0x40];
	v34 =	vmul.f32 v23, v37;
	v27 =	vmul.f32 v27, v32;
	[tilespmem:s14+$0xFFFFFFF0] =	vst v25  }
0x2df: {  	v35 =	vmul.f32 v10, v9;
	v9 =	vmov v33;
	v32 =	vld [tilespmem:s16+$0x50];
	v25 =	vmul.f32 v24, v44;
	[tilespmem:s14+$0x0] =	vst v26  }
0x2e0: {  	v26 =	vld [tilespmem:s16+$0x60];
	v33 =	vmul.f32 v34, v23;
	v34 =	vmul.f32 v27, v39;
	[tilespmem:s14+$0x10] =	vst v20  }
0x2e1: {  	v10 =	vmul.f32 v10, v8;
	v8 =	vmov v31;
	v37 =	vld [tilespmem:s16+$0x70];
	v20 =	vmul.f32 v25, v24;
	[tilespmem:s14+$0x20] =	vst v35  }
0x2e2: {  	s15 =	sadd.s32 $0x4, s15;
	v29 =	vmul.f32 v36, v29;
	v31 =	vld [tilespmem:s16+$0xFFFFFF90];
	v25 =	vsub.f32 $1.500000000e+00, v33;
	v33 =	vmul.f32 v34, v27  }
0x2e3: {  	v28 =	vmul.f32 v36, v28;
	p2 =	slt.u32 s15, $0x7C;
	v35 =	vmul.f32 v36, v21;
	v34 =	vld [tilespmem:s16+$0xFFFFFFA0];
	v20 =	vsub.f32 $1.500000000e+00, v20;
	[tilespmem:s14+$0x30] =	vst v10;
	s14 =	smov.u32 s13  }
0x2e4: {  	v38 =	vld [tilespmem:s16+$0xFFFFFFB0];
	v25 =	vmul.f32 v25, v23;
	v10 =	vsub.f32 $1.500000000e+00, v33;
	[tilespmem:s13+$0x40] =	vst v29  }
0x2e5: {  	v23 =	vadd.f32 v30, v4;
	v21 =	vadd.f32 v32, v5;
	v29 =	vld [tilespmem:s16+$0xFFFFFFC0];
	v20 =	vmul.f32 v20, v24;
	[tilespmem:s13+$0x50] =	vst v28  }
0x2e6: {  	v24 =	vadd.f32 v26, v6;
	v30 =	vld [tilespmem:s16+$0xFFFFFFD0];
	v26 =	vadd.f32 v37, v7;
	v10 =	vmul.f32 v10, v27;
	[tilespmem:s13+$0x60] =	vst v35  }
0x2e7: {  	v22 =	vmul.f32 v25, v22;
	v36 =	vadd.f32 v31, v5;
	v27 =	vld [tilespmem:s16+$0xFFFFFFE0];
	v31 =	vmul.f32 v23, v23  }
0x2e8: {  	v33 =	vmul.f32 v21, v21;
	v35 =	vadd.f32 v21, v23;
	v32 =	vld [tilespmem:s16+$0xFFFFFFF0];
	v39 =	vadd.f32 v26, v24  }
0x2e9: {  	v37 =	vadd.f32 v34, v6;
	v34 =	vmul.f32 v24, v24;
	v41 =	vmul.f32 v26, v26;
	v40 =	vld [tilespmem:s16+$0x0];
	[tilespmem:s13+$0xFFFFFF80] =	vst v22  }
0x2ea: {  	v28 =	vadd.f32 v38, v7;
	v38 =	vmul.f32 v36, v36;
	v22 =	vld [tilespmem:s16+$0x10];
	v39 =	vadd.f32 v39, v35  }
0x2eb: {  	v31 =	vadd.f32 v33, v31;
	v42 =	vmul.f32 v37, v37;
	v34 =	vadd.f32 v41, v34;
	v43 =	vld [tilespmem:s16+$0x20]  }
0x2ec: {  	v35 =	vadd.f32 v29, v4;
	v41 =	vmul.f32 v28, v28;
	v29 =	vadd.f32 v30, v5;
	v44 =	vld [tilespmem:s16+$0x30]  }
0x2ed: {  	v33 =	vadd.f32 v27, v6;
	v30 =	vperm.xlane v39, v0;
	v46 =	vadd.f32 v34, v31;
	v45 =	vld [tilespmem:s16+$0xFFFFFF80]  }
0x2ee: {  	v47 =	vmul.f32 v35, v35;
	v34 =	vadd.f32 v32, v7;
	v31 =	vadd.f32 v40, v4  }
0x2ef: {  	v39 =	vadd.f32 v39, v30;
	v27 =	vadd.f32 v22, v5;
	v22 =	vperm.xlane v46, v0  }
0x2f0: {  	v48 =	vmul.f32 v29, v29;
	v40 =	vadd.f32 v28, v37;
	v30 =	vadd.f32 v43, v6  }
0x2f1: {  	v43 =	vperm.xlane v39, v1;
	v32 =	vadd.f32 v44, v7;
	v44 =	vadd.f32 v22, v46  }
0x2f2: {  	v46 =	vmul.f32 v34, v34;
	v22 =	vadd.f32 v45, v4;
	v45 =	vmul.f32 v33, v33  }
0x2f3: {  	v49 =	vadd.f32 v29, v35;
	v39 =	vadd.f32 v39, v43;
	v43 =	vperm.xlane v44, v1  }
0x2f4: {  	v52 =	vadd.f32 v34, v33;
	v50 =	vmul.f32 v22, v22;
	v51 =	vadd.f32 v36, v22  }
0x2f5: {  	v53 =	vmul.f32 v31, v31;
	v54 =	vperm.xlane v39, v2;
	v43 =	vadd.f32 v43, v44  }
0x2f6: {  	v56 =	vadd.f32 v27, v31;
	v55 =	vmul.f32 v30, v30;
	v44 =	vmul.f32 v27, v27  }
0x2f7: {  	v57 =	vmul.f32 v32, v32;
	v39 =	vadd.f32 v39, v54;
	v54 =	vperm.xlane v43, v2  }
0x2f8: {  	v19 =	vmul.f32 v25, v19;
	v40 =	vadd.f32 v40, v51;
	v51 =	vadd.f32 v32, v30  }
0x2f9: {  	v50 =	vadd.f32 v38, v50;
	v38 =	vperm.xlane v39, v3;
	v43 =	vadd.f32 v54, v43  }
0x2fa: {  	v41 =	vadd.f32 v41, v42;
	v42 =	vadd.f32 v52, v49;
	v54 =	vperm.xlane v40, v0;
	[tilespmem:s13+$0xFFFFFF90] =	vst v19  }
0x2fb: {  	v19 =	vadd.f32 v48, v47;
	v38 =	vadd.f32 v39, v38;
	v39 =	vperm.xlane v43, v3  }
0x2fc: {  	v45 =	vadd.f32 v46, v45;
	v46 =	vadd.f32 v51, v56;
	v47 =	vperm.xlane v42, v0  }
0x2fd: {  	v44 =	vadd.f32 v44, v53;
	v38 =	vmul.f32 $1.562500000e-02, v38;
	v39 =	vadd.f32 v39, v43  }
0x2fe: {  	v41 =	vadd.f32 v41, v50;
	v48 =	vadd.f32 v57, v55;
	v43 =	vperm.xlane v46, v0  }
0x2ff: {  	v19 =	vadd.f32 v45, v19;
	v45 =	vmul.f32 v38, v38;
	v39 =	vmul.f32 $1.562500000e-02, v39  }
0x300: {  	v49 =	vperm.xlane v41, v0;
	v40 =	vadd.f32 v40, v54;
	v44 =	vadd.f32 v48, v44  }
0x301: {  	v42 =	vadd.f32 v42, v47;
	v47 =	vperm.xlane v19, v0;
	v39 =	vsub.f32 v39, v45  }
0x302: {  	v43 =	vadd.f32 v46, v43;
	v46 =	vperm.xlane v44, v0;
	v45 =	vperm.xlane v40, v1  }
0x303: {  	v41 =	vadd.f32 v49, v41;
	v48 =	vperm.xlane v42, v1;
	v39 =	vadd.f32 $9.999999740e-06, v39  }
0x304: {  	v19 =	vadd.f32 v47, v19;
	v47 =	vperm.xlane v43, v1;
	v44 =	vadd.f32 v46, v44  }
0x305: {  	v40 =	vadd.f32 v40, v45;
	v45 =	vshrl.u32 v39, $0x1;
	v39 =	vmul.f32 $5.000000000e-01, v39  }
0x306: {  	v42 =	vadd.f32 v42, v48;
	v46 =	vperm.xlane v41, v1;
	v45 =	vsub.s32 $0x5F3759DF, v45  }
0x307: {  	v48 =	vperm.xlane v19, v1;
	v43 =	vadd.f32 v43, v47;
	v47 =	vmul.f32 v45, v39  }
0x308: {  	v41 =	vadd.f32 v46, v41;
	v46 =	vperm.xlane v44, v1;
	v49 =	vperm.xlane v40, v2  }
0x309: {  	v50 =	vperm.xlane v42, v2;
	v19 =	vadd.f32 v48, v19;
	v47 =	vmul.f32 v45, v47  }
0x30a: {  	v48 =	vperm.xlane v43, v2;
	v44 =	vadd.f32 v46, v44;
	v40 =	vadd.f32 v40, v49  }
0x30b: {  	v42 =	vadd.f32 v42, v50;
	v46 =	vperm.xlane v41, v2;
	v47 =	vsub.f32 $1.500000000e+00, v47  }
0x30c: {  	v49 =	vperm.xlane v19, v2;
	v43 =	vadd.f32 v43, v48;
	v48 =	vperm.xlane v44, v2  }
0x30d: {  	v41 =	vadd.f32 v46, v41;
	v50 =	vperm.xlane v40, v3;
	v45 =	vmul.f32 v45, v47  }
0x30e: {  	v46 =	vperm.xlane v42, v3;
	v19 =	vadd.f32 v49, v19;
	v47 =	vperm.xlane v43, v3  }
0x30f: {  	v44 =	vadd.f32 v48, v44;
	v40 =	vadd.f32 v40, v50;
	v48 =	vmul.f32 v45, v39  }
0x310: {  	v49 =	vperm.xlane v41, v3;
	v42 =	vadd.f32 v42, v46;
	v46 =	vperm.xlane v19, v3  }
0x311: {  	v43 =	vadd.f32 v43, v47;
	v47 =	vperm.xlane v44, v3;
	v48 =	vmul.f32 v48, v45  }
0x312: {  	v41 =	vadd.f32 v49, v41;
	v42 =	vmul.f32 $1.562500000e-02, v42;
	v40 =	vmul.f32 $1.562500000e-02, v40  }
0x313: {  	v19 =	vadd.f32 v46, v19;
	v43 =	vmul.f32 $1.562500000e-02, v43;
	v46 =	vsub.f32 $1.500000000e+00, v48  }
0x314: {  	v41 =	vmul.f32 $1.562500000e-02, v41;
	v44 =	vadd.f32 v47, v44;
	v48 =	vmul.f32 v40, v40  }
0x315: {  	v22 =	vsub.f32 v22, v40;
	v47 =	vmul.f32 $1.562500000e-02, v19;
	v45 =	vmul.f32 v46, v45  }
0x316: {  	v44 =	vmul.f32 $1.562500000e-02, v44;
	v41 =	vsub.f32 v41, v48;
	v46 =	vmul.f32 v42, v42  }
0x317: {  	v19 =	vsub.f32 v36, v40;
	v36 =	vmul.f32 v43, v43;
	v39 =	vmul.f32 v45, v39  }
0x318: {  	v41 =	vadd.f32 $9.999999740e-06, v41;
	v46 =	vsub.f32 v47, v46;
	v47 =	vmul.f32 v25, v11  }
0x319: {  	v36 =	vsub.f32 v44, v36;
	v11 =	vsub.f32 v37, v40;
	v39 =	vmul.f32 v39, v45  }
0x31a: {  	v44 =	vshrl.u32 v41, $0x1;
	v37 =	vmul.f32 $5.000000000e-01, v41;
	v41 =	vadd.f32 $9.999999740e-06, v46;
	[tilespmem:s13+$0xFFFFFFA0] =	vst v47  }
0x31b: {  	v46 =	vsub.s32 $0x5F3759DF, v44;
	v47 =	vadd.f32 $9.999999740e-06, v36;
	v36 =	vsub.f32 $1.500000000e+00, v39  }
0x31c: {  	v48 =	vmul.f32 v46, v37;
	v39 =	vshrl.u32 v41, $0x1;
	v44 =	vmul.f32 $5.000000000e-01, v41  }
0x31d: {  	v26 =	vsub.f32 v26, v38;
	v41 =	vshrl.u32 v47, $0x1;
	v36 =	vmul.f32 v36, v45  }
0x31e: {  	v45 =	vsub.s32 $0x5F3759DF, v39;
	v41 =	vsub.s32 $0x5F3759DF, v41;
	v39 =	vmul.f32 $5.000000000e-01, v47  }
0x31f: {  	v28 =	vsub.f32 v28, v40;
	v40 =	vmul.f32 v45, v44;
	v26 =	vmul.f32 v36, v26  }
0x320: {  	v35 =	vsub.f32 v35, v42;
	s13 =	sadd.s32 $0x100, s13;
	v47 =	vmul.f32 v46, v48;
	v48 =	vmul.f32 v41, v39  }
0x321: {  	v49 =	vsub.f32 v29, v42;
	v50 =	vsub.f32 v33, v42;
	v40 =	vmul.f32 v45, v40;
	[tilespmem:s13+$0x70] =	vst v26  }
0x322: {  	v34 =	vsub.f32 v34, v42;
	v26 =	vsub.f32 $1.500000000e+00, v47;
	v29 =	vmul.f32 v41, v48  }
0x323: {  	v25 =	vmul.f32 v25, v14;
	v14 =	vmovc v28;
	v33 =	vsub.f32 $1.500000000e+00, v40;
	v40 =	vsub.f32 v31, v43  }
0x324: {  	v42 =	vsub.f32 v27, v43;
	v26 =	vmul.f32 v46, v26;
	v28 =	vsub.f32 $1.500000000e+00, v29  }
0x325: {  	v31 =	vsub.f32 v32, v43;
	v45 =	vmul.f32 v45, v33;
	v33 =	vsub.f32 v30, v43;
	[tilespmem:s14+$0xFFFFFFB0] =	vst v25  }
0x326: {  	v29 =	vsub.f32 v23, v38;
	v25 =	vmul.f32 v26, v37;
	v32 =	vmul.f32 v41, v28  }
0x327: {  	v28 =	vsub.f32 v21, v38;
	v21 =	vsub.f32 v24, v38;
	v23 =	vmul.f32 v45, v44  }
0x328: {  	v24 =	vmul.f32 v25, v26;
	v25 =	vmul.f32 v32, v39  }
.Ltmp2:
0x329: {  	v27 =	vmul.f32 v20, v12;
	v12 =	vmov v35;
	v23 =	vmul.f32 v23, v45;
	(pc) =	sbr.rel @p2 .LBB2_7-.Ltmp2, $4  }
0x32a: {  	v35 =	vmul.f32 v20, v13;
	v13 =	vmovc v49;
	v24 =	vsub.f32 $1.500000000e+00, v24;
	v30 =	vmul.f32 v25, v32  }
0x32b: {  	v41 =	vmul.f32 v20, v15;
	v15 =	vmovc v50;
	v25 =	vmul.f32 v20, v17;
	v38 =	vsub.f32 $1.500000000e+00, v23;
	[tilespmem:s14+$0xFFFFFFC0] =	vst v27  }
0x32c: {  	v17 =	vmovc v34;
	v23 =	vmul.f32 v24, v26;
	v27 =	vsub.f32 $1.500000000e+00, v30;
	v26 =	vmul.f32 v10, v18;
	[tilespmem:s14+$0xFFFFFFD0] =	vst v35  }
0x32d: {  	s16 =	sadd.s32 $0x100, s16;
	v20 =	vmul.f32 v10, v16;
	v16 =	vmovc v42;
	v18 =	vmov v40;
	v24 =	vmul.f32 v38, v45;
	[tilespmem:s14+$0xFFFFFFE0] =	vst v41  }
0x32e: {  	v4 =	vmul.f32 v23, v37  }
0x32f: {  	v7 =	vmul.f32 v27, v32;
	v8 =	vmul.f32 v10, v8  }
0x330: {  	[tilespmem:s14+$0xFFFFFFF0] =	vst v25;
	v5 =	vmul.f32 v24, v44;
	v4 =	vmul.f32 v4, v23  }
0x331: {  	v6 =	vmul.f32 v10, v9;
	[tilespmem:s14+$0x0] =	vst v26  }
0x332: {  	[tilespmem:s14+$0x30] =	vst v8;
	v8 =	vmul.f32 v7, v39;
	v5 =	vmul.f32 v5, v24;
	v4 =	vsub.f32 $1.500000000e+00, v4  }
0x333: {  	v9 =	vmul.f32 v36, v28;
	[tilespmem:s14+$0x20] =	vst v6;
	v6 =	vmul.f32 v36, v29  }
0x334: {  	[tilespmem:s14+$0x10] =	vst v20;
	v8 =	vmul.f32 v8, v7;
	v5 =	vsub.f32 $1.500000000e+00, v5;
	v4 =	vmul.f32 v4, v23  }
0x335: {  	v10 =	vmul.f32 v36, v21;
	[tilespmem:s13+$0x50] =	vst v9  }
0x336: {  	[tilespmem:s13+$0x40] =	vst v6;
	v8 =	vsub.f32 $1.500000000e+00, v8;
	v5 =	vmul.f32 v5, v24;
	v6 =	vmul.f32 v4, v22  }
0x337: {  	[tilespmem:s13+$0x60] =	vst v10;
	v9 =	vmul.f32 v4, v19  }
0x338: {  	v7 =	vmul.f32 v8, v7;
	v8 =	vmul.f32 v5, v15;
	[tilespmem:s13+$0xFFFFFF80] =	vst v6  }
0x339: {  	v6 =	vmul.f32 v4, v11;
	[tilespmem:s13+$0xFFFFFF90] =	vst v9  }
0x33a: {  	v4 =	vmul.f32 v4, v14;
	[tilespmem:s13+$0xFFFFFFE0] =	vst v8  }
0x33b: {  	[tilespmem:s13+$0xFFFFFFA0] =	vst v6;
	v6 =	vmul.f32 v5, v12  }
0x33c: {  	[tilespmem:s13+$0xFFFFFFB0] =	vst v4;
	v4 =	vmul.f32 v5, v13  }
0x33d: {  	v5 =	vmul.f32 v5, v17;
	[tilespmem:s13+$0xFFFFFFC0] =	vst v6  }
0x33e: {  	[tilespmem:s13+$0xFFFFFFD0] =	vst v4;
	v4 =	vmul.f32 v7, v18  }
0x33f: {  	v6 =	vmul.f32 v7, v16;
	[tilespmem:s13+$0xFFFFFFF0] =	vst v5  }
0x340: {  	v5 =	vmul.f32 v7, v33;
	[tilespmem:s13+$0x0] =	vst v4  }
0x341: {  	[tilespmem:s13+$0x10] =	vst v6;
	v4 =	vmul.f32 v7, v31  }
0x342: {  	s15 =	simm.s32 @!p1 $0xA400;
	s12 =	sshll.u32 s12, $0x3;
	[tilespmem:s13+$0x20] =	vst v5  }
0x343: {  	s12 =	sand.u32 $0x1FFFF800, s12;
	s14 =	simm.s32 @!p1 $0x80;
	[tilespmem:s13+$0x30] =	vst v4;
	s13 =	sadd.s32 @!p1 $0x300, s8  }
0x344: {  	[tilespmem:s15], [sflag:$0x3] =	stream.indirect.gather @!p1 [hbm4b:s5+s14], $0x40, s13, s14, $0xb8;
	[tilespmem:$0x19600] =	vst v63  }
0x345: {  	s12 =	sadd.s32 s2, s12  }
0x346: {  	[hbm4b:s12+s3] =	stream.linear.scatter [tilespmem:s23], [sflag:$0x7], $0x2000, $0x38;
	[tilespmem:$0x19600] =	vst v63  }
0x347: {  	_ =	swait.ge [sflag:s24], $0x2000  }
0x348: {  	[sflag:s24] =	ssyncset.done $0x0  }
0x349: {  	s0 =	sor.u32 $0x180, s0;
	s12 =	simm.s32 @!p0 $0x8;
	[sflag:s24] =	ssyncadd.s32 $0xFFFFE000  }
0x34a: {  	s0 =	sadd.s32 s4, s0;
	_ =	swait.ge @!p0 [sflag:s12], $0x2000  }
0x34b: {  	s16 =	sshrl.u32 s0, $0x6;
	[sflag:s12] =	ssyncset.done @!p0 $0x0  }
0x34c: {  	s14 =	sand.u32 $0x1FFFFC0, s16;
	[sflag:s12] =	ssyncadd.s32 @!p0 $0xFFFFE000  }
0x34d: {  	v4 =	vld [tilespmem:s14+$0x16400]  }
0x34e: {  	v5 =	vld [tilespmem:s14+$0x16410]  }
0x34f: {  	v6 =	vld [tilespmem:s14+$0x16420]  }
0x350: {  	s15 =	simm.s32 $0xC480;
	v7 =	vld [tilespmem:s14+$0x16430]  }
0x351: {  	v8 =	vld [tilespmem:s15+$0x40]  }
0x352: {  	v9 =	vld [tilespmem:s15+$0x50]  }
0x353: {  	v11 =	vld [tilespmem:s15+$0x60]  }
0x354: {  	v13 =	vld [tilespmem:s15+$0x70]  }
0x355: {  	v14 =	vld [tilespmem:s15+$0xFFFFFF90]  }
0x356: {  	v15 =	vld [tilespmem:s15+$0xFFFFFFA0];
	_ =	sdelay $0x1  }
0x357: {  	v16 =	vld [tilespmem:s15+$0xFFFFFFB0]  }
0x358: {  	v17 =	vld [tilespmem:s15+$0xFFFFFFC0];
	v12 =	vadd.f32 v8, v4;
	v10 =	vadd.f32 v9, v5  }
0x359: {  	v18 =	vld [tilespmem:s15+$0xFFFFFFD0];
	v11 =	vadd.f32 v11, v6;
	v8 =	vadd.f32 v13, v7  }
0x35a: {  	v25 =	vld [tilespmem:s15+$0x0];
	v9 =	vadd.f32 v14, v5;
	v13 =	vadd.f32 v15, v6;
	v20 =	vmul.f32 v12, v12  }
0x35b: {  	v19 =	vld [tilespmem:s15+$0xFFFFFFE0];
	v21 =	vmul.f32 v10, v10;
	v23 =	vadd.f32 v10, v12;
	v24 =	vadd.f32 v8, v11  }
0x35c: {  	v22 =	vld [tilespmem:s15+$0xFFFFFFF0];
	v14 =	vadd.f32 v16, v7;
	v15 =	vmul.f32 v11, v11;
	v26 =	vmul.f32 v8, v8  }
0x35d: {  	v16 =	vld [tilespmem:s15+$0x10];
	v23 =	vadd.f32 v24, v23;
	v24 =	vadd.f32 v21, v20  }
0x35e: {  	v31 =	vld [tilespmem:s15+$0xFFFFFF80];
	v27 =	vmul.f32 v9, v9;
	v15 =	vadd.f32 v26, v15;
	v21 =	vadd.f32 v17, v4  }
0x35f: {  	v29 =	vmul.f32 v14, v14;
	v20 =	vadd.f32 v18, v5;
	v18 =	vadd.f32 v25, v4  }
0x360: {  	v28 =	vld [tilespmem:s15+$0x20];
	v26 =	vmul.f32 v13, v13;
	v25 =	vadd.f32 v14, v13;
	v49 =	vadd.f32 v15, v24  }
0x361: {  	v17 =	vperm.xlane v23, v0;
	v24 =	vadd.f32 v19, v6;
	v15 =	vadd.f32 v22, v7  }
0x362: {  	v50 =	vmul.f32 v21, v21;
	v19 =	vadd.f32 v16, v5;
	v34 =	vmul.f32 v20, v20  }
0x363: {  	v30 =	vld [tilespmem:s15+$0x30];
	v16 =	vadd.f32 v31, v4;
	v35 =	vadd.f32 v20, v21;
	v38 =	vmul.f32 v18, v18  }
0x364: {  	v26 =	vadd.f32 v29, v26;
	v23 =	vadd.f32 v23, v17;
	v22 =	vperm.xlane v49, v0  }
0x365: {  	v17 =	vadd.f32 v28, v6;
	v31 =	vmul.f32 v15, v15;
	v52 =	vadd.f32 v9, v16  }
0x366: {  	v51 =	vmul.f32 v16, v16;
	v54 =	vadd.f32 v15, v24;
	v42 =	vadd.f32 v19, v18  }
0x367: {  	v40 =	vmul.f32 v19, v19;
	v58 =	vadd.f32 v34, v50;
	v32 =	vadd.f32 v22, v49  }
0x368: {  	v28 =	vperm.xlane v23, v1;
	v22 =	vadd.f32 v30, v7;
	v25 =	vadd.f32 v25, v52  }
0x369: {  	v30 =	vmul.f32 v24, v24;
	v36 =	vadd.f32 v27, v51;
	v29 =	vadd.f32 v54, v35  }
0x36a: {  	v41 =	vmul.f32 v17, v17;
	v61 =	vadd.f32 v40, v38;
	v23 =	vadd.f32 v23, v28  }
0x36b: {  	v28 =	vperm.xlane v32, v1;
	v43 =	vmul.f32 v22, v22;
	v56 =	vadd.f32 v22, v17  }
0x36c: {  	v57 =	vperm.xlane v25, v0;
	v30 =	vadd.f32 v31, v30;
	v26 =	vadd.f32 v26, v36  }
0x36d: {  	v60 =	vperm.xlane v29, v0;
	v28 =	vadd.f32 v28, v32;
	v31 =	vadd.f32 v56, v42  }
0x36e: {  	v53 =	vperm.xlane v23, v2;
	v62 =	vadd.f32 v43, v41;
	v30 =	vadd.f32 v30, v58  }
0x36f: {  	v25 =	vadd.f32 v25, v57;
	v36 =	vperm.xlane v26, v0;
	v29 =	vadd.f32 v29, v60  }
0x370: {  	v23 =	vadd.f32 v23, v53;
	v55 =	vperm.xlane v28, v2;
	v33 =	vadd.f32 v62, v61  }
0x371: {  	v37 =	vperm.xlane v30, v0;
	v38 =	vperm.xlane v25, v1;
	v26 =	vadd.f32 v36, v26  }
0x372: {  	v39 =	vperm.xlane v29, v1;
	v27 =	vperm.xlane v23, v3;
	v28 =	vadd.f32 v55, v28  }
0x373: {  	v30 =	vadd.f32 v37, v30;
	v25 =	vadd.f32 v25, v38;
	v42 =	vperm.xlane v26, v1  }
0x374: {  	v29 =	vadd.f32 v29, v39;
	v23 =	vadd.f32 v23, v27;
	v59 =	vperm.xlane v28, v3  }
0x375: {  	v43 =	vperm.xlane v30, v1;
	v45 =	vperm.xlane v25, v2;
	v26 =	vadd.f32 v42, v26  }
0x376: {  	v27 =	vmul.f32 $1.562500000e-02, v23;
	v23 =	vadd.f32 v59, v28;
	v28 =	vperm.xlane v31, v0  }
0x377: {  	v47 =	vperm.xlane v29, v2;
	v30 =	vadd.f32 v43, v30;
	v25 =	vadd.f32 v25, v45  }
0x378: {  	v48 =	vperm.xlane v26, v2;
	v28 =	vadd.f32 v31, v28;
	v31 =	vperm.xlane v33, v0  }
0x379: {  	v29 =	vadd.f32 v29, v47;
	v23 =	vmul.f32 $1.562500000e-02, v23;
	v63 =	vmul.f32 v27, v27  }
0x37a: {  	v50 =	vperm.xlane v30, v2;
	v40 =	vperm.xlane v28, v1;
	v31 =	vadd.f32 v31, v33  }
0x37b: {  	v51 =	vperm.xlane v25, v3;
	v26 =	vadd.f32 v48, v26;
	v53 =	vperm.xlane v29, v3  }
0x37c: {  	v23 =	vsub.f32 v23, v63;
	v28 =	vadd.f32 v28, v40;
	v46 =	vperm.xlane v31, v1  }
0x37d: {  	v30 =	vadd.f32 v50, v30;
	v25 =	vadd.f32 v25, v51;
	v54 =	vperm.xlane v26, v3  }
0x37e: {  	v29 =	vadd.f32 v29, v53;
	v31 =	vadd.f32 v46, v31;
	v49 =	vperm.xlane v28, v2  }
0x37f: {  	v23 =	vadd.f32 $9.999999740e-06, v23;
	v56 =	vperm.xlane v30, v3;
	v25 =	vmul.f32 $1.562500000e-02, v25  }
0x380: {  	v26 =	vadd.f32 v54, v26;
	v28 =	vadd.f32 v28, v49;
	v52 =	vperm.xlane v31, v2  }
0x381: {  	v29 =	vmul.f32 $1.562500000e-02, v29;
	v41 =	vshrl.u32 v23, $0x1;
	v23 =	vmul.f32 $5.000000000e-01, v23  }
0x382: {  	v30 =	vadd.f32 v56, v30;
	v55 =	vperm.xlane v28, v3;
	v31 =	vadd.f32 v52, v31  }
0x383: {  	v26 =	vmul.f32 $1.562500000e-02, v26;
	v58 =	vmul.f32 v25, v25;
	v32 =	vsub.s32 $0x5F3759DF, v41  }
0x384: {  	v44 =	vmul.f32 v32, v23;
	v28 =	vadd.f32 v28, v55;
	v57 =	vperm.xlane v31, v3  }
0x385: {  	v59 =	vmul.f32 v29, v29;
	v30 =	vmul.f32 $1.562500000e-02, v30;
	v26 =	vsub.f32 v26, v58  }
0x386: {  	v34 =	vmul.f32 v32, v44;
	v28 =	vmul.f32 $1.562500000e-02, v28;
	v31 =	vadd.f32 v57, v31  }
0x387: {  	v26 =	vadd.f32 $9.999999740e-06, v26;
	v30 =	vsub.f32 v30, v59  }
0x388: {  	v34 =	vsub.f32 $1.500000000e+00, v34;
	v31 =	vmul.f32 $1.562500000e-02, v31;
	v60 =	vmul.f32 v28, v28  }
0x389: {  	v62 =	vshrl.u32 v26, $0x1;
	v63 =	vmul.f32 $5.000000000e-01, v26;
	v26 =	vadd.f32 $9.999999740e-06, v30  }
0x38a: {  	v32 =	vmul.f32 v32, v34;
	v31 =	vsub.f32 v31, v60  }
0x38b: {  	v42 =	vsub.s32 $0x5F3759DF, v62;
	v43 =	vshrl.u32 v26, $0x1;
	v44 =	vmul.f32 $5.000000000e-01, v26  }
0x38c: {  	v36 =	vsub.s32 $0x5F3759DF, v43;
	v61 =	vmul.f32 v32, v23;
	v31 =	vadd.f32 $9.999999740e-06, v31  }
0x38d: {  	v34 =	vmul.f32 v42, v63;
	v45 =	vmul.f32 v36, v44  }
0x38e: {  	v30 =	vmul.f32 v61, v32;
	v26 =	vshrl.u32 v31, $0x1;
	v31 =	vmul.f32 $5.000000000e-01, v31  }
0x38f: {  	v12 =	vsub.f32 v12, v27;
	v34 =	vmul.f32 v42, v34;
	v26 =	vsub.s32 $0x5F3759DF, v26  }
0x390: {  	v47 =	vmul.f32 v36, v45;
	v30 =	vsub.f32 $1.500000000e+00, v30;
	v46 =	vmul.f32 v26, v31  }
0x391: {  	s16 =	simm.s32 $0xC580;
	v10 =	vsub.f32 v10, v27;
	v34 =	vsub.f32 $1.500000000e+00, v34  }
0x392: {  	v54 =	vld [tilespmem:s16+$0x60];
	v30 =	vmul.f32 v30, v32;
	v32 =	vsub.f32 $1.500000000e+00, v47;
	v48 =	vmul.f32 v26, v46  }
0x393: {  	v11 =	vsub.f32 v11, v27;
	v50 =	vsub.f32 v16, v25;
	v33 =	vmul.f32 v42, v34  }
0x394: {  	v39 =	vsub.f32 v9, v25;
	v32 =	vmul.f32 v36, v32;
	v49 =	vsub.f32 $1.500000000e+00, v48  }
0x395: {  	v13 =	vsub.f32 v13, v25;
	v16 =	vmul.f32 v33, v63;
	v23 =	vmul.f32 v30, v23  }
0x396: {  	v52 =	vsub.f32 v8, v27;
	v9 =	vmul.f32 v32, v44;
	v34 =	vmul.f32 v26, v49  }
0x397: {  	v27 =	vadd.f32 v54, v6;
	v23 =	vmul.f32 v23, v30;
	v26 =	vmul.f32 v16, v33  }
0x398: {  	v21 =	vsub.f32 v21, v29;
	v8 =	vmul.f32 v9, v32;
	v51 =	vmul.f32 v34, v31  }
0x399: {  	v45 =	vmul.f32 v27, v27;
	v23 =	vsub.f32 $1.500000000e+00, v23;
	v9 =	vsub.f32 $1.500000000e+00, v26  }
0x39a: {  	v46 =	vld [tilespmem:s16+$0xFFFFFFE0];
	v16 =	vsub.f32 v14, v25;
	v8 =	vsub.f32 $1.500000000e+00, v8;
	v14 =	vmul.f32 v51, v34  }
0x39b: {  	v25 =	vsub.f32 v24, v29;
	v24 =	vsub.f32 v18, v28;
	v18 =	vld [tilespmem:s16+$0x50];
	v33 =	vmul.f32 v9, v33  }
0x39c: {  	v53 =	vmul.f32 v8, v32;
	v8 =	vsub.f32 v22, v28;
	v22 =	vld [tilespmem:s16+$0x70];
	v9 =	vsub.f32 $1.500000000e+00, v14  }
0x39d: {  	v30 =	vmul.f32 v23, v30;
	v26 =	vsub.f32 v15, v29;
	v14 =	vld [tilespmem:s16+$0x40];
	v15 =	vmul.f32 v33, v63  }
0x39e: {  	v23 =	vsub.f32 v20, v29;
	v20 =	vsub.f32 v19, v28;
	v63 =	vld [tilespmem:s16+$0xFFFFFFF0];
	v19 =	vmul.f32 v9, v34  }
0x39f: {  	v9 =	vsub.f32 v17, v28;
	v17 =	vmul.f32 v53, v44;
	v28 =	vmul.f32 v15, v33  }
0x3a0: {  	v43 =	vadd.f32 v46, v6;
	v15 =	vmul.f32 v30, v52;
	v29 =	vmul.f32 v19, v31  }
0x3a1: {  	v58 =	vld [tilespmem:s16+$0xFFFFFFA0];
	v31 =	vmul.f32 v17, v53;
	v56 =	vsub.f32 $1.500000000e+00, v28;
	v17 =	vmul.f32 v30, v12  }
0x3a2: {  	v28 =	vadd.f32 v18, v5;
	v18 =	vmul.f32 v30, v10;
	v12 =	vadd.f32 v22, v7;
	v22 =	vld [tilespmem:s16+$0xFFFFFFC0]  }
0x3a3: {  	v55 =	vld [tilespmem:s16+$0xFFFFFF90];
	v41 =	vadd.f32 v63, v7;
	v57 =	vmul.f32 v29, v19;
	v29 =	vadd.f32 v14, v4  }
0x3a4: {  	v14 =	vld [tilespmem:s16+$0xFFFFFFB0];
	v10 =	vsub.f32 $1.500000000e+00, v31;
	v31 =	vmul.f32 v30, v11;
	v60 =	vmul.f32 v28, v28  }
0x3a5: {  	v62 =	vadd.f32 v12, v27;
	v47 =	vmul.f32 v12, v12;
	v32 =	vmul.f32 v56, v33;
	v56 =	vld [tilespmem:s16+$0x20]  }
0x3a6: {  	v59 =	vld [tilespmem:s16+$0xFFFFFFD0];
	v11 =	vmul.f32 v29, v29;
	v61 =	vadd.f32 v28, v29;
	v37 =	vsub.f32 $1.500000000e+00, v57  }
0x3a7: {  	v30 =	vmul.f32 v10, v53;
	v53 =	vld [tilespmem:s16+$0x0];
	v54 =	vadd.f32 v47, v45;
	v45 =	vadd.f32 v22, v4  }
0x3a8: {  	v33 =	vmul.f32 v32, v50;
	v52 =	vadd.f32 v62, v61;
	v42 =	vadd.f32 v60, v11  }
0x3a9: {  	v10 =	vmul.f32 v37, v19;
	v19 =	vadd.f32 v55, v5;
	v11 =	vadd.f32 v58, v6  }
0x3aa: {  	v55 =	vld [tilespmem:s16+$0x10];
	v14 =	vadd.f32 v14, v7;
	v46 =	vmul.f32 v45, v45;
	v34 =	vadd.f32 v56, v6  }
0x3ab: {  	v57 =	vperm.xlane v52, v0;
	v58 =	vadd.f32 v54, v42;
	v48 =	vmul.f32 v11, v11  }
0x3ac: {  	v49 =	vld [tilespmem:s16+$0xFFFFFF80];
	v42 =	vadd.f32 v59, v5;
	v50 =	vmul.f32 v14, v14;
	v35 =	vadd.f32 v53, v4  }
0x3ad: {  	v22 =	vld [tilespmem:s16+$0x30];
	v51 =	vadd.f32 v14, v11;
	v40 =	vadd.f32 v52, v57;
	v59 =	vperm.xlane v58, v0  }
0x3ae: {  	v52 =	vmul.f32 v42, v42;
	v54 =	vadd.f32 v42, v45;
	v57 =	vadd.f32 v41, v43  }
0x3af: {  	v38 =	vadd.f32 v55, v5;
	v60 =	vperm.xlane v40, v1;
	v44 =	vadd.f32 v59, v58  }
0x3b0: {  	v47 =	vmul.f32 v19, v19;
	v48 =	vadd.f32 v50, v48;
	v50 =	vadd.f32 v57, v54  }
0x3b1: {  	v52 =	vadd.f32 v52, v46;
	v61 =	vadd.f32 v40, v60;
	v62 =	vperm.xlane v44, v1  }
0x3b2: {  	v58 =	vmul.f32 v38, v38;
	v40 =	vadd.f32 v22, v7;
	v22 =	vadd.f32 v49, v4  }
0x3b3: {  	v49 =	vmul.f32 v43, v43;
	v53 =	vperm.xlane v61, v2;
	v37 =	vadd.f32 v62, v44  }
0x3b4: {  	v44 =	vmul.f32 v41, v41;
	v55 =	vadd.f32 v19, v22;
	v56 =	vmul.f32 v22, v22  }
0x3b5: {  	v57 =	vmul.f32 v40, v40;
	v62 =	vadd.f32 v40, v34;
	v36 =	vadd.f32 v61, v53  }
0x3b6: {  	v63 =	vperm.xlane v37, v2;
	v51 =	vadd.f32 v51, v55;
	v55 =	vmul.f32 v35, v35  }
0x3b7: {  	v56 =	vadd.f32 v47, v56;
	v61 =	vadd.f32 v38, v35;
	v47 =	vmul.f32 v32, v39  }
0x3b8: {  	v39 =	vadd.f32 v44, v49;
	v37 =	vadd.f32 v63, v37;
	v60 =	vperm.xlane v36, v3  }
0x3b9: {  	v53 =	vmul.f32 v34, v34;
	v49 =	vadd.f32 v62, v61;
	v55 =	vadd.f32 v58, v55  }
0x3ba: {  	v61 =	vperm.xlane v50, v0;
	v39 =	vadd.f32 v39, v52;
	v36 =	vadd.f32 v36, v60  }
0x3bb: {  	v57 =	vadd.f32 v57, v53;
	v63 =	vperm.xlane v37, v3;
	v60 =	vperm.xlane v51, v0  }
0x3bc: {  	v50 =	vadd.f32 v50, v61;
	v61 =	vperm.xlane v39, v0;
	v46 =	vmul.f32 $1.562500000e-02, v36  }
0x3bd: {  	v62 =	vadd.f32 v63, v37;
	v37 =	vadd.f32 v48, v56;
	v63 =	vperm.xlane v49, v0  }
0x3be: {  	v51 =	vadd.f32 v51, v60;
	v48 =	vadd.f32 v57, v55;
	v57 =	vperm.xlane v50, v1  }
0x3bf: {  	v36 =	vmul.f32 $1.562500000e-02, v62;
	v59 =	vmul.f32 v46, v46  }
0x3c0: {  	v39 =	vadd.f32 v61, v39;
	v60 =	vperm.xlane v37, v0;
	v62 =	vperm.xlane v51, v1  }
0x3c1: {  	v44 =	vadd.f32 v49, v63;
	v63 =	vperm.xlane v48, v0;
	v36 =	vsub.f32 v36, v59  }
0x3c2: {  	v50 =	vadd.f32 v50, v57;
	v53 =	vperm.xlane v39, v1;
	v37 =	vadd.f32 v60, v37  }
0x3c3: {  	v48 =	vadd.f32 v63, v48;
	v36 =	vadd.f32 $9.999999740e-06, v36  }
0x3c4: {  	v58 =	vperm.xlane v44, v1;
	v49 =	vadd.f32 v51, v62;
	v39 =	vadd.f32 v53, v39  }
0x3c5: {  	v60 =	vperm.xlane v37, v1;
	v59 =	vshrl.u32 v36, $0x1;
	v36 =	vmul.f32 $5.000000000e-01, v36  }
0x3c6: {  	v44 =	vadd.f32 v44, v58;
	v62 =	vperm.xlane v49, v2;
	v51 =	vsub.s32 $0x5F3759DF, v59  }
0x3c7: {  	v63 =	vperm.xlane v48, v1;
	v37 =	vadd.f32 v60, v37;
	v61 =	vmul.f32 v51, v36  }
0x3c8: {  	v60 =	vperm.xlane v50, v2;
	v49 =	vadd.f32 v49, v62;
	v62 =	vperm.xlane v44, v2  }
0x3c9: {  	v48 =	vadd.f32 v63, v48;
	v63 =	vperm.xlane v37, v2;
	v61 =	vmul.f32 v51, v61  }
0x3ca: {  	v50 =	vadd.f32 v50, v60;
	v60 =	vperm.xlane v39, v2;
	v44 =	vadd.f32 v44, v62  }
0x3cb: {  	v62 =	vperm.xlane v49, v3;
	v37 =	vadd.f32 v63, v37;
	v53 =	vsub.f32 $1.500000000e+00, v61  }
0x3cc: {  	v63 =	vperm.xlane v50, v3;
	v39 =	vadd.f32 v60, v39;
	v57 =	vperm.xlane v44, v3  }
0x3cd: {  	v49 =	vadd.f32 v49, v62;
	v61 =	vperm.xlane v48, v2;
	v51 =	vmul.f32 v51, v53  }
0x3ce: {  	v59 =	vperm.xlane v37, v3;
	v50 =	vadd.f32 v50, v63;
	v60 =	vperm.xlane v39, v3  }
0x3cf: {  	v49 =	vmul.f32 $1.562500000e-02, v49;
	v58 =	vmul.f32 v51, v36  }
0x3d0: {  	v48 =	vadd.f32 v61, v48;
	v37 =	vadd.f32 v59, v37;
	v50 =	vmul.f32 $1.562500000e-02, v50  }
0x3d1: {  	v39 =	vadd.f32 v60, v39;
	v63 =	vmul.f32 v49, v49;
	v54 =	vmul.f32 v58, v51  }
0x3d2: {  	v44 =	vadd.f32 v44, v57;
	v61 =	vperm.xlane v48, v3;
	v37 =	vmul.f32 $1.562500000e-02, v37  }
0x3d3: {  	v39 =	vmul.f32 $1.562500000e-02, v39;
	v57 =	vmul.f32 v50, v50;
	v62 =	vsub.f32 $1.500000000e+00, v54  }
0x3d4: {  	v52 =	vmul.f32 $1.562500000e-02, v44;
	v48 =	vadd.f32 v61, v48;
	v37 =	vsub.f32 v37, v63  }
0x3d5: {  	v21 =	vmul.f32 v30, v21;
	v39 =	vsub.f32 v39, v57;
	v51 =	vmul.f32 v62, v51  }
0x3d6: {  	v58 =	vmul.f32 v52, v52;
	v48 =	vmul.f32 $1.562500000e-02, v48;
	v37 =	vadd.f32 $9.999999740e-06, v37  }
0x3d7: {  	v56 =	vsub.f32 v12, v46;
	v39 =	vadd.f32 $9.999999740e-06, v39;
	v36 =	vmul.f32 v51, v36  }
0x3d8: {  	v54 =	vmul.f32 v32, v13;
	v13 =	vsub.f32 v48, v58;
	v59 =	vshrl.u32 v37, $0x1  }
0x3d9: {  	v37 =	vmul.f32 $5.000000000e-01, v37;
	v61 =	vshrl.u32 v39, $0x1;
	v36 =	vmul.f32 v36, v51  }
0x3da: {  	v44 =	vmul.f32 $5.000000000e-01, v39;
	v48 =	vsub.s32 $0x5F3759DF, v59;
	v13 =	vadd.f32 $9.999999740e-06, v13  }
0x3db: {  	v55 =	vsub.s32 $0x5F3759DF, v61;
	v60 =	vmul.f32 v48, v37;
	v36 =	vsub.f32 $1.500000000e+00, v36  }
0x3dc: {  	v62 =	vshrl.u32 v13, $0x1;
	v39 =	vmul.f32 $5.000000000e-01, v13;
	v13 =	vmul.f32 v55, v44  }
0x3dd: {  	v53 =	vmul.f32 v48, v60;
	v36 =	vmul.f32 v36, v51;
	v51 =	vsub.s32 $0x5F3759DF, v62  }
0x3de: {  	v29 =	vsub.f32 v29, v46;
	v60 =	vmul.f32 v55, v13;
	v63 =	vmul.f32 v51, v39  }
0x3df: {  	s13 =	simm.s32 $0x14480;
	v20 =	vmul.f32 v10, v20;
	v28 =	vsub.f32 v28, v46;
	v61 =	vsub.f32 $1.500000000e+00, v53  }
0x3e0: {  	[tilespmem:s13+$0x70] =	vst v15;
	v12 =	vsub.f32 v45, v50;
	v45 =	vsub.f32 $1.500000000e+00, v60;
	v62 =	vmul.f32 v51, v63  }
0x3e1: {  	[tilespmem:s13+$0x40] =	vst v17;
	v15 =	vsub.f32 v43, v50;
	v17 =	vsub.f32 v41, v50;
	v48 =	vmul.f32 v48, v61  }
0x3e2: {  	[tilespmem:s13+$0x50] =	vst v18;
	v13 =	vsub.f32 v42, v50;
	v43 =	vmul.f32 v55, v45;
	v50 =	vsub.f32 $1.500000000e+00, v62  }
0x3e3: {  	[tilespmem:s13+$0xFFFFFFC0] =	vst v21;
	v21 =	vsub.f32 v27, v46;
	v57 =	vmul.f32 v48, v37;
	v63 =	vmul.f32 v36, v56  }
0x3e4: {  	[tilespmem:s13+$0x60] =	vst v31;
	v22 =	vsub.f32 v22, v49;
	v56 =	vmul.f32 v32, v16;
	v32 =	vmul.f32 v51, v50  }
0x3e5: {  	[tilespmem:s13+$0xFFFFFF80] =	vst v33;
	v19 =	vsub.f32 v19, v49;
	v11 =	vsub.f32 v11, v49;
	v58 =	vmul.f32 v43, v44  }
0x3e6: {  	[tilespmem:s13+$0xFFFFFF90] =	vst v47;
	v16 =	vsub.f32 v38, v52;
	v38 =	vmul.f32 v57, v48;
	v59 =	vmul.f32 v32, v39  }
0x3e7: {  	s12 =	simm.s32 $0x14580;
	v14 =	vsub.f32 v14, v49;
	v33 =	vsub.f32 v34, v52;
	[tilespmem:s13+$0xFFFFFFA0] =	vst v54;
	v34 =	vmul.f32 v58, v43  }
0x3e8: {  	[tilespmem:s12+$0x70] =	vst v63;
	v62 =	vmul.f32 v30, v23;
	v60 =	vsub.f32 $1.500000000e+00, v38;
	v61 =	vmul.f32 v59, v32  }
0x3e9: {  	v18 =	vsub.f32 v35, v52;
	[tilespmem:s13+$0xFFFFFFB0] =	vst v56;
	v63 =	vmul.f32 v30, v25;
	v34 =	vsub.f32 $1.500000000e+00, v34  }
0x3ea: {  	v25 =	vmul.f32 v30, v26;
	[tilespmem:s13+$0xFFFFFFD0] =	vst v62;
	v23 =	vmul.f32 v60, v48;
	v27 =	vsub.f32 $1.500000000e+00, v61  }
0x3eb: {  	s14 =	simm.s32 $0x4;
	s15 =	simm.s32 $0xC680;
	v31 =	vsub.f32 v40, v52;
	v26 =	vmul.f32 v10, v24;
	[tilespmem:s13+$0xFFFFFFE0] =	vst v63;
	v24 =	vmul.f32 v34, v43  }
.LBB2_9:
0x3ec: {  	v30 =	vld [tilespmem:s15+$0x40];
	v34 =	vmul.f32 v23, v37;
	v27 =	vmul.f32 v27, v32;
	[tilespmem:s13+$0xFFFFFFF0] =	vst v25  }
0x3ed: {  	v35 =	vmul.f32 v10, v9;
	v9 =	vmov v33;
	v32 =	vld [tilespmem:s15+$0x50];
	v25 =	vmul.f32 v24, v44;
	[tilespmem:s13+$0x0] =	vst v26  }
0x3ee: {  	v26 =	vld [tilespmem:s15+$0x60];
	v33 =	vmul.f32 v34, v23;
	v34 =	vmul.f32 v27, v39;
	[tilespmem:s13+$0x10] =	vst v20  }
0x3ef: {  	v10 =	vmul.f32 v10, v8;
	v8 =	vmov v31;
	v37 =	vld [tilespmem:s15+$0x70];
	v20 =	vmul.f32 v25, v24;
	[tilespmem:s13+$0x20] =	vst v35  }
0x3f0: {  	s14 =	sadd.s32 $0x4, s14;
	v29 =	vmul.f32 v36, v29;
	v31 =	vld [tilespmem:s15+$0xFFFFFF90];
	v25 =	vsub.f32 $1.500000000e+00, v33;
	v33 =	vmul.f32 v34, v27  }
0x3f1: {  	v28 =	vmul.f32 v36, v28;
	p0 =	slt.u32 s14, $0x7C;
	v35 =	vmul.f32 v36, v21;
	v34 =	vld [tilespmem:s15+$0xFFFFFFA0];
	v20 =	vsub.f32 $1.500000000e+00, v20;
	[tilespmem:s13+$0x30] =	vst v10;
	s13 =	smov.u32 s12  }
0x3f2: {  	v38 =	vld [tilespmem:s15+$0xFFFFFFB0];
	v25 =	vmul.f32 v25, v23;
	v10 =	vsub.f32 $1.500000000e+00, v33;
	[tilespmem:s12+$0x40] =	vst v29  }
0x3f3: {  	v23 =	vadd.f32 v30, v4;
	v21 =	vadd.f32 v32, v5;
	v29 =	vld [tilespmem:s15+$0xFFFFFFC0];
	v20 =	vmul.f32 v20, v24;
	[tilespmem:s12+$0x50] =	vst v28  }
0x3f4: {  	v24 =	vadd.f32 v26, v6;
	v30 =	vld [tilespmem:s15+$0xFFFFFFD0];
	v26 =	vadd.f32 v37, v7;
	v10 =	vmul.f32 v10, v27;
	[tilespmem:s12+$0x60] =	vst v35  }
0x3f5: {  	v22 =	vmul.f32 v25, v22;
	v36 =	vadd.f32 v31, v5;
	v27 =	vld [tilespmem:s15+$0xFFFFFFE0];
	v31 =	vmul.f32 v23, v23  }
0x3f6: {  	v33 =	vmul.f32 v21, v21;
	v35 =	vadd.f32 v21, v23;
	v32 =	vld [tilespmem:s15+$0xFFFFFFF0];
	v39 =	vadd.f32 v26, v24  }
0x3f7: {  	v37 =	vadd.f32 v34, v6;
	v34 =	vmul.f32 v24, v24;
	v41 =	vmul.f32 v26, v26;
	v40 =	vld [tilespmem:s15+$0x0];
	[tilespmem:s12+$0xFFFFFF80] =	vst v22  }
0x3f8: {  	v28 =	vadd.f32 v38, v7;
	v38 =	vmul.f32 v36, v36;
	v22 =	vld [tilespmem:s15+$0x10];
	v39 =	vadd.f32 v39, v35  }
0x3f9: {  	v31 =	vadd.f32 v33, v31;
	v42 =	vmul.f32 v37, v37;
	v34 =	vadd.f32 v41, v34;
	v43 =	vld [tilespmem:s15+$0x20]  }
0x3fa: {  	v35 =	vadd.f32 v29, v4;
	v41 =	vmul.f32 v28, v28;
	v29 =	vadd.f32 v30, v5;
	v44 =	vld [tilespmem:s15+$0x30]  }
0x3fb: {  	v33 =	vadd.f32 v27, v6;
	v30 =	vperm.xlane v39, v0;
	v46 =	vadd.f32 v34, v31;
	v45 =	vld [tilespmem:s15+$0xFFFFFF80]  }
0x3fc: {  	v47 =	vmul.f32 v35, v35;
	v34 =	vadd.f32 v32, v7;
	v31 =	vadd.f32 v40, v4  }
0x3fd: {  	v39 =	vadd.f32 v39, v30;
	v27 =	vadd.f32 v22, v5;
	v22 =	vperm.xlane v46, v0  }
0x3fe: {  	v48 =	vmul.f32 v29, v29;
	v40 =	vadd.f32 v28, v37;
	v30 =	vadd.f32 v43, v6  }
0x3ff: {  	v43 =	vperm.xlane v39, v1;
	v32 =	vadd.f32 v44, v7;
	v44 =	vadd.f32 v22, v46  }
0x400: {  	v46 =	vmul.f32 v34, v34;
	v22 =	vadd.f32 v45, v4;
	v45 =	vmul.f32 v33, v33  }
0x401: {  	v49 =	vadd.f32 v29, v35;
	v39 =	vadd.f32 v39, v43;
	v43 =	vperm.xlane v44, v1  }
0x402: {  	v52 =	vadd.f32 v34, v33;
	v50 =	vmul.f32 v22, v22;
	v51 =	vadd.f32 v36, v22  }
0x403: {  	v53 =	vmul.f32 v31, v31;
	v54 =	vperm.xlane v39, v2;
	v43 =	vadd.f32 v43, v44  }
0x404: {  	v56 =	vadd.f32 v27, v31;
	v55 =	vmul.f32 v30, v30;
	v44 =	vmul.f32 v27, v27  }
0x405: {  	v57 =	vmul.f32 v32, v32;
	v39 =	vadd.f32 v39, v54;
	v54 =	vperm.xlane v43, v2  }
0x406: {  	v19 =	vmul.f32 v25, v19;
	v40 =	vadd.f32 v40, v51;
	v51 =	vadd.f32 v32, v30  }
0x407: {  	v50 =	vadd.f32 v38, v50;
	v38 =	vperm.xlane v39, v3;
	v43 =	vadd.f32 v54, v43  }
0x408: {  	v41 =	vadd.f32 v41, v42;
	v42 =	vadd.f32 v52, v49;
	v54 =	vperm.xlane v40, v0;
	[tilespmem:s12+$0xFFFFFF90] =	vst v19  }
0x409: {  	v19 =	vadd.f32 v48, v47;
	v38 =	vadd.f32 v39, v38;
	v39 =	vperm.xlane v43, v3  }
0x40a: {  	v45 =	vadd.f32 v46, v45;
	v46 =	vadd.f32 v51, v56;
	v47 =	vperm.xlane v42, v0  }
0x40b: {  	v44 =	vadd.f32 v44, v53;
	v38 =	vmul.f32 $1.562500000e-02, v38;
	v39 =	vadd.f32 v39, v43  }
0x40c: {  	v41 =	vadd.f32 v41, v50;
	v48 =	vadd.f32 v57, v55;
	v43 =	vperm.xlane v46, v0  }
0x40d: {  	v19 =	vadd.f32 v45, v19;
	v45 =	vmul.f32 v38, v38;
	v39 =	vmul.f32 $1.562500000e-02, v39  }
0x40e: {  	v49 =	vperm.xlane v41, v0;
	v40 =	vadd.f32 v40, v54;
	v44 =	vadd.f32 v48, v44  }
0x40f: {  	v42 =	vadd.f32 v42, v47;
	v47 =	vperm.xlane v19, v0;
	v39 =	vsub.f32 v39, v45  }
0x410: {  	v43 =	vadd.f32 v46, v43;
	v46 =	vperm.xlane v44, v0;
	v45 =	vperm.xlane v40, v1  }
0x411: {  	v41 =	vadd.f32 v49, v41;
	v48 =	vperm.xlane v42, v1;
	v39 =	vadd.f32 $9.999999740e-06, v39  }
0x412: {  	v19 =	vadd.f32 v47, v19;
	v47 =	vperm.xlane v43, v1;
	v44 =	vadd.f32 v46, v44  }
0x413: {  	v40 =	vadd.f32 v40, v45;
	v45 =	vshrl.u32 v39, $0x1;
	v39 =	vmul.f32 $5.000000000e-01, v39  }
0x414: {  	v42 =	vadd.f32 v42, v48;
	v46 =	vperm.xlane v41, v1;
	v45 =	vsub.s32 $0x5F3759DF, v45  }
0x415: {  	v48 =	vperm.xlane v19, v1;
	v43 =	vadd.f32 v43, v47;
	v47 =	vmul.f32 v45, v39  }
0x416: {  	v41 =	vadd.f32 v46, v41;
	v46 =	vperm.xlane v44, v1;
	v49 =	vperm.xlane v40, v2  }
0x417: {  	v50 =	vperm.xlane v42, v2;
	v19 =	vadd.f32 v48, v19;
	v47 =	vmul.f32 v45, v47  }
0x418: {  	v48 =	vperm.xlane v43, v2;
	v44 =	vadd.f32 v46, v44;
	v40 =	vadd.f32 v40, v49  }
0x419: {  	v42 =	vadd.f32 v42, v50;
	v46 =	vperm.xlane v41, v2;
	v47 =	vsub.f32 $1.500000000e+00, v47  }
0x41a: {  	v49 =	vperm.xlane v19, v2;
	v43 =	vadd.f32 v43, v48;
	v48 =	vperm.xlane v44, v2  }
0x41b: {  	v41 =	vadd.f32 v46, v41;
	v50 =	vperm.xlane v40, v3;
	v45 =	vmul.f32 v45, v47  }
0x41c: {  	v46 =	vperm.xlane v42, v3;
	v19 =	vadd.f32 v49, v19;
	v47 =	vperm.xlane v43, v3  }
0x41d: {  	v44 =	vadd.f32 v48, v44;
	v40 =	vadd.f32 v40, v50;
	v48 =	vmul.f32 v45, v39  }
0x41e: {  	v49 =	vperm.xlane v41, v3;
	v42 =	vadd.f32 v42, v46;
	v46 =	vperm.xlane v19, v3  }
0x41f: {  	v43 =	vadd.f32 v43, v47;
	v47 =	vperm.xlane v44, v3;
	v48 =	vmul.f32 v48, v45  }
0x420: {  	v41 =	vadd.f32 v49, v41;
	v42 =	vmul.f32 $1.562500000e-02, v42;
	v40 =	vmul.f32 $1.562500000e-02, v40  }
0x421: {  	v19 =	vadd.f32 v46, v19;
	v43 =	vmul.f32 $1.562500000e-02, v43;
	v46 =	vsub.f32 $1.500000000e+00, v48  }
0x422: {  	v41 =	vmul.f32 $1.562500000e-02, v41;
	v44 =	vadd.f32 v47, v44;
	v48 =	vmul.f32 v40, v40  }
0x423: {  	v22 =	vsub.f32 v22, v40;
	v47 =	vmul.f32 $1.562500000e-02, v19;
	v45 =	vmul.f32 v46, v45  }
0x424: {  	v44 =	vmul.f32 $1.562500000e-02, v44;
	v41 =	vsub.f32 v41, v48;
	v46 =	vmul.f32 v42, v42  }
0x425: {  	v19 =	vsub.f32 v36, v40;
	v36 =	vmul.f32 v43, v43;
	v39 =	vmul.f32 v45, v39  }
0x426: {  	v41 =	vadd.f32 $9.999999740e-06, v41;
	v46 =	vsub.f32 v47, v46;
	v47 =	vmul.f32 v25, v11  }
0x427: {  	v36 =	vsub.f32 v44, v36;
	v11 =	vsub.f32 v37, v40;
	v39 =	vmul.f32 v39, v45  }
0x428: {  	v44 =	vshrl.u32 v41, $0x1;
	v37 =	vmul.f32 $5.000000000e-01, v41;
	v41 =	vadd.f32 $9.999999740e-06, v46;
	[tilespmem:s12+$0xFFFFFFA0] =	vst v47  }
0x429: {  	v46 =	vsub.s32 $0x5F3759DF, v44;
	v47 =	vadd.f32 $9.999999740e-06, v36;
	v36 =	vsub.f32 $1.500000000e+00, v39  }
0x42a: {  	v48 =	vmul.f32 v46, v37;
	v39 =	vshrl.u32 v41, $0x1;
	v44 =	vmul.f32 $5.000000000e-01, v41  }
0x42b: {  	v26 =	vsub.f32 v26, v38;
	v41 =	vshrl.u32 v47, $0x1;
	v36 =	vmul.f32 v36, v45  }
0x42c: {  	v45 =	vsub.s32 $0x5F3759DF, v39;
	v41 =	vsub.s32 $0x5F3759DF, v41;
	v39 =	vmul.f32 $5.000000000e-01, v47  }
0x42d: {  	v28 =	vsub.f32 v28, v40;
	v40 =	vmul.f32 v45, v44;
	v26 =	vmul.f32 v36, v26  }
0x42e: {  	v35 =	vsub.f32 v35, v42;
	s12 =	sadd.s32 $0x100, s12;
	v47 =	vmul.f32 v46, v48;
	v48 =	vmul.f32 v41, v39  }
0x42f: {  	v49 =	vsub.f32 v29, v42;
	v50 =	vsub.f32 v33, v42;
	v40 =	vmul.f32 v45, v40;
	[tilespmem:s12+$0x70] =	vst v26  }
0x430: {  	v34 =	vsub.f32 v34, v42;
	v26 =	vsub.f32 $1.500000000e+00, v47;
	v29 =	vmul.f32 v41, v48  }
0x431: {  	v25 =	vmul.f32 v25, v14;
	v14 =	vmovc v28;
	v33 =	vsub.f32 $1.500000000e+00, v40;
	v40 =	vsub.f32 v31, v43  }
0x432: {  	v42 =	vsub.f32 v27, v43;
	v26 =	vmul.f32 v46, v26;
	v28 =	vsub.f32 $1.500000000e+00, v29  }
0x433: {  	v31 =	vsub.f32 v32, v43;
	v45 =	vmul.f32 v45, v33;
	v33 =	vsub.f32 v30, v43;
	[tilespmem:s13+$0xFFFFFFB0] =	vst v25  }
0x434: {  	v29 =	vsub.f32 v23, v38;
	v25 =	vmul.f32 v26, v37;
	v32 =	vmul.f32 v41, v28  }
0x435: {  	v28 =	vsub.f32 v21, v38;
	v21 =	vsub.f32 v24, v38;
	v23 =	vmul.f32 v45, v44  }
0x436: {  	v24 =	vmul.f32 v25, v26;
	v25 =	vmul.f32 v32, v39  }
.Ltmp3:
0x437: {  	v27 =	vmul.f32 v20, v12;
	v12 =	vmov v35;
	v23 =	vmul.f32 v23, v45;
	(pc) =	sbr.rel @p0 .LBB2_9-.Ltmp3, $4  }
0x438: {  	v35 =	vmul.f32 v20, v13;
	v13 =	vmovc v49;
	v24 =	vsub.f32 $1.500000000e+00, v24;
	v30 =	vmul.f32 v25, v32  }
0x439: {  	v41 =	vmul.f32 v20, v15;
	v15 =	vmovc v50;
	v25 =	vmul.f32 v20, v17;
	v38 =	vsub.f32 $1.500000000e+00, v23;
	[tilespmem:s13+$0xFFFFFFC0] =	vst v27  }
0x43a: {  	v17 =	vmovc v34;
	v23 =	vmul.f32 v24, v26;
	v27 =	vsub.f32 $1.500000000e+00, v30;
	v26 =	vmul.f32 v10, v18;
	[tilespmem:s13+$0xFFFFFFD0] =	vst v35  }
0x43b: {  	s15 =	sadd.s32 $0x100, s15;
	v20 =	vmul.f32 v10, v16;
	v16 =	vmovc v42;
	v18 =	vmov v40;
	v24 =	vmul.f32 v38, v45;
	[tilespmem:s13+$0xFFFFFFE0] =	vst v41  }
0x43c: {  	v4 =	vmul.f32 v23, v37;
	_ =	sdelay $0x1  }
0x43d: {  	[tilespmem:s13+$0xFFFFFFF0] =	vst v25;
	v4 =	vmul.f32 v4, v23  }
0x43e: {  	v6 =	vmul.f32 v10, v9;
	[tilespmem:s13+$0x0] =	vst v26;
	v7 =	vmul.f32 v27, v32  }
0x43f: {  	v8 =	vmul.f32 v10, v8;
	v5 =	vmul.f32 v24, v44;
	[tilespmem:s13+$0x10] =	vst v20;
	v4 =	vsub.f32 $1.500000000e+00, v4  }
0x440: {  	v54 =	vmul.f32 v36, v29;
	v55 =	vmul.f32 v36, v28;
	[tilespmem:s13+$0x20] =	vst v6  }
0x441: {  	[tilespmem:s13+$0x30] =	vst v8;
	v5 =	vmul.f32 v5, v24;
	v4 =	vmul.f32 v4, v23  }
0x442: {  	v57 =	vmul.f32 v36, v21;
	v56 =	vmul.f32 v7, v39;
	[tilespmem:s12+$0x40] =	vst v54  }
0x443: {  	[tilespmem:s12+$0x50] =	vst v55;
	v5 =	vsub.f32 $1.500000000e+00, v5;
	v58 =	vmul.f32 v4, v22  }
0x444: {  	[tilespmem:s12+$0x60] =	vst v57;
	v8 =	vmul.f32 v56, v7;
	v59 =	vmul.f32 v4, v19  }
0x445: {  	v5 =	vmul.f32 v5, v24;
	v60 =	vmul.f32 v4, v11;
	[tilespmem:s12+$0xFFFFFF80] =	vst v58  }
0x446: {  	v4 =	vmul.f32 v4, v14;
	[tilespmem:s12+$0xFFFFFF90] =	vst v59  }
0x447: {  	v8 =	vsub.f32 $1.500000000e+00, v8;
	v61 =	vmul.f32 v5, v12;
	[tilespmem:s12+$0xFFFFFFA0] =	vst v60  }
0x448: {  	v62 =	vmul.f32 v5, v15;
	[tilespmem:s12+$0xFFFFFFB0] =	vst v4  }
0x449: {  	v7 =	vmul.f32 v8, v7;
	v4 =	vmul.f32 v5, v13;
	[tilespmem:s12+$0xFFFFFFC0] =	vst v61  }
0x44a: {  	v5 =	vmul.f32 v5, v17;
	[tilespmem:s12+$0xFFFFFFE0] =	vst v62  }
0x44b: {  	v63 =	vmul.f32 v7, v16;
	[tilespmem:s12+$0xFFFFFFD0] =	vst v4  }
0x44c: {  	v4 =	vmul.f32 v7, v18;
	[tilespmem:s12+$0xFFFFFFF0] =	vst v5  }
0x44d: {  	s1 =	sadd.s32 $0x1, s1;
	v5 =	vmul.f32 v7, v33;
	[tilespmem:s12+$0x10] =	vst v63  }
0x44e: {  	p0 =	sne.s32 s1, $0x32;
	[tilespmem:s12+$0x0] =	vst v4;
	v4 =	vmul.f32 v7, v31  }
.Ltmp4:
0x44f: {  	s8 =	sadd.s32 @!p1 $0x380, s8;
	s0 =	sshll.u32 s0, $0x3;
	[tilespmem:s12+$0x20] =	vst v5;
	(pc) =	sbr.rel @p0 .LBB2_2-.Ltmp4, $4  }
0x450: {  	s0 =	sand.u32 $0x1FFFFC00, s0;
	s13 =	simm.s32 @!p1 $0xC400;
	[tilespmem:s12+$0x30] =	vst v4;
	s12 =	simm.s32 @!p1 $0x80  }
0x451: {  	[tilespmem:s13], [sflag:$0x4] =	stream.indirect.gather @!p1 [hbm4b:s5+s12], $0x40, s8, s12, $0xb8;
	[tilespmem:$0x19600] =	vst v63  }
0x452: {  	s0 =	sadd.s32 s2, s0  }
0x453: {  	[hbm4b:s0+s3] =	stream.linear.scatter [tilespmem:s25], [sflag:$0x8], $0x2000, $0x38;
	[tilespmem:$0x19600] =	vst v63  }
0x454: {  	_ =	swait.ge [sflag:s26], $0x2000  }
0x455: {  	[sflag:s26] =	ssyncset.done $0x0  }
0x456: {  	[sflag:s26] =	ssyncadd.s32 $0xFFFFE000  }
0x457: {  	_ =	swait.ge [sflag:s28], $0x2000  }
0x458: {  	[sflag:s28] =	ssyncset.done $0x0  }
0x459: {  	s31 =	sadd.s32 $0x1, s31;
	[sflag:s28] =	ssyncadd.s32 $0xFFFFE000  }
0x45a: {  	p0 =	sne.s32 s31, s9;
	_ =	swait.ge [sflag:s29], $0x2000  }
.Ltmp5:
0x45b: {  	[sflag:s29] =	ssyncset.done $0x0;
	(pc) =	sbr.rel @p0 .LBB2_1-.Ltmp5, $4  }
0x45c: {  	[sflag:s29] =	ssyncadd.s32 $0xFFFFE000  }
0x45d: {  	_ =	swait.ge [sflag:s30], $0x2000  }
0x45e: {  	[sflag:s30] =	ssyncset.done $0x0  }
0x45f: {  	[sflag:s30] =	ssyncadd.s32 $0xFFFFE000  }
0x460: {  	_ =	sfence.sel $0x180000  }
0x461: {  	[bflag:$0x0] =	sbarrier.arrive $0xFFFF  }
0x462: {  	_ =	strace $0x90000047  }
0x463: {  	s0 =	stileid.u32;
	[bflag:$0x2] =	sbarrier.arrive $0xFFFF  }
0x464: {  	p0 =	sne.s32 s0, $0x0;
	s0 =	rddreg [dreg:$0x2]  }
0x465: {  	s0 =	sadd.s32 @!p0 $0x100000, s0  }
0x466: {  	[sflag:s0] =	ssyncadd.tile.s32 @!p0 $0x1;
	_ =	shalt  }
.Lfunc_end2:
_tile_overlayer_lowered:
.L_overlay_start_2:
0x467: {  	(tag) =	ssettag $0x2  }
0x468: {  	s0 =	rddreg [dreg:$0x0];
	s2 =	stileid.u32  }
0x469: {  	s1 =	rddreg [dreg:$0x1];
	p0 =	sne.s32 s2, $0x0  }
0x46a: {  	s3 =	rddreg [dreg:$0x2];
	[bflag:$0x3] =	sbarrier.arrive $0xFFFF;
	s2 =	simm.s32 @!p0 $0x1C09  }
0x46b: {  	[timem:s3], [sflag:s2] =	dma.local @!p0 [hbm:s0], s1  }
0x46c: {  	s0 =	simm.s32 @!p0 $0x9  }
0x46d: {  	_ =	swait.ge @!p0 [sflag:s0], s1  }
0x46e: {  	s1 =	ssub.s32 @!p0 $0x0, s1;
	[sflag:s0] =	ssyncset.done @!p0 $0x0  }
0x46f: {  	[sflag:s0] =	ssyncadd.s32 @!p0 s1  }
0x470: {  	[bflag:$0x3] =	sbarrier.arrive $0xFFFF  }
0x471: {  	_ =	shalt  }

// kernel: sparse-core-data-format-call.cloned.1.call-start
scs
called_computation_lowered:
.L_overlay_start_0:
0x0: {  	s2 =	sld [smem:$0x3FD9]  }
0x1: {  	s3 =	sld [smem:$0x3FFE];
	_ =	sdelay $0x1  }
0x2: {  	s1 =	srdreg.scid  }
0x3: {  	s0 =	sand.u32 $0x1, s1  }
0x4: {  	s18 =	sshll.u32 s0, $0xA;
	s2 =	sadd.s32 s3, s2  }
0x5: {  	s2 =	sadd.s32 s2, s18  }
0x6: {  	[smem:$0x3FC5] =	sst s2  }
0x7: {  	_ = 	snop  }
0x8: {  	s2 =	sld [smem:$0x3FD0];
	(tm) =	ssettm $0x1  }
0x9: {  	s19 =	sld [smem:$0x3FFB];
	_ =	sdelay $0x3  }
0xa: {  	_ =	strace s19  }
0xb: {  	s3 =	sld [smem:$0x3FFC];
	_ =	sdelay $0x3  }
0xc: {  	_ =	strace s3  }
0xd: {  	s3 =	sld [smem:$0x3FFD];
	_ =	sdelay $0x3  }
0xe: {  	_ =	strace s3  }
0xf: {  	_ =	strace $0x8FFFFFFF  }
0x10: {  	s20 =	sld [smem:$0x3FDB];
	_ =	sdelay $0x1  }
0x11: {  	s4 =	simm.s32 $_scs_section_size  }
0x12: {  	s5 =	simm.s32 $_size__tile_overlayer_lowered;
	s6 =	simm.s32 $_tile_overlayer_lowered  }
0x13: {  	s23 =	simm.s32 $0x1BFF;
	s22 =	sshll.u32 s6, $0x1;
	s3 =	sadd.s32 s4, s20  }
0x14: {  	s7 =	simm.s32 $0x0;
	s21 =	sshll.u32 s5, $0x1;
	s5 =	sadd.s32 s22, s3  }
0x15: {  	[timem:s7], [sflag:s23] =	dma.local [hbm:s5], s21  }
0x16: {  	_ =	swait.ge [sflag:s23], s21  }
0x17: {  	s4 =	ssub.s32 $0x0, s21;
	[sflag:s23] =	ssyncset.done $0x0  }
0x18: {  	[sflag:s23] =	ssyncadd.s32 s4;
	_ =	sdelay $0x1  }
0x19: {  	s24 =	simm.s32 $0x1B8B  }
0x1a: {  	_ =	swait.ge [sflag:s24], $0x1  }
0x1b: {  	[sflag:s24] =	ssyncset.done $0x0  }
0x1c: {  	s26 =	simm.s32 $0x1B8E;
	s25 =	sld [smem:$0x3FFE];
	[sflag:s24] =	ssyncadd.s32 $0xFFFFFFFF  }
0x1d: {  	s27 =	simm.s32 $execute0_lowered;
	[smem:$0x3FD2] =	sst s26  }
0x1e: {  	s5 =	sshll.u32 s27, $0x1;
	_ =	strace $0x80000049;
	[dreg:$0x1] =	wrdreg $0xFFFFFFFF  }
0x1f: {  	s28 =	simm.s32 $_size_execute0_lowered;
	s3 =	sadd.s32 s3, s5;
	[dreg:$0x0] =	wrdreg $0x0  }
0x20: {  	s5 =	sshll.u32 s28, $0x1;
	[dreg:$0x2] =	wrdreg s3  }
0x21: {  	[dreg:$0x3] =	wrdreg s5  }
0x22: {  	[dreg:$0x4] =	wrdreg $0xC0  }
0x23: {  	_ =	task [dreg:s7], $0x5FFFF  }
0x24: {  	[dreg:$0x1] =	wrdreg $0xFFFFFFFF  }
0x25: {  	[dreg:$0x0] =	wrdreg $0x60  }
0x26: {  	[dreg:$0x2] =	wrdreg s25  }
0x27: {  	[dreg:$0x3] =	wrdreg s2  }
0x28: {  	[dreg:$0x4] =	wrdreg $0x9  }
0x29: {  	_ =	task.clear_ibuf [dreg:s7], $0x5FFFF;
	_ =	strace $0x90000049  }
0x2a: {  	s29 =	simm.s32 $0x9;
	_ =	strace $0x8000004B  }
0x2b: {  	_ =	swait.ge [sflag:s29], $0x1  }
0x2c: {  	[sflag:s29] =	ssyncadd.s32 $0xFFFFFFFF  }
0x2d: {  	_ =	strace $0x9000004B  }
0x2e: {  	_ =	sfence  }
0x2f: {  	s30 =	sld [smem:$0x0];
	_ =	sdelay $0x2  }
0x30: {  	s31 =	sshll.u32 s1, $0xD;
	s1 =	sshrl.u32 s1, $0x2  }
0x31: {  	s3 =	sand.u32 $0x4000, s31;
	s1 =	sadd.s32 s1, s30  }
0x32: {  	s0 =	sor.u32 s3, s0;
	s1 =	sshll.u32 s1, $0x11  }
0x33: {  	s0 =	sor.u32 s1, s0  }
0x34: {  	s0 =	sadd.s32 $0x8F2B, s0  }
0x35: {  	[sflag:s0] =	ssyncadd.remote.s32 $0x1  }
0x36: {  	_ =	sfence.sel $0xFFFF  }
0x37: {  	[dreg:$0x0] =	wrdreg $0xFFFFFFFF;
	(pc) =	sbr.abs _section_cstart, $3  }
0x38: {  	[dreg:$0x1] =	wrdreg $0xFFFFFFFF  }
0x39: {  	_ =	task.clear_ibuf [dreg:s7], $0x2FFFF;
	_ =	strace $0x9FFFFFFF  }
0x3a: {  	(tm) =	ssettm $0x7FFFFFFF  }
0x3b: {  	_ =	shalt  }
tec
execute0_lowered:
.L_overlay_start_1:
0x0: {  	(tag) =	ssettag $0x1  }
0x1: {  	s0 =	srdreg.scid  }
0x2: {  	s1 =	sshll.u32 s0, $0x4  }
0x3: {  	s5 =	rddreg [dreg:$0x0];
	s0 =	stileid.u32;
	s1 =	sand.u32 $0x10, s1  }
0x4: {  	s3 =	rddreg [dreg:$0x1];
	s31 =	simm.s32 $0x2;
	s4 =	sor.u32 s0, s1  }
0x5: {  	s13 =	simm.s32 $0x0;
	s9 =	simm.s32 $0x400;
	s2 =	sshll.u32 s4, $0x7  }
0x6: {  	s10 =	simm.s32 $0x8000;
	s14 =	simm.s32 $0x0;
	s6 =	ssub.s32 $0x1000, s2  }
0x7: {  	s1 =	rddreg [dreg:$0x2];
	_ =	strace $0x8000004A;
	s7 =	sand.u32 $0xF80, s6  }
0x8: {  	s4 =	sshll.u32 s4, $0xB;
	p0 =	sne.s32 s7, $0x0;
	s7 =	simm.s32 $0x1  }
.Ltmp0:
0x9: {  	s6 =	sshrl.u32 s6, $0xC;
	s7 =	simm.s32 @!p0 $0x0;
	(pc) =	sbr.rel .LBB1_1-.Ltmp0, $4  }
0xa: {  	s8 =	sadd.s32 s4, s5;
	s4 =	simm.s32 $0x1;
	s30 =	sadd.s32 s7, s6  }
0xb: {  	s11 =	simm.s32 $0x0;
	[sflag:s4] =	ssyncpa.u1 $0x0;
	s5 =	smul.u32 $0x64, s30  }
0xc: {  	s12 =	simm.s32 $0x0;
	[sflag:s31] =	ssyncpa.u1 $0x0;
	p0 =	por $0x0, $0x0  }
0xd: {  	s6 =	sadd.s32 $0xC00, s8;
	s7 =	sadd.s32 $0x10C00, s8;
	s8 =	sor.u32 $0x1, s5  }
.LBB1_7:
0xe: {  	s15 =	sadd.s32 $0x2, s11  }
0xf: {  	p2 =	sgt.s32 s15, $0xC7  }
0x10: {  	s15 =	simm.s32 @p2 $0x0;
	p2 =	sne.s32 s12, s8  }
.Ltmp1:
0x11: {  	p1 =	slt.u32 s12, $0x2;
	(pc) =	sbr.rel @!p2 .LBB1_8-.Ltmp1, $4  }
0x12: {  	s13 =	simm.s32 @!p1 $0x2  }
0x13: {  	s16 =	sadd.s32 $0x1, s12;
	s14 =	smov.u32 s11;
	_ =	swait.ge @!p1 [sflag:s13], $0x4000  }
0x14: {  	p0 =	por !p0, !p0;
	s12 =	smov.u32 s16;
	[sflag:s13] =	ssyncset.done @!p1 $0x0  }
0x15: {  	s11 =	smov.u32 s15;
	[sflag:s13] =	ssyncadd.s32 @!p1 $0xFFFFC000;
	s13 =	smov.u32 s2  }
.LBB1_1:
0x16: {  	p1 =	sge.u32 s12, s5  }
0x17: {  	s15 =	sxor.u32 @!p1 $0xFFFFFFFF, s12  }
0x18: {  	s16 =	sshll.u32 @!p1 s11, $0x10;
	s18 =	simm.s32 @!p1 $0x40;
	s15 =	sshll.u32 @!p1 s15, $0xE  }
0x19: {  	s19 =	simm.s32 @!p1 $0x80;
	s17 =	sadd.s32 @!p1 s16, s6;
	s15 =	sand.u32 @!p1 $0x4000, s15  }
0x1a: {  	[tilespmem:s15], [sflag:$0x1] =	stream.strided.gather @!p1 [hbm4b:s17+s18], $0x2000, s19, s18, $0x38;
	[tilespmem:$0x10100] =	vst v63  }
0x1b: {  	s31 =	sadd.s32 $0xFFFFFFFF, s12;
	s16 =	sadd.s32 @!p1 s16, s7;
	s15 =	sor.u32 @!p1 $0x2000, s15  }
0x1c: {  	[tilespmem:s15], [sflag:$0x1] =	stream.strided.gather @!p1 [hbm4b:s16+s18], $0x2000, s19, s18, $0x38;
	[tilespmem:$0x10100] =	vst v63  }
0x1d: {  	p1 =	sge.u32 s31, s5  }
.Ltmp2:
0x1e: {  	_ = 	snop;
	(pc) =	sbr.rel @p1 .LBB1_7-.Ltmp2, $1  }
0x1f: {  	_ =	sdelay $0x3  }
0x20: {  	s15 =	simm.s32 $0x1;
	s17 =	sand.u32 $0x1, s12  }
0x21: {  	_ =	swait.ge [sflag:s4], $0x4000;
	s15 =	simm.s32 @!p0 $0x0;
	s17 =	smul.u32 $0x10200, s17  }
0x22: {  	p2 =	por $0x1, $0x1;
	[sflag:s4] =	ssyncset.done $0x0;
	s16 =	smul.u32 $0x10200, s15  }
0x23: {  	s18 =	sshll.u32 s15, $0x10;
	[sflag:s4] =	ssyncadd.s32 $0xFFFFC000;
	s30 =	sshrl.u32 s17, $0x2  }
0x24: {  	s31 =	sshrl.u32 s18, $0x2;
	s18 =	simm.s32 $0x0;
	s16 =	sshrl.u32 s16, $0x2  }
0x25: {  	s15 =	sor.u32 $0x8000, s30;
	s17 =	sadd.s32 $0x20, s31;
	s16 =	sor.u32 $0x8000, s16  }
.LBB1_3:
0x26: {  	s19 =	sshll.u32 s18, $0xD  }
0x27: {  	s19 =	sand.u32 $0x3FFFE000, s19  }
0x28: {  	s21 =	sadd.s32 s19, s17  }
0x29: {  	s31 =	smul.u32 $0x8100, s18;
	v3 =	vld [tilespmem:s21+$0x10]  }
0x2a: {  	v1 =	vld [tilespmem:s21+$0xFFFFFFF0]  }
0x2b: {  	s18 =	sshra.s32 s31, $0x2;
	v0 =	vld [tilespmem:s21+$0x0]  }
0x2c: {  	s18 =	sadd.s32 s18, s16;
	v2 =	vld [tilespmem:s21+$0xFFFFFFE0]  }
0x2d: {  	s19 =	sadd.s32 $0x0, s18  }
0x2e: {  	p1 =	por p2, p2;
	s20 =	simm.s32 $0x4;
	s21 =	sadd.s32 $0x40, s21;
	[tilespmem:s19+$0x1830 ss:$0x81] =	vst.msk $0xffff, v3  }
.LBB1_4:
0x2f: {  	v3 =	vld [tilespmem:s21+$0x10];
	p2 =	sne.s32 s20, $0x1FC;
	[tilespmem:s19+$0x810 ss:$0x81] =	vst.msk $0xffff, v1;
	s22 =	smov.u32 s20;
	s20 =	sadd.s32 $0x4, s20  }
.Ltmp3:
0x30: {  	v1 =	vld [tilespmem:s21+$0xFFFFFFF0];
	[tilespmem:s19+$0x1020 ss:$0x81] =	vst.msk $0xffff, v0;
	(pc) =	sbr.rel @p2 .LBB1_4-.Ltmp3, $4  }
0x31: {  	v0 =	vld [tilespmem:s21+$0x0];
	[tilespmem:s19+$0x0 ss:$0x81] =	vst.msk $0xffff, v2  }
0x32: {  	s19 =	sshra.s32 s22, $0x2;
	v2 =	vld [tilespmem:s21+$0xFFFFFFE0]  }
0x33: {  	s19 =	sadd.s32 s19, s18  }
0x34: {  	s21 =	sadd.s32 $0x40, s21;
	[tilespmem:s19+$0x1830 ss:$0x81] =	vst.msk $0xffff, v3  }
.Ltmp4:
0x35: {  	(pc) =	sbr.rel @p1 .LBB1_3-.Ltmp4, $4  }
0x36: {  	_ = 	snop  }
0x37: {  	[tilespmem:s19+$0x810 ss:$0x81] =	vst.msk $0xffff, v1  }
0x38: {  	[tilespmem:s19+$0x1020 ss:$0x81] =	vst.msk $0xffff, v0  }
0x39: {  	s18 =	simm.s32 $0x1;
	p2 =	por $0x0, $0x0;
	[tilespmem:s19+$0x0 ss:$0x81] =	vst.msk $0xffff, v2  }
.Ltmp5:
0x3a: {  	(pc) =	sbr.rel .LBB1_7-.Ltmp5, $4  }
0x3b: {  	s14 =	sshll.u32 s14, $0xF  }
0x3c: {  	s14 =	sadd.s32 s3, s14  }
0x3d: {  	s13 =	sadd.s32 s13, s14  }
0x3e: {  	[hbm4b:s13+s9] =	stream.strided.scatter [tilespmem:s15], [sflag:$0x2], $0x4000, s10, s9, $0x20;
	[tilespmem:$0x10100] =	vst v63  }
.LBB1_8:
0x3f: {  	_ =	sfence.sel $0x180000  }
0x40: {  	s2 =	simm.s32 $0x1;
	[bflag:$0x0] =	sbarrier.arrive $0xFFFF  }
0x41: {  	s31 =	simm.s32 $0x2;
	[sflag:s2] =	ssyncpa.u1 $0x1  }
0x42: {  	[sflag:s31] =	ssyncpa.u1 $0x1  }
0x43: {  	p0 =	sne.s32 s0, $0x0;
	_ =	strace $0x9000004A  }
0x44: {  	s0 =	sadd.s32 @!p0 $0x100000, s1;
	[bflag:$0x2] =	sbarrier.arrive $0xFFFF  }
0x45: {  	[sflag:s0] =	ssyncadd.tile.s32 @!p0 $0x1;
	_ =	shalt  }
.Lfunc_end1:
_tile_overlayer_lowered:
.L_overlay_start_2:
0x46: {  	(tag) =	ssettag $0x2  }
0x47: {  	s0 =	rddreg [dreg:$0x0];
	s2 =	stileid.u32  }
0x48: {  	s1 =	rddreg [dreg:$0x1];
	p0 =	sne.s32 s2, $0x0  }
0x49: {  	s3 =	rddreg [dreg:$0x2];
	[bflag:$0x3] =	sbarrier.arrive $0xFFFF;
	s2 =	simm.s32 @!p0 $0x1C01  }
0x4a: {  	[timem:s3], [sflag:s2] =	dma.local @!p0 [hbm:s0], s1  }
0x4b: {  	s0 =	simm.s32 @!p0 $0x1  }
0x4c: {  	_ =	swait.ge @!p0 [sflag:s0], s1  }
0x4d: {  	s1 =	ssub.s32 @!p0 $0x0, s1;
	[sflag:s0] =	ssyncset.done @!p0 $0x0  }
0x4e: {  	[sflag:s0] =	ssyncadd.s32 @!p0 s1  }
0x4f: {  	[bflag:$0x3] =	sbarrier.arrive $0xFFFF  }
0x50: {  	_ =	shalt  }

</sc_bundles>
